<compile_context>
chip_gen: v7x
topology: tpu7x:2x2x1
jax: 0.10.2.dev20260603
libtpu: 0.0.44.dev20260713+nightly
codegen_flags: <defaults>
</compile_context>

<pallas_src>
import functools

import jax
import jax.numpy as jnp
from jax import lax
from jax.experimental import pallas as pl
from jax.experimental.pallas import tpu as pltpu
from jax.experimental.pallas import tpu_sc as plsc

N = 50000
C = 64
E = 800000

NSC = 2
NTILE = 16
CH = C // NSC
K = 80
CPB = 16
B = K * CPB
EPT = 49920
NBLK_LO = EPT // B
NBLK_HI = (E - (NTILE - 1) * EPT) // B
NBUF = 8
VPC = K // 16

STRIPE = 3120
LAST_STRIPE = N - (NTILE - 1) * STRIPE
NCI_LO = STRIPE // K
NCI_HI = LAST_STRIPE // K
AGG_HALF = 52000


def _sc_body(x2_hbm, src_hbm, tgt_hbm, out_hbm,
             sbufs0, sbuft0, sbufs1, sbuft1,
             rows0, rows1, rows2, rows3,
             rows4, rows5, rows6, rows7,
             sidx0, sidx1, sidx2, sidx3,
             sidx4, sidx5, sidx6, sidx7,
             acc,
             semg0, semg1, semg2, semg3,
             semg4, semg5, semg6, semg7,
             sems0, sems1, sems2, sems3,
             sems4, sems5, sems6, sems7,
             semi0, semi1):
    sc = lax.axis_index("c")
    tile = lax.axis_index("s")
    xbase = sc * AGG_HALF
    ebase = tile * EPT
    nblk = jnp.where(tile == NTILE - 1, NBLK_HI, NBLK_LO)

    sbufs = (sbufs0, sbufs1)
    sbuft = (sbuft0, sbuft1)
    semi = (semi0, semi1)
    rows = (rows0, rows1, rows2, rows3, rows4, rows5, rows6, rows7)
    sidx = (sidx0, sidx1, sidx2, sidx3, sidx4, sidx5, sidx6, sidx7)
    semg = (semg0, semg1, semg2, semg3, semg4, semg5, semg6, semg7)
    sems = (sems0, sems1, sems2, sems3, sems4, sems5, sems6, sems7)

    def _stage_start(blk, par):
        pltpu.async_copy(src_hbm.at[pl.ds(ebase + blk * B, B)],
                         sbufs[par], semi[par])
        pltpu.async_copy(tgt_hbm.at[pl.ds(ebase + blk * B, B)],
                         sbuft[par], semi[par])

    def _stage_wait(blk, par):
        pltpu.make_async_copy(src_hbm.at[pl.ds(ebase + blk * B, B)],
                              sbufs[par], semi[par]).wait()
        pltpu.make_async_copy(tgt_hbm.at[pl.ds(ebase + blk * B, B)],
                              sbuft[par], semi[par]).wait()

    def _gather_start(j, b, par):
        pltpu.async_copy(x2_hbm.at[sbufs[par].at[pl.ds(j * K, K)]],
                         rows[b], semg[b])

    def _gather_wait(j, b, par):
        pltpu.make_async_copy(x2_hbm.at[sbufs[par].at[pl.ds(j * K, K)]],
                              rows[b], semg[b]).wait()

    def _scatter_start(b):
        pltpu.async_copy(rows[b], acc.at[sidx[b]], sems[b], add=True)

    def _scatter_wait(b):
        pltpu.make_async_copy(rows[b], acc.at[sidx[b]], sems[b]).wait()

    _stage_start(0, 0)

    r0 = tile * STRIPE
    nci = jnp.where(tile == NTILE - 1, NCI_HI, NCI_LO)
    lane = lax.iota(jnp.int32, 16)

    def _ibuild(c, b):
        base = (r0 + c * K) * 2 + sc
        for v in range(VPC):
            sidx[b][pl.ds(v * 16, 16)] = base + (lane + v * 16) * 2

    def _igather_start(b):
        pltpu.async_copy(x2_hbm.at[sidx[b]], rows[b], semg[b])

    def _igather_wait(b):
        pltpu.make_async_copy(x2_hbm.at[sidx[b]], rows[b], semg[b]).wait()

    _ibuild(0, 0)
    _igather_start(0)

    def _ipair(p, carry):
        for par in range(2):
            c = p * 2 + par

            @pl.when(c < nci)
            def _():
                @pl.when(c + 1 < nci)
                def _():
                    _ibuild(c + 1, 1 - par)
                    _igather_start(1 - par)

                _igather_wait(par)
                pltpu.sync_copy(rows[par], acc.at[pl.ds(r0 + c * K, K)])
        return carry

    lax.fori_loop(0, (NCI_HI + 1) // 2, _ipair, 0)

    plsc.subcore_barrier()

    def _bias(par):
        def _bb(v, c):
            sl = pl.ds(v * 16, 16)
            sbufs[par][sl] = sbufs[par][sl] * 2 + sc
            return c

        lax.fori_loop(0, B // 16, _bb, 0, unroll=4)

    def _run_block(par):
        for jj in range(NBUF - 1):
            _gather_start(jj, jj, par)

        def _grp(gidx, c):
            for u in range(NBUF):
                j = gidx * NBUF + u
                bn = (u + NBUF - 1) % NBUF
                _gather_wait(j, u, par)
                for v in range(VPC):
                    sidx[u][pl.ds(v * 16, 16)] = (
                        sbuft[par][pl.ds(j * K + v * 16, 16)])
                _scatter_start(u)
                if u == 0:
                    @pl.when(gidx > 0)
                    def _():
                        _scatter_wait(bn)
                else:
                    _scatter_wait(bn)

                @pl.when(j < CPB - NBUF + 1)
                def _():
                    _gather_start(j + NBUF - 1, bn, par)
            return c

        lax.fori_loop(0, CPB // NBUF, _grp, 0)
        _scatter_wait(NBUF - 1)

    def _block_pair(p, carry):
        for par in range(2):
            blk = p * 2 + par

            @pl.when(blk < nblk)
            def _():
                _stage_wait(blk, par)

                @pl.when(blk + 1 < nblk)
                def _():
                    _stage_start(blk + 1, 1 - par)

                _bias(par)
                _run_block(par)
        return carry

    lax.fori_loop(0, (NBLK_HI + 1) // 2, _block_pair, 0)

    plsc.subcore_barrier()

    @pl.when(tile < NTILE - 1)
    def _():
        r0 = tile * STRIPE
        pltpu.sync_copy(acc.at[pl.ds(r0, STRIPE)],
                        out_hbm.at[pl.ds(xbase + r0, STRIPE)])

    @pl.when(tile == NTILE - 1)
    def _():
        r0 = (NTILE - 1) * STRIPE
        pltpu.sync_copy(acc.at[pl.ds(r0, LAST_STRIPE)],
                        out_hbm.at[pl.ds(xbase + r0, LAST_STRIPE)])


_sc_aggregate = functools.partial(
    pl.kernel,
    out_type=jax.ShapeDtypeStruct((NSC * AGG_HALF, CH), jnp.float32),
    mesh=plsc.VectorSubcoreMesh(core_axis_name="c", subcore_axis_name="s"),
    scratch_types=(
        [pltpu.VMEM((B,), jnp.int32)] * 4
        + [pltpu.VMEM((K, CH), jnp.float32)] * 8
        + [pltpu.VMEM((K,), jnp.int32)] * 8
        + [pltpu.VMEM_SHARED((N, CH), jnp.float32)]
        + [pltpu.SemaphoreType.DMA] * 18
    ),
    compiler_params=pltpu.CompilerParams(use_tc_tiling_on_sc=False,
                                         needs_layout_passes=False),
)(_sc_body)


_R = 4000
_GN = 13
_RP = _R // 4
_RO = _R // 4


def _post_body(a0_ref, a1_ref, n4_ref, w0_ref, w1_ref, exp_ref, out_ref):
    dn = (((1,), (0,)), ((), ()))
    hp = lax.Precision.DEFAULT
    mm = (lax.dot_general(a0_ref[...], w0_ref[...], dn, precision=hp,
                          preferred_element_type=jnp.float32)
          + lax.dot_general(a1_ref[...], w1_ref[...], dn, precision=hp,
                            preferred_element_type=jnp.float32))
    nr = lax.dot_general(n4_ref[...], exp_ref[...], dn, precision=hp,
                         preferred_element_type=jnp.float32)
    out_ref[...] = nr * mm


def _tc_post(agg, norm, w):
    agg4 = agg.reshape(NSC * AGG_HALF // 4, 4 * CH)
    norm4 = norm.reshape(N // 4, 4)
    wb = jnp.zeros((NSC, 4 * CH, 4 * C), jnp.float32)
    for i in range(4):
        wb = wb.at[:, i * CH:(i + 1) * CH, i * C:(i + 1) * C].set(
            jnp.stack([w[:CH], w[CH:]]))
    exp = jnp.zeros((4, 4 * C), jnp.float32)
    for i in range(4):
        exp = exp.at[i, i * C:(i + 1) * C].set(1.0)
    out4 = pl.pallas_call(
        _post_body,
        grid=(_GN,),
        in_specs=[
            pl.BlockSpec((_RP, 4 * CH), lambda i: (i, 0)),
            pl.BlockSpec((_RP, 4 * CH), lambda i: (i + AGG_HALF // 4 // _RP, 0)),
            pl.BlockSpec((_RO, 4), lambda i: (i, 0)),
            pl.BlockSpec((4 * CH, 4 * C), lambda i: (0, 0)),
            pl.BlockSpec((4 * CH, 4 * C), lambda i: (1, 0)),
            pl.BlockSpec((4, 4 * C), lambda i: (0, 0)),
        ],
        out_specs=pl.BlockSpec((_RO, 4 * C), lambda i: (i, 0)),
        out_shape=jax.ShapeDtypeStruct((N // 4, 4 * C), jnp.float32),
    )(agg4, agg4, norm4, wb.reshape(NSC * 4 * CH, 4 * C), wb.reshape(
        NSC * 4 * CH, 4 * C), exp)
    return out4.reshape(N, C)


def kernel(x, sources, targets, norm, W):
    src = sources.astype(jnp.int32)
    tgt = targets.astype(jnp.int32)
    x2 = x.reshape(NSC * N, CH)
    agg = _sc_aggregate(x2, src, tgt)
    return _tc_post(agg, norm, W)

# --- scband reference (transcript-rebuilt; emitter-appended) ---
"""Pipeline reference for scband-conv-12094627906068 (READ-ONLY COPY).

The authoritative reference and input builder live on the scoring server;
editing this copy changes nothing except your own understanding.
"""

import jax, jax.numpy as jnp
import numpy as np

N = 50000
E = 800000
C = 64

def setup_inputs(seed: int = 0) -> dict:
    key = jax.random.key(seed)
    k1, k2, k3, k4, k5 = jax.random.split(key, 5)
    x = jax.random.normal(k1, (N, C), dtype=jnp.float32)
    sources = jax.random.randint(k2, (E,), 0, N, dtype=jnp.int64)
    targets = jax.random.randint(k3, (E,), 0, N, dtype=jnp.int64)
    norm = jax.random.uniform(k4, (N, 1), dtype=jnp.float32)
    # Xavier-normal-ish init for the weight (gain=1, fan_in=fan_out=C)
    std = (2.0 / (C + C)) ** 0.5
    W = jax.random.normal(k5, (C, C), dtype=jnp.float32) * std
    return {"x": x, "sources": sources, "targets": targets, "norm": norm, "W": W}

def reference(x, sources, targets, norm, W):
    # x.index_add(0, targets, x[sources]) -> out-of-place scatter-add
    gathered = jnp.take(x, sources, axis=0)
    aggregated = x + jnp.zeros_like(x).at[targets].add(gathered)
    h = norm * aggregated
    return h @ W

if __name__ == "__main__":
    import jax
    _d = setup_inputs()
    print(jax.jit(kernel)(*tuple(_d.values())))

</pallas_src>

<mosaic_0001>
#map = affine_map<(d0, d1) -> (0, 0)>
#map1 = affine_map<(d0, d1) -> (0)>
module attributes {stable_mosaic.version = 14 : i64} {
  func.func @_sc_body(%arg0: i32, %arg1: i32, %arg2: memref<100000x32xf32, #tpu.memory_space<hbm>>, %arg3: memref<800000xi32, #tpu.memory_space<hbm>>, %arg4: memref<800000xi32, #tpu.memory_space<hbm>>, %arg5: memref<104000x32xf32, #tpu.memory_space<hbm>>, %arg6: memref<1280xi32, #tpu.memory_space<vmem>>, %arg7: memref<1280xi32, #tpu.memory_space<vmem>>, %arg8: memref<1280xi32, #tpu.memory_space<vmem>>, %arg9: memref<1280xi32, #tpu.memory_space<vmem>>, %arg10: memref<80x32xf32, #tpu.memory_space<vmem>>, %arg11: memref<80x32xf32, #tpu.memory_space<vmem>>, %arg12: memref<80x32xf32, #tpu.memory_space<vmem>>, %arg13: memref<80x32xf32, #tpu.memory_space<vmem>>, %arg14: memref<80x32xf32, #tpu.memory_space<vmem>>, %arg15: memref<80x32xf32, #tpu.memory_space<vmem>>, %arg16: memref<80x32xf32, #tpu.memory_space<vmem>>, %arg17: memref<80x32xf32, #tpu.memory_space<vmem>>, %arg18: memref<80xi32, #tpu.memory_space<vmem>>, %arg19: memref<80xi32, #tpu.memory_space<vmem>>, %arg20: memref<80xi32, #tpu.memory_space<vmem>>, %arg21: memref<80xi32, #tpu.memory_space<vmem>>, %arg22: memref<80xi32, #tpu.memory_space<vmem>>, %arg23: memref<80xi32, #tpu.memory_space<vmem>>, %arg24: memref<80xi32, #tpu.memory_space<vmem>>, %arg25: memref<80xi32, #tpu.memory_space<vmem>>, %arg26: memref<50000x32xf32, #tpu.memory_space<vmem_shared>>, %arg27: memref<!tpu.dma_semaphore, #tpu.memory_space<semaphore_mem>>, %arg28: memref<!tpu.dma_semaphore, #tpu.memory_space<semaphore_mem>>, %arg29: memref<!tpu.dma_semaphore, #tpu.memory_space<semaphore_mem>>, %arg30: memref<!tpu.dma_semaphore, #tpu.memory_space<semaphore_mem>>, %arg31: memref<!tpu.dma_semaphore, #tpu.memory_space<semaphore_mem>>, %arg32: memref<!tpu.dma_semaphore, #tpu.memory_space<semaphore_mem>>, %arg33: memref<!tpu.dma_semaphore, #tpu.memory_space<semaphore_mem>>, %arg34: memref<!tpu.dma_semaphore, #tpu.memory_space<semaphore_mem>>, %arg35: memref<!tpu.dma_semaphore, #tpu.memory_space<semaphore_mem>>, %arg36: memref<!tpu.dma_semaphore, #tpu.memory_space<semaphore_mem>>, %arg37: memref<!tpu.dma_semaphore, #tpu.memory_space<semaphore_mem>>, %arg38: memref<!tpu.dma_semaphore, #tpu.memory_space<semaphore_mem>>, %arg39: memref<!tpu.dma_semaphore, #tpu.memory_space<semaphore_mem>>, %arg40: memref<!tpu.dma_semaphore, #tpu.memory_space<semaphore_mem>>, %arg41: memref<!tpu.dma_semaphore, #tpu.memory_space<semaphore_mem>>, %arg42: memref<!tpu.dma_semaphore, #tpu.memory_space<semaphore_mem>>, %arg43: memref<!tpu.dma_semaphore, #tpu.memory_space<semaphore_mem>>, %arg44: memref<!tpu.dma_semaphore, #tpu.memory_space<semaphore_mem>>) attributes {dimension_semantics = [#tpu.dimension_semantics<core_parallel>, #tpu.dimension_semantics<subcore_parallel>], iteration_bounds = array<i64: 2, 16>, scalar_prefetch = 0 : i64, scratch_operands = 39 : i64, tpu.core_type = #tpu.core_type<sc_vector_subcore>, window_params = [{transform_indices = #map}, {transform_indices = #map1}, {transform_indices = #map1}, {transform_indices = #map}]} {
    %mul3A = arith.constant 52000 : i32
    %mul3A_0 = arith.muli %arg0, %mul3A : i32
    %mul3A_1 = arith.constant 49920 : i32
    %mul3A_2 = arith.muli %arg1, %mul3A_1 : i32
    %eq3A = arith.constant 15 : i32
    %eq3A_3 = arith.cmpi eq, %arg1, %eq3A : i32
    %jit3A = arith.constant 40 : i32
    %jit3A_4 = arith.constant 39 : i32
    %select_n3A = arith.select %eq3A_3, %jit3A, %jit3A_4 : i32
    %add3A = arith.constant 0 : i32
    %add3A_5 = arith.addi %mul3A_2, %add3A : i32
    %dma_start3A = tpu.memref_slice %arg3[%add3A_5] : memref<800000xi32, #tpu.memory_space<hbm>> -> memref<1280xi32, #tpu.memory_space<hbm>>
    %dma_start3A_6 = tpu.memref_slice %arg3[%add3A_5] : memref<800000xi32, #tpu.memory_space<hbm>> -> memref<1280xi32, #tpu.memory_space<hbm>>
    tpu.enqueue_dma source(%dma_start3A_6 : memref<1280xi32, #tpu.memory_space<hbm>>) target(%arg6 : memref<1280xi32, #tpu.memory_space<vmem>>) target_semaphore(%arg43 : memref<!tpu.dma_semaphore, #tpu.memory_space<semaphore_mem>>)
    %add3A_7 = arith.constant 0 : i32
    %add3A_8 = arith.addi %mul3A_2, %add3A_7 : i32
    %dma_start3A_9 = tpu.memref_slice %arg4[%add3A_8] : memref<800000xi32, #tpu.memory_space<hbm>> -> memref<1280xi32, #tpu.memory_space<hbm>>
    %dma_start3A_10 = tpu.memref_slice %arg4[%add3A_8] : memref<800000xi32, #tpu.memory_space<hbm>> -> memref<1280xi32, #tpu.memory_space<hbm>>
    tpu.enqueue_dma source(%dma_start3A_10 : memref<1280xi32, #tpu.memory_space<hbm>>) target(%arg7 : memref<1280xi32, #tpu.memory_space<vmem>>) target_semaphore(%arg43 : memref<!tpu.dma_semaphore, #tpu.memory_space<semaphore_mem>>)
    %mul3A_11 = arith.constant 3120 : i32
    %mul3A_12 = arith.muli %arg1, %mul3A_11 : i32
    %eq3A_13 = arith.constant 15 : i32
    %eq3A_14 = arith.cmpi eq, %arg1, %eq3A_13 : i32
    %jit3A_15 = arith.constant 40 : i32
    %jit3A_16 = arith.constant 39 : i32
    %select_n3A_17 = arith.select %eq3A_14, %jit3A_15, %jit3A_16 : i32
    %iota3A = tpu.iota {dimensions = array<i32: 0>} : vector<16xi32>
    %add3A_18 = arith.constant 0 : i32
    %add3A_19 = arith.addi %mul3A_12, %add3A_18 : i32
    %mul3A_20 = arith.constant 2 : i32
    %mul3A_21 = arith.muli %add3A_19, %mul3A_20 : i32
    %add3A_22 = arith.addi %mul3A_21, %arg0 : i32
    %add3A_23 = arith.constant 0 : i32
    %add3A_24 = vector.broadcast %add3A_23 : i32 to vector<16xi32>
    %add3A_25 = arith.addi %iota3A, %add3A_24 : vector<16xi32>
    %mul3A_26 = arith.constant 2 : i32
    %mul3A_27 = vector.broadcast %mul3A_26 : i32 to vector<16xi32>
    %mul3A_28 = arith.muli %add3A_25, %mul3A_27 : vector<16xi32>
    %add3A_29 = vector.broadcast %add3A_22 : i32 to vector<16xi32>
    %add3A_30 = arith.addi %add3A_29, %mul3A_28 : vector<16xi32>
    %swap3A = arith.constant 0 : index
    %swap3A_31 = tpu.vector_load %arg18[%swap3A] {strides = array<i32>} : memref<80xi32, #tpu.memory_space<vmem>>, vector<16xi32>,
    tpu.vector_store %arg18[%swap3A], %add3A_30 {strides = array<i32>} : memref<80xi32, #tpu.memory_space<vmem>>, vector<16xi32>,
    %add3A_32 = arith.constant 16 : i32
    %add3A_33 = vector.broadcast %add3A_32 : i32 to vector<16xi32>
    %add3A_34 = arith.addi %iota3A, %add3A_33 : vector<16xi32>
    %mul3A_35 = arith.constant 2 : i32
    %mul3A_36 = vector.broadcast %mul3A_35 : i32 to vector<16xi32>
    %mul3A_37 = arith.muli %add3A_34, %mul3A_36 : vector<16xi32>
    %add3A_38 = vector.broadcast %add3A_22 : i32 to vector<16xi32>
    %add3A_39 = arith.addi %add3A_38, %mul3A_37 : vector<16xi32>
    %swap3A_40 = arith.constant 16 : index
    %swap3A_41 = tpu.vector_load %arg18[%swap3A_40] {strides = array<i32>} : memref<80xi32, #tpu.memory_space<vmem>>, vector<16xi32>,
    tpu.vector_store %arg18[%swap3A_40], %add3A_39 {strides = array<i32>} : memref<80xi32, #tpu.memory_space<vmem>>, vector<16xi32>,
    %add3A_42 = arith.constant 32 : i32
    %add3A_43 = vector.broadcast %add3A_42 : i32 to vector<16xi32>
    %add3A_44 = arith.addi %iota3A, %add3A_43 : vector<16xi32>
    %mul3A_45 = arith.constant 2 : i32
    %mul3A_46 = vector.broadcast %mul3A_45 : i32 to vector<16xi32>
    %mul3A_47 = arith.muli %add3A_44, %mul3A_46 : vector<16xi32>
    %add3A_48 = vector.broadcast %add3A_22 : i32 to vector<16xi32>
    %add3A_49 = arith.addi %add3A_48, %mul3A_47 : vector<16xi32>
    %swap3A_50 = arith.constant 32 : index
    %swap3A_51 = tpu.vector_load %arg18[%swap3A_50] {strides = array<i32>} : memref<80xi32, #tpu.memory_space<vmem>>, vector<16xi32>,
    tpu.vector_store %arg18[%swap3A_50], %add3A_49 {strides = array<i32>} : memref<80xi32, #tpu.memory_space<vmem>>, vector<16xi32>,
    %add3A_52 = arith.constant 48 : i32
    %add3A_53 = vector.broadcast %add3A_52 : i32 to vector<16xi32>
    %add3A_54 = arith.addi %iota3A, %add3A_53 : vector<16xi32>
    %mul3A_55 = arith.constant 2 : i32
    %mul3A_56 = vector.broadcast %mul3A_55 : i32 to vector<16xi32>
    %mul3A_57 = arith.muli %add3A_54, %mul3A_56 : vector<16xi32>
    %add3A_58 = vector.broadcast %add3A_22 : i32 to vector<16xi32>
    %add3A_59 = arith.addi %add3A_58, %mul3A_57 : vector<16xi32>
    %swap3A_60 = arith.constant 48 : index
    %swap3A_61 = tpu.vector_load %arg18[%swap3A_60] {strides = array<i32>} : memref<80xi32, #tpu.memory_space<vmem>>, vector<16xi32>,
    tpu.vector_store %arg18[%swap3A_60], %add3A_59 {strides = array<i32>} : memref<80xi32, #tpu.memory_space<vmem>>, vector<16xi32>,
    %add3A_62 = arith.constant 64 : i32
    %add3A_63 = vector.broadcast %add3A_62 : i32 to vector<16xi32>
    %add3A_64 = arith.addi %iota3A, %add3A_63 : vector<16xi32>
    %mul3A_65 = arith.constant 2 : i32
    %mul3A_66 = vector.broadcast %mul3A_65 : i32 to vector<16xi32>
    %mul3A_67 = arith.muli %add3A_64, %mul3A_66 : vector<16xi32>
    %add3A_68 = vector.broadcast %add3A_22 : i32 to vector<16xi32>
    %add3A_69 = arith.addi %add3A_68, %mul3A_67 : vector<16xi32>
    %swap3A_70 = arith.constant 64 : index
    %swap3A_71 = tpu.vector_load %arg18[%swap3A_70] {strides = array<i32>} : memref<80xi32, #tpu.memory_space<vmem>>, vector<16xi32>,
    tpu.vector_store %arg18[%swap3A_70], %add3A_69 {strides = array<i32>} : memref<80xi32, #tpu.memory_space<vmem>>, vector<16xi32>,
    %dma_start3A_72 = arith.constant 0 : i32
    %dma_start3A_73 = arith.constant 0 : i32
    %dma_start3A_74 = tpu.memref_slice %arg2[%dma_start3A_72, %dma_start3A_73] : memref<100000x32xf32, #tpu.memory_space<hbm>> -> memref<100000x32xf32, #tpu.memory_space<hbm>>
    tpu.enqueue_indirect_dma source(%dma_start3A_74 : memref<100000x32xf32, #tpu.memory_space<hbm>>) target(%arg10 : memref<80x32xf32, #tpu.memory_space<vmem>>) offsets(%arg18 : memref<80xi32, #tpu.memory_space<vmem>>) semaphore(%arg27 : memref<!tpu.dma_semaphore, #tpu.memory_space<semaphore_mem>>)
    %scan3A = arith.constant 0 : i32
    %scan3A_75 = arith.constant 0 : i32
    %scan3A_76 = arith.constant 20 : i32
    %scan3A_77 = arith.addi %scan3A_75, %scan3A_76 : i32
    %scan3A_78 = arith.constant 1 : i32
    scf.for %scan3A_94 = %scan3A_75 to %scan3A_77 step %scan3A_78  : i32 {
      %mul3A_95 = arith.constant 2 : i32
      %mul3A_96 = arith.muli %scan3A_94, %mul3A_95 : i32
      %add3A_97 = arith.constant 0 : i32
      %add3A_98 = arith.addi %mul3A_96, %add3A_97 : i32
      %lt3A_99 = arith.cmpi slt, %add3A_98, %select_n3A_17 : i32
      %convert_element_type3A_100 = arith.extui %lt3A_99 : i1 to i32
      %cond3A_101 = arith.constant 0 : i32
      %cond3A_102 = arith.cmpi ne, %convert_element_type3A_100, %cond3A_101 : i32
      scf.if %cond3A_102 {
        %add3A_111 = arith.constant 1 : i32
        %add3A_112 = arith.addi %add3A_98, %add3A_111 : i32
        %lt3A_113 = arith.cmpi slt, %add3A_112, %select_n3A_17 : i32
        %convert_element_type3A_114 = arith.extui %lt3A_113 : i1 to i32
        %cond3A_115 = arith.constant 0 : i32
        %cond3A_116 = arith.cmpi ne, %convert_element_type3A_114, %cond3A_115 : i32
        scf.if %cond3A_116 {
          %add3A_122 = arith.constant 1 : i32
          %add3A_123 = arith.addi %add3A_98, %add3A_122 : i32
          %mul3A_124 = arith.constant 80 : i32
          %mul3A_125 = arith.muli %add3A_123, %mul3A_124 : i32
          %add3A_126 = arith.addi %mul3A_12, %mul3A_125 : i32
          %mul3A_127 = arith.constant 2 : i32
          %mul3A_128 = arith.muli %add3A_126, %mul3A_127 : i32
          %add3A_129 = arith.addi %mul3A_128, %arg0 : i32
          %add3A_130 = arith.constant 0 : i32
          %add3A_131 = vector.broadcast %add3A_130 : i32 to vector<16xi32>
          %add3A_132 = arith.addi %iota3A, %add3A_131 : vector<16xi32>
          %mul3A_133 = arith.constant 2 : i32
          %mul3A_134 = vector.broadcast %mul3A_133 : i32 to vector<16xi32>
          %mul3A_135 = arith.muli %add3A_132, %mul3A_134 : vector<16xi32>
          %add3A_136 = vector.broadcast %add3A_129 : i32 to vector<16xi32>
          %add3A_137 = arith.addi %add3A_136, %mul3A_135 : vector<16xi32>
          %swap3A_138 = arith.constant 0 : index
          %swap3A_139 = tpu.vector_load %arg19[%swap3A_138] {strides = array<i32>} : memref<80xi32, #tpu.memory_space<vmem>>, vector<16xi32>,
          tpu.vector_store %arg19[%swap3A_138], %add3A_137 {strides = array<i32>} : memref<80xi32, #tpu.memory_space<vmem>>, vector<16xi32>,
          %add3A_140 = arith.constant 16 : i32
          %add3A_141 = vector.broadcast %add3A_140 : i32 to vector<16xi32>
          %add3A_142 = arith.addi %iota3A, %add3A_141 : vector<16xi32>
          %mul3A_143 = arith.constant 2 : i32
          %mul3A_144 = vector.broadcast %mul3A_143 : i32 to vector<16xi32>
          %mul3A_145 = arith.muli %add3A_142, %mul3A_144 : vector<16xi32>
          %add3A_146 = vector.broadcast %add3A_129 : i32 to vector<16xi32>
          %add3A_147 = arith.addi %add3A_146, %mul3A_145 : vector<16xi32>
          %swap3A_148 = arith.constant 16 : index
          %swap3A_149 = tpu.vector_load %arg19[%swap3A_148] {strides = array<i32>} : memref<80xi32, #tpu.memory_space<vmem>>, vector<16xi32>,
          tpu.vector_store %arg19[%swap3A_148], %add3A_147 {strides = array<i32>} : memref<80xi32, #tpu.memory_space<vmem>>, vector<16xi32>,
          %add3A_150 = arith.constant 32 : i32
          %add3A_151 = vector.broadcast %add3A_150 : i32 to vector<16xi32>
          %add3A_152 = arith.addi %iota3A, %add3A_151 : vector<16xi32>
          %mul3A_153 = arith.constant 2 : i32
          %mul3A_154 = vector.broadcast %mul3A_153 : i32 to vector<16xi32>
          %mul3A_155 = arith.muli %add3A_152, %mul3A_154 : vector<16xi32>
          %add3A_156 = vector.broadcast %add3A_129 : i32 to vector<16xi32>
          %add3A_157 = arith.addi %add3A_156, %mul3A_155 : vector<16xi32>
          %swap3A_158 = arith.constant 32 : index
          %swap3A_159 = tpu.vector_load %arg19[%swap3A_158] {strides = array<i32>} : memref<80xi32, #tpu.memory_space<vmem>>, vector<16xi32>,
          tpu.vector_store %arg19[%swap3A_158], %add3A_157 {strides = array<i32>} : memref<80xi32, #tpu.memory_space<vmem>>, vector<16xi32>,
          %add3A_160 = arith.constant 48 : i32
          %add3A_161 = vector.broadcast %add3A_160 : i32 to vector<16xi32>
          %add3A_162 = arith.addi %iota3A, %add3A_161 : vector<16xi32>
          %mul3A_163 = arith.constant 2 : i32
          %mul3A_164 = vector.broadcast %mul3A_163 : i32 to vector<16xi32>
          %mul3A_165 = arith.muli %add3A_162, %mul3A_164 : vector<16xi32>
          %add3A_166 = vector.broadcast %add3A_129 : i32 to vector<16xi32>
          %add3A_167 = arith.addi %add3A_166, %mul3A_165 : vector<16xi32>
          %swap3A_168 = arith.constant 48 : index
          %swap3A_169 = tpu.vector_load %arg19[%swap3A_168] {strides = array<i32>} : memref<80xi32, #tpu.memory_space<vmem>>, vector<16xi32>,
          tpu.vector_store %arg19[%swap3A_168], %add3A_167 {strides = array<i32>} : memref<80xi32, #tpu.memory_space<vmem>>, vector<16xi32>,
          %add3A_170 = arith.constant 64 : i32
          %add3A_171 = vector.broadcast %add3A_170 : i32 to vector<16xi32>
          %add3A_172 = arith.addi %iota3A, %add3A_171 : vector<16xi32>
          %mul3A_173 = arith.constant 2 : i32
          %mul3A_174 = vector.broadcast %mul3A_173 : i32 to vector<16xi32>
          %mul3A_175 = arith.muli %add3A_172, %mul3A_174 : vector<16xi32>
          %add3A_176 = vector.broadcast %add3A_129 : i32 to vector<16xi32>
          %add3A_177 = arith.addi %add3A_176, %mul3A_175 : vector<16xi32>
          %swap3A_178 = arith.constant 64 : index
          %swap3A_179 = tpu.vector_load %arg19[%swap3A_178] {strides = array<i32>} : memref<80xi32, #tpu.memory_space<vmem>>, vector<16xi32>,
          tpu.vector_store %arg19[%swap3A_178], %add3A_177 {strides = array<i32>} : memref<80xi32, #tpu.memory_space<vmem>>, vector<16xi32>,
          %dma_start3A_180 = arith.constant 0 : i32
          %dma_start3A_181 = arith.constant 0 : i32
          %dma_start3A_182 = tpu.memref_slice %arg2[%dma_start3A_180, %dma_start3A_181] : memref<100000x32xf32, #tpu.memory_space<hbm>> -> memref<100000x32xf32, #tpu.memory_space<hbm>>
          tpu.enqueue_indirect_dma source(%dma_start3A_182 : memref<100000x32xf32, #tpu.memory_space<hbm>>) target(%arg11 : memref<80x32xf32, #tpu.memory_space<vmem>>) offsets(%arg19 : memref<80xi32, #tpu.memory_space<vmem>>) semaphore(%arg28 : memref<!tpu.dma_semaphore, #tpu.memory_space<semaphore_mem>>)
        } else {
        }
        %dma_wait3A = arith.constant 0 : i32
        %dma_wait3A_117 = arith.constant 0 : i32
        %dma_wait3A_118 = tpu.memref_slice %arg2[%dma_wait3A, %dma_wait3A_117] : memref<100000x32xf32, #tpu.memory_space<hbm>> -> memref<100000x32xf32, #tpu.memory_space<hbm>>
        tpu.wait_indirect_dma semaphore(%arg27 : memref<!tpu.dma_semaphore, #tpu.memory_space<semaphore_mem>>) src(%dma_wait3A_118 : memref<100000x32xf32, #tpu.memory_space<hbm>>) dst(%arg10 : memref<80x32xf32, #tpu.memory_space<vmem>>)
        %mul3A_119 = arith.constant 80 : i32
        %mul3A_120 = arith.muli %add3A_98, %mul3A_119 : i32
        %add3A_121 = arith.addi %mul3A_12, %mul3A_120 : i32
        "tpu.region"() ({
          %run_scoped3A = tpu.sem_alloc : memref<!tpu.dma_semaphore, #tpu.memory_space<semaphore_mem>>
          %dma_start3A_122 = arith.constant 0 : i32
          %dma_start3A_123 = tpu.memref_slice %arg26[%add3A_121, %dma_start3A_122] : memref<50000x32xf32, #tpu.memory_space<vmem_shared>> -> memref<80x32xf32, #tpu.memory_space<vmem_shared>>
          %dma_start3A_124 = arith.constant 0 : i32
          %dma_start3A_125 = tpu.memref_slice %arg26[%add3A_121, %dma_start3A_124] : memref<50000x32xf32, #tpu.memory_space<vmem_shared>> -> memref<80x32xf32, #tpu.memory_space<vmem_shared>>
          tpu.enqueue_dma source(%arg10 : memref<80x32xf32, #tpu.memory_space<vmem>>) target(%dma_start3A_125 : memref<80x32xf32, #tpu.memory_space<vmem_shared>>) target_semaphore(%run_scoped3A : memref<!tpu.dma_semaphore, #tpu.memory_space<semaphore_mem>>)
          %dma_wait3A_126 = arith.constant 0 : i32
          %dma_wait3A_127 = tpu.memref_slice %arg26[%add3A_121, %dma_wait3A_126] : memref<50000x32xf32, #tpu.memory_space<vmem_shared>> -> memref<80x32xf32, #tpu.memory_space<vmem_shared>>
          %dma_wait3A_128 = arith.constant 0 : i32
          %dma_wait3A_129 = tpu.memref_slice %arg26[%add3A_121, %dma_wait3A_128] : memref<50000x32xf32, #tpu.memory_space<vmem_shared>> -> memref<80x32xf32, #tpu.memory_space<vmem_shared>>
          tpu.wait_dma2 semaphore(%run_scoped3A : memref<!tpu.dma_semaphore, #tpu.memory_space<semaphore_mem>>) src(%arg10 : memref<80x32xf32, #tpu.memory_space<vmem>>) dst(%dma_wait3A_129 : memref<80x32xf32, #tpu.memory_space<vmem_shared>>)
          tpu.yield
        }) : () -> ()
      } else {
      }
      %mul3A_103 = arith.constant 2 : i32
      %mul3A_104 = arith.muli %scan3A_94, %mul3A_103 : i32
      %add3A_105 = arith.constant 1 : i32
      %add3A_106 = arith.addi %mul3A_104, %add3A_105 : i32
      %lt3A_107 = arith.cmpi slt, %add3A_106, %select_n3A_17 : i32
      %convert_element_type3A_108 = arith.extui %lt3A_107 : i1 to i32
      %cond3A_109 = arith.constant 0 : i32
      %cond3A_110 = arith.cmpi ne, %convert_element_type3A_108, %cond3A_109 : i32
      scf.if %cond3A_110 {
        %add3A_111 = arith.constant 1 : i32
        %add3A_112 = arith.addi %add3A_106, %add3A_111 : i32
        %lt3A_113 = arith.cmpi slt, %add3A_112, %select_n3A_17 : i32
        %convert_element_type3A_114 = arith.extui %lt3A_113 : i1 to i32
        %cond3A_115 = arith.constant 0 : i32
        %cond3A_116 = arith.cmpi ne, %convert_element_type3A_114, %cond3A_115 : i32
        scf.if %cond3A_116 {
          %add3A_122 = arith.constant 1 : i32
          %add3A_123 = arith.addi %add3A_106, %add3A_122 : i32
          %mul3A_124 = arith.constant 80 : i32
          %mul3A_125 = arith.muli %add3A_123, %mul3A_124 : i32
          %add3A_126 = arith.addi %mul3A_12, %mul3A_125 : i32
          %mul3A_127 = arith.constant 2 : i32
          %mul3A_128 = arith.muli %add3A_126, %mul3A_127 : i32
          %add3A_129 = arith.addi %mul3A_128, %arg0 : i32
          %add3A_130 = arith.constant 0 : i32
          %add3A_131 = vector.broadcast %add3A_130 : i32 to vector<16xi32>
          %add3A_132 = arith.addi %iota3A, %add3A_131 : vector<16xi32>
          %mul3A_133 = arith.constant 2 : i32
          %mul3A_134 = vector.broadcast %mul3A_133 : i32 to vector<16xi32>
          %mul3A_135 = arith.muli %add3A_132, %mul3A_134 : vector<16xi32>
          %add3A_136 = vector.broadcast %add3A_129 : i32 to vector<16xi32>
          %add3A_137 = arith.addi %add3A_136, %mul3A_135 : vector<16xi32>
          %swap3A_138 = arith.constant 0 : index
          %swap3A_139 = tpu.vector_load %arg18[%swap3A_138] {strides = array<i32>} : memref<80xi32, #tpu.memory_space<vmem>>, vector<16xi32>,
          tpu.vector_store %arg18[%swap3A_138], %add3A_137 {strides = array<i32>} : memref<80xi32, #tpu.memory_space<vmem>>, vector<16xi32>,
          %add3A_140 = arith.constant 16 : i32
          %add3A_141 = vector.broadcast %add3A_140 : i32 to vector<16xi32>
          %add3A_142 = arith.addi %iota3A, %add3A_141 : vector<16xi32>
          %mul3A_143 = arith.constant 2 : i32
          %mul3A_144 = vector.broadcast %mul3A_143 : i32 to vector<16xi32>
          %mul3A_145 = arith.muli %add3A_142, %mul3A_144 : vector<16xi32>
          %add3A_146 = vector.broadcast %add3A_129 : i32 to vector<16xi32>
          %add3A_147 = arith.addi %add3A_146, %mul3A_145 : vector<16xi32>
          %swap3A_148 = arith.constant 16 : index
          %swap3A_149 = tpu.vector_load %arg18[%swap3A_148] {strides = array<i32>} : memref<80xi32, #tpu.memory_space<vmem>>, vector<16xi32>,
          tpu.vector_store %arg18[%swap3A_148], %add3A_147 {strides = array<i32>} : memref<80xi32, #tpu.memory_space<vmem>>, vector<16xi32>,
          %add3A_150 = arith.constant 32 : i32
          %add3A_151 = vector.broadcast %add3A_150 : i32 to vector<16xi32>
          %add3A_152 = arith.addi %iota3A, %add3A_151 : vector<16xi32>
          %mul3A_153 = arith.constant 2 : i32
          %mul3A_154 = vector.broadcast %mul3A_153 : i32 to vector<16xi32>
          %mul3A_155 = arith.muli %add3A_152, %mul3A_154 : vector<16xi32>
          %add3A_156 = vector.broadcast %add3A_129 : i32 to vector<16xi32>
          %add3A_157 = arith.addi %add3A_156, %mul3A_155 : vector<16xi32>
          %swap3A_158 = arith.constant 32 : index
          %swap3A_159 = tpu.vector_load %arg18[%swap3A_158] {strides = array<i32>} : memref<80xi32, #tpu.memory_space<vmem>>, vector<16xi32>,
          tpu.vector_store %arg18[%swap3A_158], %add3A_157 {strides = array<i32>} : memref<80xi32, #tpu.memory_space<vmem>>, vector<16xi32>,
          %add3A_160 = arith.constant 48 : i32
          %add3A_161 = vector.broadcast %add3A_160 : i32 to vector<16xi32>
          %add3A_162 = arith.addi %iota3A, %add3A_161 : vector<16xi32>
          %mul3A_163 = arith.constant 2 : i32
          %mul3A_164 = vector.broadcast %mul3A_163 : i32 to vector<16xi32>
          %mul3A_165 = arith.muli %add3A_162, %mul3A_164 : vector<16xi32>
          %add3A_166 = vector.broadcast %add3A_129 : i32 to vector<16xi32>
          %add3A_167 = arith.addi %add3A_166, %mul3A_165 : vector<16xi32>
          %swap3A_168 = arith.constant 48 : index
          %swap3A_169 = tpu.vector_load %arg18[%swap3A_168] {strides = array<i32>} : memref<80xi32, #tpu.memory_space<vmem>>, vector<16xi32>,
          tpu.vector_store %arg18[%swap3A_168], %add3A_167 {strides = array<i32>} : memref<80xi32, #tpu.memory_space<vmem>>, vector<16xi32>,
          %add3A_170 = arith.constant 64 : i32
          %add3A_171 = vector.broadcast %add3A_170 : i32 to vector<16xi32>
          %add3A_172 = arith.addi %iota3A, %add3A_171 : vector<16xi32>
          %mul3A_173 = arith.constant 2 : i32
          %mul3A_174 = vector.broadcast %mul3A_173 : i32 to vector<16xi32>
          %mul3A_175 = arith.muli %add3A_172, %mul3A_174 : vector<16xi32>
          %add3A_176 = vector.broadcast %add3A_129 : i32 to vector<16xi32>
          %add3A_177 = arith.addi %add3A_176, %mul3A_175 : vector<16xi32>
          %swap3A_178 = arith.constant 64 : index
          %swap3A_179 = tpu.vector_load %arg18[%swap3A_178] {strides = array<i32>} : memref<80xi32, #tpu.memory_space<vmem>>, vector<16xi32>,
          tpu.vector_store %arg18[%swap3A_178], %add3A_177 {strides = array<i32>} : memref<80xi32, #tpu.memory_space<vmem>>, vector<16xi32>,
          %dma_start3A_180 = arith.constant 0 : i32
          %dma_start3A_181 = arith.constant 0 : i32
          %dma_start3A_182 = tpu.memref_slice %arg2[%dma_start3A_180, %dma_start3A_181] : memref<100000x32xf32, #tpu.memory_space<hbm>> -> memref<100000x32xf32, #tpu.memory_space<hbm>>
          tpu.enqueue_indirect_dma source(%dma_start3A_182 : memref<100000x32xf32, #tpu.memory_space<hbm>>) target(%arg10 : memref<80x32xf32, #tpu.memory_space<vmem>>) offsets(%arg18 : memref<80xi32, #tpu.memory_space<vmem>>) semaphore(%arg27 : memref<!tpu.dma_semaphore, #tpu.memory_space<semaphore_mem>>)
        } else {
        }
        %dma_wait3A = arith.constant 0 : i32
        %dma_wait3A_117 = arith.constant 0 : i32
        %dma_wait3A_118 = tpu.memref_slice %arg2[%dma_wait3A, %dma_wait3A_117] : memref<100000x32xf32, #tpu.memory_space<hbm>> -> memref<100000x32xf32, #tpu.memory_space<hbm>>
        tpu.wait_indirect_dma semaphore(%arg28 : memref<!tpu.dma_semaphore, #tpu.memory_space<semaphore_mem>>) src(%dma_wait3A_118 : memref<100000x32xf32, #tpu.memory_space<hbm>>) dst(%arg11 : memref<80x32xf32, #tpu.memory_space<vmem>>)
        %mul3A_119 = arith.constant 80 : i32
        %mul3A_120 = arith.muli %add3A_106, %mul3A_119 : i32
        %add3A_121 = arith.addi %mul3A_12, %mul3A_120 : i32
        "tpu.region"() ({
          %run_scoped3A = tpu.sem_alloc : memref<!tpu.dma_semaphore, #tpu.memory_space<semaphore_mem>>
          %dma_start3A_122 = arith.constant 0 : i32
          %dma_start3A_123 = tpu.memref_slice %arg26[%add3A_121, %dma_start3A_122] : memref<50000x32xf32, #tpu.memory_space<vmem_shared>> -> memref<80x32xf32, #tpu.memory_space<vmem_shared>>
          %dma_start3A_124 = arith.constant 0 : i32
          %dma_start3A_125 = tpu.memref_slice %arg26[%add3A_121, %dma_start3A_124] : memref<50000x32xf32, #tpu.memory_space<vmem_shared>> -> memref<80x32xf32, #tpu.memory_space<vmem_shared>>
          tpu.enqueue_dma source(%arg11 : memref<80x32xf32, #tpu.memory_space<vmem>>) target(%dma_start3A_125 : memref<80x32xf32, #tpu.memory_space<vmem_shared>>) target_semaphore(%run_scoped3A : memref<!tpu.dma_semaphore, #tpu.memory_space<semaphore_mem>>)
          %dma_wait3A_126 = arith.constant 0 : i32
          %dma_wait3A_127 = tpu.memref_slice %arg26[%add3A_121, %dma_wait3A_126] : memref<50000x32xf32, #tpu.memory_space<vmem_shared>> -> memref<80x32xf32, #tpu.memory_space<vmem_shared>>
          %dma_wait3A_128 = arith.constant 0 : i32
          %dma_wait3A_129 = tpu.memref_slice %arg26[%add3A_121, %dma_wait3A_128] : memref<50000x32xf32, #tpu.memory_space<vmem_shared>> -> memref<80x32xf32, #tpu.memory_space<vmem_shared>>
          tpu.wait_dma2 semaphore(%run_scoped3A : memref<!tpu.dma_semaphore, #tpu.memory_space<semaphore_mem>>) src(%arg11 : memref<80x32xf32, #tpu.memory_space<vmem>>) dst(%dma_wait3A_129 : memref<80x32xf32, #tpu.memory_space<vmem_shared>>)
          tpu.yield
        }) : () -> ()
      } else {
      }
    }
    %scan3A_79 = arith.constant 20 : i32
    %barrier3A = arith.constant 0 : index
    tpu.barrier barrier_id(%barrier3A)
    %scan3A_80 = arith.constant 0 : i32
    %scan3A_81 = arith.constant 0 : i32
    %scan3A_82 = arith.constant 20 : i32
    %scan3A_83 = arith.addi %scan3A_81, %scan3A_82 : i32
    %scan3A_84 = arith.constant 1 : i32
    scf.for %scan3A_94 = %scan3A_81 to %scan3A_83 step %scan3A_84  : i32 {
      %mul3A_95 = arith.constant 2 : i32
      %mul3A_96 = arith.muli %scan3A_94, %mul3A_95 : i32
      %add3A_97 = arith.constant 0 : i32
      %add3A_98 = arith.addi %mul3A_96, %add3A_97 : i32
      %lt3A_99 = arith.cmpi slt, %add3A_98, %select_n3A : i32
      %convert_element_type3A_100 = arith.extui %lt3A_99 : i1 to i32
      %cond3A_101 = arith.constant 0 : i32
      %cond3A_102 = arith.cmpi ne, %convert_element_type3A_100, %cond3A_101 : i32
      scf.if %cond3A_102 {
        %mul3A_111 = arith.constant 1280 : i32
        %mul3A_112 = arith.muli %add3A_98, %mul3A_111 : i32
        %add3A_113 = arith.addi %mul3A_2, %mul3A_112 : i32
        %dma_wait3A = tpu.memref_slice %arg3[%add3A_113] : memref<800000xi32, #tpu.memory_space<hbm>> -> memref<1280xi32, #tpu.memory_space<hbm>>
        %dma_wait3A_114 = tpu.memref_slice %arg3[%add3A_113] : memref<800000xi32, #tpu.memory_space<hbm>> -> memref<1280xi32, #tpu.memory_space<hbm>>
        tpu.wait_dma2 semaphore(%arg43 : memref<!tpu.dma_semaphore, #tpu.memory_space<semaphore_mem>>) src(%dma_wait3A_114 : memref<1280xi32, #tpu.memory_space<hbm>>) dst(%arg6 : memref<1280xi32, #tpu.memory_space<vmem>>)
        %mul3A_115 = arith.constant 1280 : i32
        %mul3A_116 = arith.muli %add3A_98, %mul3A_115 : i32
        %add3A_117 = arith.addi %mul3A_2, %mul3A_116 : i32
        %dma_wait3A_118 = tpu.memref_slice %arg4[%add3A_117] : memref<800000xi32, #tpu.memory_space<hbm>> -> memref<1280xi32, #tpu.memory_space<hbm>>
        %dma_wait3A_119 = tpu.memref_slice %arg4[%add3A_117] : memref<800000xi32, #tpu.memory_space<hbm>> -> memref<1280xi32, #tpu.memory_space<hbm>>
        tpu.wait_dma2 semaphore(%arg43 : memref<!tpu.dma_semaphore, #tpu.memory_space<semaphore_mem>>) src(%dma_wait3A_119 : memref<1280xi32, #tpu.memory_space<hbm>>) dst(%arg7 : memref<1280xi32, #tpu.memory_space<vmem>>)
        %add3A_120 = arith.constant 1 : i32
        %add3A_121 = arith.addi %add3A_98, %add3A_120 : i32
        %lt3A_122 = arith.cmpi slt, %add3A_121, %select_n3A : i32
        %convert_element_type3A_123 = arith.extui %lt3A_122 : i1 to i32
        %cond3A_124 = arith.constant 0 : i32
        %cond3A_125 = arith.cmpi ne, %convert_element_type3A_123, %cond3A_124 : i32
        scf.if %cond3A_125 {
          %add3A_176 = arith.constant 1 : i32
          %add3A_177 = arith.addi %add3A_98, %add3A_176 : i32
          %mul3A_178 = arith.constant 1280 : i32
          %mul3A_179 = arith.muli %add3A_177, %mul3A_178 : i32
          %add3A_180 = arith.addi %mul3A_2, %mul3A_179 : i32
          %dma_start3A_181 = tpu.memref_slice %arg3[%add3A_180] : memref<800000xi32, #tpu.memory_space<hbm>> -> memref<1280xi32, #tpu.memory_space<hbm>>
          %dma_start3A_182 = tpu.memref_slice %arg3[%add3A_180] : memref<800000xi32, #tpu.memory_space<hbm>> -> memref<1280xi32, #tpu.memory_space<hbm>>
          tpu.enqueue_dma source(%dma_start3A_182 : memref<1280xi32, #tpu.memory_space<hbm>>) target(%arg8 : memref<1280xi32, #tpu.memory_space<vmem>>) target_semaphore(%arg44 : memref<!tpu.dma_semaphore, #tpu.memory_space<semaphore_mem>>)
          %mul3A_183 = arith.constant 1280 : i32
          %mul3A_184 = arith.muli %add3A_177, %mul3A_183 : i32
          %add3A_185 = arith.addi %mul3A_2, %mul3A_184 : i32
          %dma_start3A_186 = tpu.memref_slice %arg4[%add3A_185] : memref<800000xi32, #tpu.memory_space<hbm>> -> memref<1280xi32, #tpu.memory_space<hbm>>
          %dma_start3A_187 = tpu.memref_slice %arg4[%add3A_185] : memref<800000xi32, #tpu.memory_space<hbm>> -> memref<1280xi32, #tpu.memory_space<hbm>>
          tpu.enqueue_dma source(%dma_start3A_187 : memref<1280xi32, #tpu.memory_space<hbm>>) target(%arg9 : memref<1280xi32, #tpu.memory_space<vmem>>) target_semaphore(%arg44 : memref<!tpu.dma_semaphore, #tpu.memory_space<semaphore_mem>>)
        } else {
        }
        %scan3A_126 = arith.constant 0 : i32
        %scan3A_127 = arith.constant 0 : i32
        %scan3A_128 = arith.constant 80 : i32
        %scan3A_129 = arith.addi %scan3A_127, %scan3A_128 : i32
        %scan3A_130 = arith.constant 4 : i32
        scf.for %scan3A_176 = %scan3A_127 to %scan3A_129 step %scan3A_130  : i32 {
          %mul3A_177 = arith.constant 16 : i32
          %mul3A_178 = arith.muli %scan3A_176, %mul3A_177 : i32
          %get3A = arith.index_cast %mul3A_178 : i32 to index
          %get3A_179 = tpu.vector_load %arg6[%get3A] {strides = array<i32>} : memref<1280xi32, #tpu.memory_space<vmem>>, vector<16xi32>,
          %mul3A_180 = arith.constant 2 : i32
          %mul3A_181 = vector.broadcast %mul3A_180 : i32 to vector<16xi32>
          %mul3A_182 = arith.muli %get3A_179, %mul3A_181 : vector<16xi32>
          %add3A_183 = vector.broadcast %arg0 : i32 to vector<16xi32>
          %add3A_184 = arith.addi %mul3A_182, %add3A_183 : vector<16xi32>
          %swap3A_185 = arith.index_cast %mul3A_178 : i32 to index
          %swap3A_186 = tpu.vector_load %arg6[%swap3A_185] {strides = array<i32>} : memref<1280xi32, #tpu.memory_space<vmem>>, vector<16xi32>,
          tpu.vector_store %arg6[%swap3A_185], %add3A_184 {strides = array<i32>} : memref<1280xi32, #tpu.memory_space<vmem>>, vector<16xi32>,
          %scan3A_187 = arith.constant 1 : i32
          %scan3A_188 = arith.addi %scan3A_176, %scan3A_187 : i32
          %mul3A_189 = arith.constant 16 : i32
          %mul3A_190 = arith.muli %scan3A_188, %mul3A_189 : i32
          %get3A_191 = arith.index_cast %mul3A_190 : i32 to index
          %get3A_192 = tpu.vector_load %arg6[%get3A_191] {strides = array<i32>} : memref<1280xi32, #tpu.memory_space<vmem>>, vector<16xi32>,
          %mul3A_193 = arith.constant 2 : i32
          %mul3A_194 = vector.broadcast %mul3A_193 : i32 to vector<16xi32>
          %mul3A_195 = arith.muli %get3A_192, %mul3A_194 : vector<16xi32>
          %add3A_196 = vector.broadcast %arg0 : i32 to vector<16xi32>
          %add3A_197 = arith.addi %mul3A_195, %add3A_196 : vector<16xi32>
          %swap3A_198 = arith.index_cast %mul3A_190 : i32 to index
          %swap3A_199 = tpu.vector_load %arg6[%swap3A_198] {strides = array<i32>} : memref<1280xi32, #tpu.memory_space<vmem>>, vector<16xi32>,
          tpu.vector_store %arg6[%swap3A_198], %add3A_197 {strides = array<i32>} : memref<1280xi32, #tpu.memory_space<vmem>>, vector<16xi32>,
          %scan3A_200 = arith.constant 2 : i32
          %scan3A_201 = arith.addi %scan3A_176, %scan3A_200 : i32
          %mul3A_202 = arith.constant 16 : i32
          %mul3A_203 = arith.muli %scan3A_201, %mul3A_202 : i32
          %get3A_204 = arith.index_cast %mul3A_203 : i32 to index
          %get3A_205 = tpu.vector_load %arg6[%get3A_204] {strides = array<i32>} : memref<1280xi32, #tpu.memory_space<vmem>>, vector<16xi32>,
          %mul3A_206 = arith.constant 2 : i32
          %mul3A_207 = vector.broadcast %mul3A_206 : i32 to vector<16xi32>
          %mul3A_208 = arith.muli %get3A_205, %mul3A_207 : vector<16xi32>
          %add3A_209 = vector.broadcast %arg0 : i32 to vector<16xi32>
          %add3A_210 = arith.addi %mul3A_208, %add3A_209 : vector<16xi32>
          %swap3A_211 = arith.index_cast %mul3A_203 : i32 to index
          %swap3A_212 = tpu.vector_load %arg6[%swap3A_211] {strides = array<i32>} : memref<1280xi32, #tpu.memory_space<vmem>>, vector<16xi32>,
          tpu.vector_store %arg6[%swap3A_211], %add3A_210 {strides = array<i32>} : memref<1280xi32, #tpu.memory_space<vmem>>, vector<16xi32>,
          %scan3A_213 = arith.constant 3 : i32
          %scan3A_214 = arith.addi %scan3A_176, %scan3A_213 : i32
          %mul3A_215 = arith.constant 16 : i32
          %mul3A_216 = arith.muli %scan3A_214, %mul3A_215 : i32
          %get3A_217 = arith.index_cast %mul3A_216 : i32 to index
          %get3A_218 = tpu.vector_load %arg6[%get3A_217] {strides = array<i32>} : memref<1280xi32, #tpu.memory_space<vmem>>, vector<16xi32>,
          %mul3A_219 = arith.constant 2 : i32
          %mul3A_220 = vector.broadcast %mul3A_219 : i32 to vector<16xi32>
          %mul3A_221 = arith.muli %get3A_218, %mul3A_220 : vector<16xi32>
          %add3A_222 = vector.broadcast %arg0 : i32 to vector<16xi32>
          %add3A_223 = arith.addi %mul3A_221, %add3A_222 : vector<16xi32>
          %swap3A_224 = arith.index_cast %mul3A_216 : i32 to index
          %swap3A_225 = tpu.vector_load %arg6[%swap3A_224] {strides = array<i32>} : memref<1280xi32, #tpu.memory_space<vmem>>, vector<16xi32>,
          tpu.vector_store %arg6[%swap3A_224], %add3A_223 {strides = array<i32>} : memref<1280xi32, #tpu.memory_space<vmem>>, vector<16xi32>,
        }
        %scan3A_131 = arith.constant 80 : i32
        %dma_start3A_132 = arith.constant 0 : i32
        %dma_start3A_133 = tpu.memref_slice %arg6[%dma_start3A_132] : memref<1280xi32, #tpu.memory_space<vmem>> -> memref<80xi32, #tpu.memory_space<vmem>>
        %dma_start3A_134 = arith.constant 0 : i32
        %dma_start3A_135 = arith.constant 0 : i32
        %dma_start3A_136 = tpu.memref_slice %arg2[%dma_start3A_134, %dma_start3A_135] : memref<100000x32xf32, #tpu.memory_space<hbm>> -> memref<100000x32xf32, #tpu.memory_space<hbm>>
        tpu.enqueue_indirect_dma source(%dma_start3A_136 : memref<100000x32xf32, #tpu.memory_space<hbm>>) target(%arg10 : memref<80x32xf32, #tpu.memory_space<vmem>>) offsets(%dma_start3A_133 : memref<80xi32, #tpu.memory_space<vmem>>) semaphore(%arg27 : memref<!tpu.dma_semaphore, #tpu.memory_space<semaphore_mem>>)
        %dma_start3A_137 = arith.constant 80 : i32
        %dma_start3A_138 = tpu.memref_slice %arg6[%dma_start3A_137] : memref<1280xi32, #tpu.memory_space<vmem>> -> memref<80xi32, #tpu.memory_space<vmem>>
        %dma_start3A_139 = arith.constant 0 : i32
        %dma_start3A_140 = arith.constant 0 : i32
        %dma_start3A_141 = tpu.memref_slice %arg2[%dma_start3A_139, %dma_start3A_140] : memref<100000x32xf32, #tpu.memory_space<hbm>> -> memref<100000x32xf32, #tpu.memory_space<hbm>>
        tpu.enqueue_indirect_dma source(%dma_start3A_141 : memref<100000x32xf32, #tpu.memory_space<hbm>>) target(%arg11 : memref<80x32xf32, #tpu.memory_space<vmem>>) offsets(%dma_start3A_138 : memref<80xi32, #tpu.memory_space<vmem>>) semaphore(%arg28 : memref<!tpu.dma_semaphore, #tpu.memory_space<semaphore_mem>>)
        %dma_start3A_142 = arith.constant 160 : i32
        %dma_start3A_143 = tpu.memref_slice %arg6[%dma_start3A_142] : memref<1280xi32, #tpu.memory_space<vmem>> -> memref<80xi32, #tpu.memory_space<vmem>>
        %dma_start3A_144 = arith.constant 0 : i32
        %dma_start3A_145 = arith.constant 0 : i32
        %dma_start3A_146 = tpu.memref_slice %arg2[%dma_start3A_144, %dma_start3A_145] : memref<100000x32xf32, #tpu.memory_space<hbm>> -> memref<100000x32xf32, #tpu.memory_space<hbm>>
        tpu.enqueue_indirect_dma source(%dma_start3A_146 : memref<100000x32xf32, #tpu.memory_space<hbm>>) target(%arg12 : memref<80x32xf32, #tpu.memory_space<vmem>>) offsets(%dma_start3A_143 : memref<80xi32, #tpu.memory_space<vmem>>) semaphore(%arg29 : memref<!tpu.dma_semaphore, #tpu.memory_space<semaphore_mem>>)
        %dma_start3A_147 = arith.constant 240 : i32
        %dma_start3A_148 = tpu.memref_slice %arg6[%dma_start3A_147] : memref<1280xi32, #tpu.memory_space<vmem>> -> memref<80xi32, #tpu.memory_space<vmem>>
        %dma_start3A_149 = arith.constant 0 : i32
        %dma_start3A_150 = arith.constant 0 : i32
        %dma_start3A_151 = tpu.memref_slice %arg2[%dma_start3A_149, %dma_start3A_150] : memref<100000x32xf32, #tpu.memory_space<hbm>> -> memref<100000x32xf32, #tpu.memory_space<hbm>>
        tpu.enqueue_indirect_dma source(%dma_start3A_151 : memref<100000x32xf32, #tpu.memory_space<hbm>>) target(%arg13 : memref<80x32xf32, #tpu.memory_space<vmem>>) offsets(%dma_start3A_148 : memref<80xi32, #tpu.memory_space<vmem>>) semaphore(%arg30 : memref<!tpu.dma_semaphore, #tpu.memory_space<semaphore_mem>>)
        %dma_start3A_152 = arith.constant 320 : i32
        %dma_start3A_153 = tpu.memref_slice %arg6[%dma_start3A_152] : memref<1280xi32, #tpu.memory_space<vmem>> -> memref<80xi32, #tpu.memory_space<vmem>>
        %dma_start3A_154 = arith.constant 0 : i32
        %dma_start3A_155 = arith.constant 0 : i32
        %dma_start3A_156 = tpu.memref_slice %arg2[%dma_start3A_154, %dma_start3A_155] : memref<100000x32xf32, #tpu.memory_space<hbm>> -> memref<100000x32xf32, #tpu.memory_space<hbm>>
        tpu.enqueue_indirect_dma source(%dma_start3A_156 : memref<100000x32xf32, #tpu.memory_space<hbm>>) target(%arg14 : memref<80x32xf32, #tpu.memory_space<vmem>>) offsets(%dma_start3A_153 : memref<80xi32, #tpu.memory_space<vmem>>) semaphore(%arg31 : memref<!tpu.dma_semaphore, #tpu.memory_space<semaphore_mem>>)
        %dma_start3A_157 = arith.constant 400 : i32
        %dma_start3A_158 = tpu.memref_slice %arg6[%dma_start3A_157] : memref<1280xi32, #tpu.memory_space<vmem>> -> memref<80xi32, #tpu.memory_space<vmem>>
        %dma_start3A_159 = arith.constant 0 : i32
        %dma_start3A_160 = arith.constant 0 : i32
        %dma_start3A_161 = tpu.memref_slice %arg2[%dma_start3A_159, %dma_start3A_160] : memref<100000x32xf32, #tpu.memory_space<hbm>> -> memref<100000x32xf32, #tpu.memory_space<hbm>>
        tpu.enqueue_indirect_dma source(%dma_start3A_161 : memref<100000x32xf32, #tpu.memory_space<hbm>>) target(%arg15 : memref<80x32xf32, #tpu.memory_space<vmem>>) offsets(%dma_start3A_158 : memref<80xi32, #tpu.memory_space<vmem>>) semaphore(%arg32 : memref<!tpu.dma_semaphore, #tpu.memory_space<semaphore_mem>>)
        %dma_start3A_162 = arith.constant 480 : i32
        %dma_start3A_163 = tpu.memref_slice %arg6[%dma_start3A_162] : memref<1280xi32, #tpu.memory_space<vmem>> -> memref<80xi32, #tpu.memory_space<vmem>>
        %dma_start3A_164 = arith.constant 0 : i32
        %dma_start3A_165 = arith.constant 0 : i32
        %dma_start3A_166 = tpu.memref_slice %arg2[%dma_start3A_164, %dma_start3A_165] : memref<100000x32xf32, #tpu.memory_space<hbm>> -> memref<100000x32xf32, #tpu.memory_space<hbm>>
        tpu.enqueue_indirect_dma source(%dma_start3A_166 : memref<100000x32xf32, #tpu.memory_space<hbm>>) target(%arg16 : memref<80x32xf32, #tpu.memory_space<vmem>>) offsets(%dma_start3A_163 : memref<80xi32, #tpu.memory_space<vmem>>) semaphore(%arg33 : memref<!tpu.dma_semaphore, #tpu.memory_space<semaphore_mem>>)
        %scan3A_167 = arith.constant 0 : i32
        %scan3A_168 = arith.constant 0 : i32
        %scan3A_169 = arith.constant 2 : i32
        %scan3A_170 = arith.addi %scan3A_168, %scan3A_169 : i32
        %scan3A_171 = arith.constant 1 : i32
        scf.for %scan3A_176 = %scan3A_168 to %scan3A_170 step %scan3A_171  : i32 {
          %mul3A_177 = arith.constant 8 : i32
          %mul3A_178 = arith.muli %scan3A_176, %mul3A_177 : i32
          %add3A_179 = arith.constant 0 : i32
          %add3A_180 = arith.addi %mul3A_178, %add3A_179 : i32
          %mul3A_181 = arith.constant 80 : i32
          %mul3A_182 = arith.muli %add3A_180, %mul3A_181 : i32
          %dma_wait3A_183 = tpu.memref_slice %arg6[%mul3A_182] : memref<1280xi32, #tpu.memory_space<vmem>> -> memref<80xi32, #tpu.memory_space<vmem>>
          %dma_wait3A_184 = arith.constant 0 : i32
          %dma_wait3A_185 = arith.constant 0 : i32
          %dma_wait3A_186 = tpu.memref_slice %arg2[%dma_wait3A_184, %dma_wait3A_185] : memref<100000x32xf32, #tpu.memory_space<hbm>> -> memref<100000x32xf32, #tpu.memory_space<hbm>>
          tpu.wait_indirect_dma semaphore(%arg27 : memref<!tpu.dma_semaphore, #tpu.memory_space<semaphore_mem>>) src(%dma_wait3A_186 : memref<100000x32xf32, #tpu.memory_space<hbm>>) dst(%arg10 : memref<80x32xf32, #tpu.memory_space<vmem>>)
          %mul3A_187 = arith.constant 80 : i32
          %mul3A_188 = arith.muli %add3A_180, %mul3A_187 : i32
          %add3A_189 = arith.constant 0 : i32
          %add3A_190 = arith.addi %mul3A_188, %add3A_189 : i32
          %get3A = arith.index_cast %add3A_190 : i32 to index
          %get3A_191 = tpu.vector_load %arg7[%get3A] {strides = array<i32>} : memref<1280xi32, #tpu.memory_space<vmem>>, vector<16xi32>,
          %swap3A_192 = arith.constant 0 : index
          %swap3A_193 = tpu.vector_load %arg18[%swap3A_192] {strides = array<i32>} : memref<80xi32, #tpu.memory_space<vmem>>, vector<16xi32>,
          tpu.vector_store %arg18[%swap3A_192], %get3A_191 {strides = array<i32>} : memref<80xi32, #tpu.memory_space<vmem>>, vector<16xi32>,
          %mul3A_194 = arith.constant 80 : i32
          %mul3A_195 = arith.muli %add3A_180, %mul3A_194 : i32
          %add3A_196 = arith.constant 16 : i32
          %add3A_197 = arith.addi %mul3A_195, %add3A_196 : i32
          %get3A_198 = arith.index_cast %add3A_197 : i32 to index
          %get3A_199 = tpu.vector_load %arg7[%get3A_198] {strides = array<i32>} : memref<1280xi32, #tpu.memory_space<vmem>>, vector<16xi32>,
          %swap3A_200 = arith.constant 16 : index
          %swap3A_201 = tpu.vector_load %arg18[%swap3A_200] {strides = array<i32>} : memref<80xi32, #tpu.memory_space<vmem>>, vector<16xi32>,
          tpu.vector_store %arg18[%swap3A_200], %get3A_199 {strides = array<i32>} : memref<80xi32, #tpu.memory_space<vmem>>, vector<16xi32>,
          %mul3A_202 = arith.constant 80 : i32
          %mul3A_203 = arith.muli %add3A_180, %mul3A_202 : i32
          %add3A_204 = arith.constant 32 : i32
          %add3A_205 = arith.addi %mul3A_203, %add3A_204 : i32
          %get3A_206 = arith.index_cast %add3A_205 : i32 to index
          %get3A_207 = tpu.vector_load %arg7[%get3A_206] {strides = array<i32>} : memref<1280xi32, #tpu.memory_space<vmem>>, vector<16xi32>,
          %swap3A_208 = arith.constant 32 : index
          %swap3A_209 = tpu.vector_load %arg18[%swap3A_208] {strides = array<i32>} : memref<80xi32, #tpu.memory_space<vmem>>, vector<16xi32>,
          tpu.vector_store %arg18[%swap3A_208], %get3A_207 {strides = array<i32>} : memref<80xi32, #tpu.memory_space<vmem>>, vector<16xi32>,
          %mul3A_210 = arith.constant 80 : i32
          %mul3A_211 = arith.muli %add3A_180, %mul3A_210 : i32
          %add3A_212 = arith.constant 48 : i32
          %add3A_213 = arith.addi %mul3A_211, %add3A_212 : i32
          %get3A_214 = arith.index_cast %add3A_213 : i32 to index
          %get3A_215 = tpu.vector_load %arg7[%get3A_214] {strides = array<i32>} : memref<1280xi32, #tpu.memory_space<vmem>>, vector<16xi32>,
          %swap3A_216 = arith.constant 48 : index
          %swap3A_217 = tpu.vector_load %arg18[%swap3A_216] {strides = array<i32>} : memref<80xi32, #tpu.memory_space<vmem>>, vector<16xi32>,
          tpu.vector_store %arg18[%swap3A_216], %get3A_215 {strides = array<i32>} : memref<80xi32, #tpu.memory_space<vmem>>, vector<16xi32>,
          %mul3A_218 = arith.constant 80 : i32
          %mul3A_219 = arith.muli %add3A_180, %mul3A_218 : i32
          %add3A_220 = arith.constant 64 : i32
          %add3A_221 = arith.addi %mul3A_219, %add3A_220 : i32
          %get3A_222 = arith.index_cast %add3A_221 : i32 to index
          %get3A_223 = tpu.vector_load %arg7[%get3A_222] {strides = array<i32>} : memref<1280xi32, #tpu.memory_space<vmem>>, vector<16xi32>,
          %swap3A_224 = arith.constant 64 : index
          %swap3A_225 = tpu.vector_load %arg18[%swap3A_224] {strides = array<i32>} : memref<80xi32, #tpu.memory_space<vmem>>, vector<16xi32>,
          tpu.vector_store %arg18[%swap3A_224], %get3A_223 {strides = array<i32>} : memref<80xi32, #tpu.memory_space<vmem>>, vector<16xi32>,
          %dma_start3A_226 = arith.constant 0 : i32
          %dma_start3A_227 = arith.constant 0 : i32
          %dma_start3A_228 = tpu.memref_slice %arg26[%dma_start3A_226, %dma_start3A_227] : memref<50000x32xf32, #tpu.memory_space<vmem_shared>> -> memref<50000x32xf32, #tpu.memory_space<vmem_shared>>
          tpu.enqueue_indirect_dma source(%arg10 : memref<80x32xf32, #tpu.memory_space<vmem>>) target(%dma_start3A_228 : memref<50000x32xf32, #tpu.memory_space<vmem_shared>>) offsets(%arg18 : memref<80xi32, #tpu.memory_space<vmem>>) semaphore(%arg35 : memref<!tpu.dma_semaphore, #tpu.memory_space<semaphore_mem>>) {add = true}
          %gt3A = arith.constant 0 : i32
          %gt3A_229 = arith.cmpi sgt, %scan3A_176, %gt3A : i32
          %convert_element_type3A_230 = arith.extui %gt3A_229 : i1 to i32
          %cond3A_231 = arith.constant 0 : i32
          %cond3A_232 = arith.cmpi ne, %convert_element_type3A_230, %cond3A_231 : i32
          scf.if %cond3A_232 {
            %dma_wait3A_665 = arith.constant 0 : i32
            %dma_wait3A_666 = arith.constant 0 : i32
            %dma_wait3A_667 = tpu.memref_slice %arg26[%dma_wait3A_665, %dma_wait3A_666] : memref<50000x32xf32, #tpu.memory_space<vmem_shared>> -> memref<50000x32xf32, #tpu.memory_space<vmem_shared>>
            tpu.wait_indirect_dma semaphore(%arg42 : memref<!tpu.dma_semaphore, #tpu.memory_space<semaphore_mem>>) src(%arg17 : memref<80x32xf32, #tpu.memory_space<vmem>>) dst(%dma_wait3A_667 : memref<50000x32xf32, #tpu.memory_space<vmem_shared>>)
          } else {
          }
          %lt3A_233 = arith.constant 9 : i32
          %lt3A_234 = arith.cmpi slt, %add3A_180, %lt3A_233 : i32
          %convert_element_type3A_235 = arith.extui %lt3A_234 : i1 to i32
          %cond3A_236 = arith.constant 0 : i32
          %cond3A_237 = arith.cmpi ne, %convert_element_type3A_235, %cond3A_236 : i32
          scf.if %cond3A_237 {
            %add3A_665 = arith.constant 8 : i32
            %add3A_666 = arith.addi %add3A_180, %add3A_665 : i32
            %sub3A = arith.constant 1 : i32
            %sub3A_667 = arith.subi %add3A_666, %sub3A : i32
            %mul3A_668 = arith.constant 80 : i32
            %mul3A_669 = arith.muli %sub3A_667, %mul3A_668 : i32
            %dma_start3A_670 = tpu.memref_slice %arg6[%mul3A_669] : memref<1280xi32, #tpu.memory_space<vmem>> -> memref<80xi32, #tpu.memory_space<vmem>>
            %dma_start3A_671 = arith.constant 0 : i32
            %dma_start3A_672 = arith.constant 0 : i32
            %dma_start3A_673 = tpu.memref_slice %arg2[%dma_start3A_671, %dma_start3A_672] : memref<100000x32xf32, #tpu.memory_space<hbm>> -> memref<100000x32xf32, #tpu.memory_space<hbm>>
            tpu.enqueue_indirect_dma source(%dma_start3A_673 : memref<100000x32xf32, #tpu.memory_space<hbm>>) target(%arg17 : memref<80x32xf32, #tpu.memory_space<vmem>>) offsets(%dma_start3A_670 : memref<80xi32, #tpu.memory_space<vmem>>) semaphore(%arg34 : memref<!tpu.dma_semaphore, #tpu.memory_space<semaphore_mem>>)
          } else {
          }
          %mul3A_238 = arith.constant 8 : i32
          %mul3A_239 = arith.muli %scan3A_176, %mul3A_238 : i32
          %add3A_240 = arith.constant 1 : i32
          %add3A_241 = arith.addi %mul3A_239, %add3A_240 : i32
          %mul3A_242 = arith.constant 80 : i32
          %mul3A_243 = arith.muli %add3A_241, %mul3A_242 : i32
          %dma_wait3A_244 = tpu.memref_slice %arg6[%mul3A_243] : memref<1280xi32, #tpu.memory_space<vmem>> -> memref<80xi32, #tpu.memory_space<vmem>>
          %dma_wait3A_245 = arith.constant 0 : i32
          %dma_wait3A_246 = arith.constant 0 : i32
          %dma_wait3A_247 = tpu.memref_slice %arg2[%dma_wait3A_245, %dma_wait3A_246] : memref<100000x32xf32, #tpu.memory_space<hbm>> -> memref<100000x32xf32, #tpu.memory_space<hbm>>
          tpu.wait_indirect_dma semaphore(%arg28 : memref<!tpu.dma_semaphore, #tpu.memory_space<semaphore_mem>>) src(%dma_wait3A_247 : memref<100000x32xf32, #tpu.memory_space<hbm>>) dst(%arg11 : memref<80x32xf32, #tpu.memory_space<vmem>>)
          %mul3A_248 = arith.constant 80 : i32
          %mul3A_249 = arith.muli %add3A_241, %mul3A_248 : i32
          %add3A_250 = arith.constant 0 : i32
          %add3A_251 = arith.addi %mul3A_249, %add3A_250 : i32
          %get3A_252 = arith.index_cast %add3A_251 : i32 to index
          %get3A_253 = tpu.vector_load %arg7[%get3A_252] {strides = array<i32>} : memref<1280xi32, #tpu.memory_space<vmem>>, vector<16xi32>,
          %swap3A_254 = arith.constant 0 : index
          %swap3A_255 = tpu.vector_load %arg19[%swap3A_254] {strides = array<i32>} : memref<80xi32, #tpu.memory_space<vmem>>, vector<16xi32>,
          tpu.vector_store %arg19[%swap3A_254], %get3A_253 {strides = array<i32>} : memref<80xi32, #tpu.memory_space<vmem>>, vector<16xi32>,
          %mul3A_256 = arith.constant 80 : i32
          %mul3A_257 = arith.muli %add3A_241, %mul3A_256 : i32
          %add3A_258 = arith.constant 16 : i32
          %add3A_259 = arith.addi %mul3A_257, %add3A_258 : i32
          %get3A_260 = arith.index_cast %add3A_259 : i32 to index
          %get3A_261 = tpu.vector_load %arg7[%get3A_260] {strides = array<i32>} : memref<1280xi32, #tpu.memory_space<vmem>>, vector<16xi32>,
          %swap3A_262 = arith.constant 16 : index
          %swap3A_263 = tpu.vector_load %arg19[%swap3A_262] {strides = array<i32>} : memref<80xi32, #tpu.memory_space<vmem>>, vector<16xi32>,
          tpu.vector_store %arg19[%swap3A_262], %get3A_261 {strides = array<i32>} : memref<80xi32, #tpu.memory_space<vmem>>, vector<16xi32>,
          %mul3A_264 = arith.constant 80 : i32
          %mul3A_265 = arith.muli %add3A_241, %mul3A_264 : i32
          %add3A_266 = arith.constant 32 : i32
          %add3A_267 = arith.addi %mul3A_265, %add3A_266 : i32
          %get3A_268 = arith.index_cast %add3A_267 : i32 to index
          %get3A_269 = tpu.vector_load %arg7[%get3A_268] {strides = array<i32>} : memref<1280xi32, #tpu.memory_space<vmem>>, vector<16xi32>,
          %swap3A_270 = arith.constant 32 : index
          %swap3A_271 = tpu.vector_load %arg19[%swap3A_270] {strides = array<i32>} : memref<80xi32, #tpu.memory_space<vmem>>, vector<16xi32>,
          tpu.vector_store %arg19[%swap3A_270], %get3A_269 {strides = array<i32>} : memref<80xi32, #tpu.memory_space<vmem>>, vector<16xi32>,
          %mul3A_272 = arith.constant 80 : i32
          %mul3A_273 = arith.muli %add3A_241, %mul3A_272 : i32
          %add3A_274 = arith.constant 48 : i32
          %add3A_275 = arith.addi %mul3A_273, %add3A_274 : i32
          %get3A_276 = arith.index_cast %add3A_275 : i32 to index
          %get3A_277 = tpu.vector_load %arg7[%get3A_276] {strides = array<i32>} : memref<1280xi32, #tpu.memory_space<vmem>>, vector<16xi32>,
          %swap3A_278 = arith.constant 48 : index
          %swap3A_279 = tpu.vector_load %arg19[%swap3A_278] {strides = array<i32>} : memref<80xi32, #tpu.memory_space<vmem>>, vector<16xi32>,
          tpu.vector_store %arg19[%swap3A_278], %get3A_277 {strides = array<i32>} : memref<80xi32, #tpu.memory_space<vmem>>, vector<16xi32>,
          %mul3A_280 = arith.constant 80 : i32
          %mul3A_281 = arith.muli %add3A_241, %mul3A_280 : i32
          %add3A_282 = arith.constant 64 : i32
          %add3A_283 = arith.addi %mul3A_281, %add3A_282 : i32
          %get3A_284 = arith.index_cast %add3A_283 : i32 to index
          %get3A_285 = tpu.vector_load %arg7[%get3A_284] {strides = array<i32>} : memref<1280xi32, #tpu.memory_space<vmem>>, vector<16xi32>,
          %swap3A_286 = arith.constant 64 : index
          %swap3A_287 = tpu.vector_load %arg19[%swap3A_286] {strides = array<i32>} : memref<80xi32, #tpu.memory_space<vmem>>, vector<16xi32>,
          tpu.vector_store %arg19[%swap3A_286], %get3A_285 {strides = array<i32>} : memref<80xi32, #tpu.memory_space<vmem>>, vector<16xi32>,
          %dma_start3A_288 = arith.constant 0 : i32
          %dma_start3A_289 = arith.constant 0 : i32
          %dma_start3A_290 = tpu.memref_slice %arg26[%dma_start3A_288, %dma_start3A_289] : memref<50000x32xf32, #tpu.memory_space<vmem_shared>> -> memref<50000x32xf32, #tpu.memory_space<vmem_shared>>
          tpu.enqueue_indirect_dma source(%arg11 : memref<80x32xf32, #tpu.memory_space<vmem>>) target(%dma_start3A_290 : memref<50000x32xf32, #tpu.memory_space<vmem_shared>>) offsets(%arg19 : memref<80xi32, #tpu.memory_space<vmem>>) semaphore(%arg36 : memref<!tpu.dma_semaphore, #tpu.memory_space<semaphore_mem>>) {add = true}
          %dma_wait3A_291 = arith.constant 0 : i32
          %dma_wait3A_292 = arith.constant 0 : i32
          %dma_wait3A_293 = tpu.memref_slice %arg26[%dma_wait3A_291, %dma_wait3A_292] : memref<50000x32xf32, #tpu.memory_space<vmem_shared>> -> memref<50000x32xf32, #tpu.memory_space<vmem_shared>>
          tpu.wait_indirect_dma semaphore(%arg35 : memref<!tpu.dma_semaphore, #tpu.memory_space<semaphore_mem>>) src(%arg10 : memref<80x32xf32, #tpu.memory_space<vmem>>) dst(%dma_wait3A_293 : memref<50000x32xf32, #tpu.memory_space<vmem_shared>>)
          %lt3A_294 = arith.constant 9 : i32
          %lt3A_295 = arith.cmpi slt, %add3A_241, %lt3A_294 : i32
          %convert_element_type3A_296 = arith.extui %lt3A_295 : i1 to i32
          %cond3A_297 = arith.constant 0 : i32
          %cond3A_298 = arith.cmpi ne, %convert_element_type3A_296, %cond3A_297 : i32
          scf.if %cond3A_298 {
            %add3A_665 = arith.constant 8 : i32
            %add3A_666 = arith.addi %add3A_241, %add3A_665 : i32
            %sub3A = arith.constant 1 : i32
            %sub3A_667 = arith.subi %add3A_666, %sub3A : i32
            %mul3A_668 = arith.constant 80 : i32
            %mul3A_669 = arith.muli %sub3A_667, %mul3A_668 : i32
            %dma_start3A_670 = tpu.memref_slice %arg6[%mul3A_669] : memref<1280xi32, #tpu.memory_space<vmem>> -> memref<80xi32, #tpu.memory_space<vmem>>
            %dma_start3A_671 = arith.constant 0 : i32
            %dma_start3A_672 = arith.constant 0 : i32
            %dma_start3A_673 = tpu.memref_slice %arg2[%dma_start3A_671, %dma_start3A_672] : memref<100000x32xf32, #tpu.memory_space<hbm>> -> memref<100000x32xf32, #tpu.memory_space<hbm>>
            tpu.enqueue_indirect_dma source(%dma_start3A_673 : memref<100000x32xf32, #tpu.memory_space<hbm>>) target(%arg10 : memref<80x32xf32, #tpu.memory_space<vmem>>) offsets(%dma_start3A_670 : memref<80xi32, #tpu.memory_space<vmem>>) semaphore(%arg27 : memref<!tpu.dma_semaphore, #tpu.memory_space<semaphore_mem>>)
          } else {
          }
          %mul3A_299 = arith.constant 8 : i32
          %mul3A_300 = arith.muli %scan3A_176, %mul3A_299 : i32
          %add3A_301 = arith.constant 2 : i32
          %add3A_302 = arith.addi %mul3A_300, %add3A_301 : i32
          %mul3A_303 = arith.constant 80 : i32
          %mul3A_304 = arith.muli %add3A_302, %mul3A_303 : i32
          %dma_wait3A_305 = tpu.memref_slice %arg6[%mul3A_304] : memref<1280xi32, #tpu.memory_space<vmem>> -> memref<80xi32, #tpu.memory_space<vmem>>
          %dma_wait3A_306 = arith.constant 0 : i32
          %dma_wait3A_307 = arith.constant 0 : i32
          %dma_wait3A_308 = tpu.memref_slice %arg2[%dma_wait3A_306, %dma_wait3A_307] : memref<100000x32xf32, #tpu.memory_space<hbm>> -> memref<100000x32xf32, #tpu.memory_space<hbm>>
          tpu.wait_indirect_dma semaphore(%arg29 : memref<!tpu.dma_semaphore, #tpu.memory_space<semaphore_mem>>) src(%dma_wait3A_308 : memref<100000x32xf32, #tpu.memory_space<hbm>>) dst(%arg12 : memref<80x32xf32, #tpu.memory_space<vmem>>)
          %mul3A_309 = arith.constant 80 : i32
          %mul3A_310 = arith.muli %add3A_302, %mul3A_309 : i32
          %add3A_311 = arith.constant 0 : i32
          %add3A_312 = arith.addi %mul3A_310, %add3A_311 : i32
          %get3A_313 = arith.index_cast %add3A_312 : i32 to index
          %get3A_314 = tpu.vector_load %arg7[%get3A_313] {strides = array<i32>} : memref<1280xi32, #tpu.memory_space<vmem>>, vector<16xi32>,
          %swap3A_315 = arith.constant 0 : index
          %swap3A_316 = tpu.vector_load %arg20[%swap3A_315] {strides = array<i32>} : memref<80xi32, #tpu.memory_space<vmem>>, vector<16xi32>,
          tpu.vector_store %arg20[%swap3A_315], %get3A_314 {strides = array<i32>} : memref<80xi32, #tpu.memory_space<vmem>>, vector<16xi32>,
          %mul3A_317 = arith.constant 80 : i32
          %mul3A_318 = arith.muli %add3A_302, %mul3A_317 : i32
          %add3A_319 = arith.constant 16 : i32
          %add3A_320 = arith.addi %mul3A_318, %add3A_319 : i32
          %get3A_321 = arith.index_cast %add3A_320 : i32 to index
          %get3A_322 = tpu.vector_load %arg7[%get3A_321] {strides = array<i32>} : memref<1280xi32, #tpu.memory_space<vmem>>, vector<16xi32>,
          %swap3A_323 = arith.constant 16 : index
          %swap3A_324 = tpu.vector_load %arg20[%swap3A_323] {strides = array<i32>} : memref<80xi32, #tpu.memory_space<vmem>>, vector<16xi32>,
          tpu.vector_store %arg20[%swap3A_323], %get3A_322 {strides = array<i32>} : memref<80xi32, #tpu.memory_space<vmem>>, vector<16xi32>,
          %mul3A_325 = arith.constant 80 : i32
          %mul3A_326 = arith.muli %add3A_302, %mul3A_325 : i32
          %add3A_327 = arith.constant 32 : i32
          %add3A_328 = arith.addi %mul3A_326, %add3A_327 : i32
          %get3A_329 = arith.index_cast %add3A_328 : i32 to index
          %get3A_330 = tpu.vector_load %arg7[%get3A_329] {strides = array<i32>} : memref<1280xi32, #tpu.memory_space<vmem>>, vector<16xi32>,
          %swap3A_331 = arith.constant 32 : index
          %swap3A_332 = tpu.vector_load %arg20[%swap3A_331] {strides = array<i32>} : memref<80xi32, #tpu.memory_space<vmem>>, vector<16xi32>,
          tpu.vector_store %arg20[%swap3A_331], %get3A_330 {strides = array<i32>} : memref<80xi32, #tpu.memory_space<vmem>>, vector<16xi32>,
          %mul3A_333 = arith.constant 80 : i32
          %mul3A_334 = arith.muli %add3A_302, %mul3A_333 : i32
          %add3A_335 = arith.constant 48 : i32
          %add3A_336 = arith.addi %mul3A_334, %add3A_335 : i32
          %get3A_337 = arith.index_cast %add3A_336 : i32 to index
          %get3A_338 = tpu.vector_load %arg7[%get3A_337] {strides = array<i32>} : memref<1280xi32, #tpu.memory_space<vmem>>, vector<16xi32>,
          %swap3A_339 = arith.constant 48 : index
          %swap3A_340 = tpu.vector_load %arg20[%swap3A_339] {strides = array<i32>} : memref<80xi32, #tpu.memory_space<vmem>>, vector<16xi32>,
          tpu.vector_store %arg20[%swap3A_339], %get3A_338 {strides = array<i32>} : memref<80xi32, #tpu.memory_space<vmem>>, vector<16xi32>,
          %mul3A_341 = arith.constant 80 : i32
          %mul3A_342 = arith.muli %add3A_302, %mul3A_341 : i32
          %add3A_343 = arith.constant 64 : i32
          %add3A_344 = arith.addi %mul3A_342, %add3A_343 : i32
          %get3A_345 = arith.index_cast %add3A_344 : i32 to index
          %get3A_346 = tpu.vector_load %arg7[%get3A_345] {strides = array<i32>} : memref<1280xi32, #tpu.memory_space<vmem>>, vector<16xi32>,
          %swap3A_347 = arith.constant 64 : index
          %swap3A_348 = tpu.vector_load %arg20[%swap3A_347] {strides = array<i32>} : memref<80xi32, #tpu.memory_space<vmem>>, vector<16xi32>,
          tpu.vector_store %arg20[%swap3A_347], %get3A_346 {strides = array<i32>} : memref<80xi32, #tpu.memory_space<vmem>>, vector<16xi32>,
          %dma_start3A_349 = arith.constant 0 : i32
          %dma_start3A_350 = arith.constant 0 : i32
          %dma_start3A_351 = tpu.memref_slice %arg26[%dma_start3A_349, %dma_start3A_350] : memref<50000x32xf32, #tpu.memory_space<vmem_shared>> -> memref<50000x32xf32, #tpu.memory_space<vmem_shared>>
          tpu.enqueue_indirect_dma source(%arg12 : memref<80x32xf32, #tpu.memory_space<vmem>>) target(%dma_start3A_351 : memref<50000x32xf32, #tpu.memory_space<vmem_shared>>) offsets(%arg20 : memref<80xi32, #tpu.memory_space<vmem>>) semaphore(%arg37 : memref<!tpu.dma_semaphore, #tpu.memory_space<semaphore_mem>>) {add = true}
          %dma_wait3A_352 = arith.constant 0 : i32
          %dma_wait3A_353 = arith.constant 0 : i32
          %dma_wait3A_354 = tpu.memref_slice %arg26[%dma_wait3A_352, %dma_wait3A_353] : memref<50000x32xf32, #tpu.memory_space<vmem_shared>> -> memref<50000x32xf32, #tpu.memory_space<vmem_shared>>
          tpu.wait_indirect_dma semaphore(%arg36 : memref<!tpu.dma_semaphore, #tpu.memory_space<semaphore_mem>>) src(%arg11 : memref<80x32xf32, #tpu.memory_space<vmem>>) dst(%dma_wait3A_354 : memref<50000x32xf32, #tpu.memory_space<vmem_shared>>)
          %lt3A_355 = arith.constant 9 : i32
          %lt3A_356 = arith.cmpi slt, %add3A_302, %lt3A_355 : i32
          %convert_element_type3A_357 = arith.extui %lt3A_356 : i1 to i32
          %cond3A_358 = arith.constant 0 : i32
          %cond3A_359 = arith.cmpi ne, %convert_element_type3A_357, %cond3A_358 : i32
          scf.if %cond3A_359 {
            %add3A_665 = arith.constant 8 : i32
            %add3A_666 = arith.addi %add3A_302, %add3A_665 : i32
            %sub3A = arith.constant 1 : i32
            %sub3A_667 = arith.subi %add3A_666, %sub3A : i32
            %mul3A_668 = arith.constant 80 : i32
            %mul3A_669 = arith.muli %sub3A_667, %mul3A_668 : i32
            %dma_start3A_670 = tpu.memref_slice %arg6[%mul3A_669] : memref<1280xi32, #tpu.memory_space<vmem>> -> memref<80xi32, #tpu.memory_space<vmem>>
            %dma_start3A_671 = arith.constant 0 : i32
            %dma_start3A_672 = arith.constant 0 : i32
            %dma_start3A_673 = tpu.memref_slice %arg2[%dma_start3A_671, %dma_start3A_672] : memref<100000x32xf32, #tpu.memory_space<hbm>> -> memref<100000x32xf32, #tpu.memory_space<hbm>>
            tpu.enqueue_indirect_dma source(%dma_start3A_673 : memref<100000x32xf32, #tpu.memory_space<hbm>>) target(%arg11 : memref<80x32xf32, #tpu.memory_space<vmem>>) offsets(%dma_start3A_670 : memref<80xi32, #tpu.memory_space<vmem>>) semaphore(%arg28 : memref<!tpu.dma_semaphore, #tpu.memory_space<semaphore_mem>>)
          } else {
          }
          %mul3A_360 = arith.constant 8 : i32
          %mul3A_361 = arith.muli %scan3A_176, %mul3A_360 : i32
          %add3A_362 = arith.constant 3 : i32
          %add3A_363 = arith.addi %mul3A_361, %add3A_362 : i32
          %mul3A_364 = arith.constant 80 : i32
          %mul3A_365 = arith.muli %add3A_363, %mul3A_364 : i32
          %dma_wait3A_366 = tpu.memref_slice %arg6[%mul3A_365] : memref<1280xi32, #tpu.memory_space<vmem>> -> memref<80xi32, #tpu.memory_space<vmem>>
          %dma_wait3A_367 = arith.constant 0 : i32
          %dma_wait3A_368 = arith.constant 0 : i32
          %dma_wait3A_369 = tpu.memref_slice %arg2[%dma_wait3A_367, %dma_wait3A_368] : memref<100000x32xf32, #tpu.memory_space<hbm>> -> memref<100000x32xf32, #tpu.memory_space<hbm>>
          tpu.wait_indirect_dma semaphore(%arg30 : memref<!tpu.dma_semaphore, #tpu.memory_space<semaphore_mem>>) src(%dma_wait3A_369 : memref<100000x32xf32, #tpu.memory_space<hbm>>) dst(%arg13 : memref<80x32xf32, #tpu.memory_space<vmem>>)
          %mul3A_370 = arith.constant 80 : i32
          %mul3A_371 = arith.muli %add3A_363, %mul3A_370 : i32
          %add3A_372 = arith.constant 0 : i32
          %add3A_373 = arith.addi %mul3A_371, %add3A_372 : i32
          %get3A_374 = arith.index_cast %add3A_373 : i32 to index
          %get3A_375 = tpu.vector_load %arg7[%get3A_374] {strides = array<i32>} : memref<1280xi32, #tpu.memory_space<vmem>>, vector<16xi32>,
          %swap3A_376 = arith.constant 0 : index
          %swap3A_377 = tpu.vector_load %arg21[%swap3A_376] {strides = array<i32>} : memref<80xi32, #tpu.memory_space<vmem>>, vector<16xi32>,
          tpu.vector_store %arg21[%swap3A_376], %get3A_375 {strides = array<i32>} : memref<80xi32, #tpu.memory_space<vmem>>, vector<16xi32>,
          %mul3A_378 = arith.constant 80 : i32
          %mul3A_379 = arith.muli %add3A_363, %mul3A_378 : i32
          %add3A_380 = arith.constant 16 : i32
          %add3A_381 = arith.addi %mul3A_379, %add3A_380 : i32
          %get3A_382 = arith.index_cast %add3A_381 : i32 to index
          %get3A_383 = tpu.vector_load %arg7[%get3A_382] {strides = array<i32>} : memref<1280xi32, #tpu.memory_space<vmem>>, vector<16xi32>,
          %swap3A_384 = arith.constant 16 : index
          %swap3A_385 = tpu.vector_load %arg21[%swap3A_384] {strides = array<i32>} : memref<80xi32, #tpu.memory_space<vmem>>, vector<16xi32>,
          tpu.vector_store %arg21[%swap3A_384], %get3A_383 {strides = array<i32>} : memref<80xi32, #tpu.memory_space<vmem>>, vector<16xi32>,
          %mul3A_386 = arith.constant 80 : i32
          %mul3A_387 = arith.muli %add3A_363, %mul3A_386 : i32
          %add3A_388 = arith.constant 32 : i32
          %add3A_389 = arith.addi %mul3A_387, %add3A_388 : i32
          %get3A_390 = arith.index_cast %add3A_389 : i32 to index
          %get3A_391 = tpu.vector_load %arg7[%get3A_390] {strides = array<i32>} : memref<1280xi32, #tpu.memory_space<vmem>>, vector<16xi32>,
          %swap3A_392 = arith.constant 32 : index
          %swap3A_393 = tpu.vector_load %arg21[%swap3A_392] {strides = array<i32>} : memref<80xi32, #tpu.memory_space<vmem>>, vector<16xi32>,
          tpu.vector_store %arg21[%swap3A_392], %get3A_391 {strides = array<i32>} : memref<80xi32, #tpu.memory_space<vmem>>, vector<16xi32>,
          %mul3A_394 = arith.constant 80 : i32
          %mul3A_395 = arith.muli %add3A_363, %mul3A_394 : i32
          %add3A_396 = arith.constant 48 : i32
          %add3A_397 = arith.addi %mul3A_395, %add3A_396 : i32
          %get3A_398 = arith.index_cast %add3A_397 : i32 to index
          %get3A_399 = tpu.vector_load %arg7[%get3A_398] {strides = array<i32>} : memref<1280xi32, #tpu.memory_space<vmem>>, vector<16xi32>,
          %swap3A_400 = arith.constant 48 : index
          %swap3A_401 = tpu.vector_load %arg21[%swap3A_400] {strides = array<i32>} : memref<80xi32, #tpu.memory_space<vmem>>, vector<16xi32>,
          tpu.vector_store %arg21[%swap3A_400], %get3A_399 {strides = array<i32>} : memref<80xi32, #tpu.memory_space<vmem>>, vector<16xi32>,
          %mul3A_402 = arith.constant 80 : i32
          %mul3A_403 = arith.muli %add3A_363, %mul3A_402 : i32
          %add3A_404 = arith.constant 64 : i32
          %add3A_405 = arith.addi %mul3A_403, %add3A_404 : i32
          %get3A_406 = arith.index_cast %add3A_405 : i32 to index
          %get3A_407 = tpu.vector_load %arg7[%get3A_406] {strides = array<i32>} : memref<1280xi32, #tpu.memory_space<vmem>>, vector<16xi32>,
          %swap3A_408 = arith.constant 64 : index
          %swap3A_409 = tpu.vector_load %arg21[%swap3A_408] {strides = array<i32>} : memref<80xi32, #tpu.memory_space<vmem>>, vector<16xi32>,
          tpu.vector_store %arg21[%swap3A_408], %get3A_407 {strides = array<i32>} : memref<80xi32, #tpu.memory_space<vmem>>, vector<16xi32>,
          %dma_start3A_410 = arith.constant 0 : i32
          %dma_start3A_411 = arith.constant 0 : i32
          %dma_start3A_412 = tpu.memref_slice %arg26[%dma_start3A_410, %dma_start3A_411] : memref<50000x32xf32, #tpu.memory_space<vmem_shared>> -> memref<50000x32xf32, #tpu.memory_space<vmem_shared>>
          tpu.enqueue_indirect_dma source(%arg13 : memref<80x32xf32, #tpu.memory_space<vmem>>) target(%dma_start3A_412 : memref<50000x32xf32, #tpu.memory_space<vmem_shared>>) offsets(%arg21 : memref<80xi32, #tpu.memory_space<vmem>>) semaphore(%arg38 : memref<!tpu.dma_semaphore, #tpu.memory_space<semaphore_mem>>) {add = true}
          %dma_wait3A_413 = arith.constant 0 : i32
          %dma_wait3A_414 = arith.constant 0 : i32
          %dma_wait3A_415 = tpu.memref_slice %arg26[%dma_wait3A_413, %dma_wait3A_414] : memref<50000x32xf32, #tpu.memory_space<vmem_shared>> -> memref<50000x32xf32, #tpu.memory_space<vmem_shared>>
          tpu.wait_indirect_dma semaphore(%arg37 : memref<!tpu.dma_semaphore, #tpu.memory_space<semaphore_mem>>) src(%arg12 : memref<80x32xf32, #tpu.memory_space<vmem>>) dst(%dma_wait3A_415 : memref<50000x32xf32, #tpu.memory_space<vmem_shared>>)
          %lt3A_416 = arith.constant 9 : i32
          %lt3A_417 = arith.cmpi slt, %add3A_363, %lt3A_416 : i32
          %convert_element_type3A_418 = arith.extui %lt3A_417 : i1 to i32
          %cond3A_419 = arith.constant 0 : i32
          %cond3A_420 = arith.cmpi ne, %convert_element_type3A_418, %cond3A_419 : i32
          scf.if %cond3A_420 {
            %add3A_665 = arith.constant 8 : i32
            %add3A_666 = arith.addi %add3A_363, %add3A_665 : i32
            %sub3A = arith.constant 1 : i32
            %sub3A_667 = arith.subi %add3A_666, %sub3A : i32
            %mul3A_668 = arith.constant 80 : i32
            %mul3A_669 = arith.muli %sub3A_667, %mul3A_668 : i32
            %dma_start3A_670 = tpu.memref_slice %arg6[%mul3A_669] : memref<1280xi32, #tpu.memory_space<vmem>> -> memref<80xi32, #tpu.memory_space<vmem>>
            %dma_start3A_671 = arith.constant 0 : i32
            %dma_start3A_672 = arith.constant 0 : i32
            %dma_start3A_673 = tpu.memref_slice %arg2[%dma_start3A_671, %dma_start3A_672] : memref<100000x32xf32, #tpu.memory_space<hbm>> -> memref<100000x32xf32, #tpu.memory_space<hbm>>
            tpu.enqueue_indirect_dma source(%dma_start3A_673 : memref<100000x32xf32, #tpu.memory_space<hbm>>) target(%arg12 : memref<80x32xf32, #tpu.memory_space<vmem>>) offsets(%dma_start3A_670 : memref<80xi32, #tpu.memory_space<vmem>>) semaphore(%arg29 : memref<!tpu.dma_semaphore, #tpu.memory_space<semaphore_mem>>)
          } else {
          }
          %mul3A_421 = arith.constant 8 : i32
          %mul3A_422 = arith.muli %scan3A_176, %mul3A_421 : i32
          %add3A_423 = arith.constant 4 : i32
          %add3A_424 = arith.addi %mul3A_422, %add3A_423 : i32
          %mul3A_425 = arith.constant 80 : i32
          %mul3A_426 = arith.muli %add3A_424, %mul3A_425 : i32
          %dma_wait3A_427 = tpu.memref_slice %arg6[%mul3A_426] : memref<1280xi32, #tpu.memory_space<vmem>> -> memref<80xi32, #tpu.memory_space<vmem>>
          %dma_wait3A_428 = arith.constant 0 : i32
          %dma_wait3A_429 = arith.constant 0 : i32
          %dma_wait3A_430 = tpu.memref_slice %arg2[%dma_wait3A_428, %dma_wait3A_429] : memref<100000x32xf32, #tpu.memory_space<hbm>> -> memref<100000x32xf32, #tpu.memory_space<hbm>>
          tpu.wait_indirect_dma semaphore(%arg31 : memref<!tpu.dma_semaphore, #tpu.memory_space<semaphore_mem>>) src(%dma_wait3A_430 : memref<100000x32xf32, #tpu.memory_space<hbm>>) dst(%arg14 : memref<80x32xf32, #tpu.memory_space<vmem>>)
          %mul3A_431 = arith.constant 80 : i32
          %mul3A_432 = arith.muli %add3A_424, %mul3A_431 : i32
          %add3A_433 = arith.constant 0 : i32
          %add3A_434 = arith.addi %mul3A_432, %add3A_433 : i32
          %get3A_435 = arith.index_cast %add3A_434 : i32 to index
          %get3A_436 = tpu.vector_load %arg7[%get3A_435] {strides = array<i32>} : memref<1280xi32, #tpu.memory_space<vmem>>, vector<16xi32>,
          %swap3A_437 = arith.constant 0 : index
          %swap3A_438 = tpu.vector_load %arg22[%swap3A_437] {strides = array<i32>} : memref<80xi32, #tpu.memory_space<vmem>>, vector<16xi32>,
          tpu.vector_store %arg22[%swap3A_437], %get3A_436 {strides = array<i32>} : memref<80xi32, #tpu.memory_space<vmem>>, vector<16xi32>,
          %mul3A_439 = arith.constant 80 : i32
          %mul3A_440 = arith.muli %add3A_424, %mul3A_439 : i32
          %add3A_441 = arith.constant 16 : i32
          %add3A_442 = arith.addi %mul3A_440, %add3A_441 : i32
          %get3A_443 = arith.index_cast %add3A_442 : i32 to index
          %get3A_444 = tpu.vector_load %arg7[%get3A_443] {strides = array<i32>} : memref<1280xi32, #tpu.memory_space<vmem>>, vector<16xi32>,
          %swap3A_445 = arith.constant 16 : index
          %swap3A_446 = tpu.vector_load %arg22[%swap3A_445] {strides = array<i32>} : memref<80xi32, #tpu.memory_space<vmem>>, vector<16xi32>,
          tpu.vector_store %arg22[%swap3A_445], %get3A_444 {strides = array<i32>} : memref<80xi32, #tpu.memory_space<vmem>>, vector<16xi32>,
          %mul3A_447 = arith.constant 80 : i32
          %mul3A_448 = arith.muli %add3A_424, %mul3A_447 : i32
          %add3A_449 = arith.constant 32 : i32
          %add3A_450 = arith.addi %mul3A_448, %add3A_449 : i32
          %get3A_451 = arith.index_cast %add3A_450 : i32 to index
          %get3A_452 = tpu.vector_load %arg7[%get3A_451] {strides = array<i32>} : memref<1280xi32, #tpu.memory_space<vmem>>, vector<16xi32>,
          %swap3A_453 = arith.constant 32 : index
          %swap3A_454 = tpu.vector_load %arg22[%swap3A_453] {strides = array<i32>} : memref<80xi32, #tpu.memory_space<vmem>>, vector<16xi32>,
          tpu.vector_store %arg22[%swap3A_453], %get3A_452 {strides = array<i32>} : memref<80xi32, #tpu.memory_space<vmem>>, vector<16xi32>,
          %mul3A_455 = arith.constant 80 : i32
          %mul3A_456 = arith.muli %add3A_424, %mul3A_455 : i32
          %add3A_457 = arith.constant 48 : i32
          %add3A_458 = arith.addi %mul3A_456, %add3A_457 : i32
          %get3A_459 = arith.index_cast %add3A_458 : i32 to index
          %get3A_460 = tpu.vector_load %arg7[%get3A_459] {strides = array<i32>} : memref<1280xi32, #tpu.memory_space<vmem>>, vector<16xi32>,
          %swap3A_461 = arith.constant 48 : index
          %swap3A_462 = tpu.vector_load %arg22[%swap3A_461] {strides = array<i32>} : memref<80xi32, #tpu.memory_space<vmem>>, vector<16xi32>,
          tpu.vector_store %arg22[%swap3A_461], %get3A_460 {strides = array<i32>} : memref<80xi32, #tpu.memory_space<vmem>>, vector<16xi32>,
          %mul3A_463 = arith.constant 80 : i32
          %mul3A_464 = arith.muli %add3A_424, %mul3A_463 : i32
          %add3A_465 = arith.constant 64 : i32
          %add3A_466 = arith.addi %mul3A_464, %add3A_465 : i32
          %get3A_467 = arith.index_cast %add3A_466 : i32 to index
          %get3A_468 = tpu.vector_load %arg7[%get3A_467] {strides = array<i32>} : memref<1280xi32, #tpu.memory_space<vmem>>, vector<16xi32>,
          %swap3A_469 = arith.constant 64 : index
          %swap3A_470 = tpu.vector_load %arg22[%swap3A_469] {strides = array<i32>} : memref<80xi32, #tpu.memory_space<vmem>>, vector<16xi32>,
          tpu.vector_store %arg22[%swap3A_469], %get3A_468 {strides = array<i32>} : memref<80xi32, #tpu.memory_space<vmem>>, vector<16xi32>,
          %dma_start3A_471 = arith.constant 0 : i32
          %dma_start3A_472 = arith.constant 0 : i32
          %dma_start3A_473 = tpu.memref_slice %arg26[%dma_start3A_471, %dma_start3A_472] : memref<50000x32xf32, #tpu.memory_space<vmem_shared>> -> memref<50000x32xf32, #tpu.memory_space<vmem_shared>>
          tpu.enqueue_indirect_dma source(%arg14 : memref<80x32xf32, #tpu.memory_space<vmem>>) target(%dma_start3A_473 : memref<50000x32xf32, #tpu.memory_space<vmem_shared>>) offsets(%arg22 : memref<80xi32, #tpu.memory_space<vmem>>) semaphore(%arg39 : memref<!tpu.dma_semaphore, #tpu.memory_space<semaphore_mem>>) {add = true}
          %dma_wait3A_474 = arith.constant 0 : i32
          %dma_wait3A_475 = arith.constant 0 : i32
          %dma_wait3A_476 = tpu.memref_slice %arg26[%dma_wait3A_474, %dma_wait3A_475] : memref<50000x32xf32, #tpu.memory_space<vmem_shared>> -> memref<50000x32xf32, #tpu.memory_space<vmem_shared>>
          tpu.wait_indirect_dma semaphore(%arg38 : memref<!tpu.dma_semaphore, #tpu.memory_space<semaphore_mem>>) src(%arg13 : memref<80x32xf32, #tpu.memory_space<vmem>>) dst(%dma_wait3A_476 : memref<50000x32xf32, #tpu.memory_space<vmem_shared>>)
          %lt3A_477 = arith.constant 9 : i32
          %lt3A_478 = arith.cmpi slt, %add3A_424, %lt3A_477 : i32
          %convert_element_type3A_479 = arith.extui %lt3A_478 : i1 to i32
          %cond3A_480 = arith.constant 0 : i32
          %cond3A_481 = arith.cmpi ne, %convert_element_type3A_479, %cond3A_480 : i32
          scf.if %cond3A_481 {
            %add3A_665 = arith.constant 8 : i32
            %add3A_666 = arith.addi %add3A_424, %add3A_665 : i32
            %sub3A = arith.constant 1 : i32
            %sub3A_667 = arith.subi %add3A_666, %sub3A : i32
            %mul3A_668 = arith.constant 80 : i32
            %mul3A_669 = arith.muli %sub3A_667, %mul3A_668 : i32
            %dma_start3A_670 = tpu.memref_slice %arg6[%mul3A_669] : memref<1280xi32, #tpu.memory_space<vmem>> -> memref<80xi32, #tpu.memory_space<vmem>>
            %dma_start3A_671 = arith.constant 0 : i32
            %dma_start3A_672 = arith.constant 0 : i32
            %dma_start3A_673 = tpu.memref_slice %arg2[%dma_start3A_671, %dma_start3A_672] : memref<100000x32xf32, #tpu.memory_space<hbm>> -> memref<100000x32xf32, #tpu.memory_space<hbm>>
            tpu.enqueue_indirect_dma source(%dma_start3A_673 : memref<100000x32xf32, #tpu.memory_space<hbm>>) target(%arg13 : memref<80x32xf32, #tpu.memory_space<vmem>>) offsets(%dma_start3A_670 : memref<80xi32, #tpu.memory_space<vmem>>) semaphore(%arg30 : memref<!tpu.dma_semaphore, #tpu.memory_space<semaphore_mem>>)
          } else {
          }
          %mul3A_482 = arith.constant 8 : i32
          %mul3A_483 = arith.muli %scan3A_176, %mul3A_482 : i32
          %add3A_484 = arith.constant 5 : i32
          %add3A_485 = arith.addi %mul3A_483, %add3A_484 : i32
          %mul3A_486 = arith.constant 80 : i32
          %mul3A_487 = arith.muli %add3A_485, %mul3A_486 : i32
          %dma_wait3A_488 = tpu.memref_slice %arg6[%mul3A_487] : memref<1280xi32, #tpu.memory_space<vmem>> -> memref<80xi32, #tpu.memory_space<vmem>>
          %dma_wait3A_489 = arith.constant 0 : i32
          %dma_wait3A_490 = arith.constant 0 : i32
          %dma_wait3A_491 = tpu.memref_slice %arg2[%dma_wait3A_489, %dma_wait3A_490] : memref<100000x32xf32, #tpu.memory_space<hbm>> -> memref<100000x32xf32, #tpu.memory_space<hbm>>
          tpu.wait_indirect_dma semaphore(%arg32 : memref<!tpu.dma_semaphore, #tpu.memory_space<semaphore_mem>>) src(%dma_wait3A_491 : memref<100000x32xf32, #tpu.memory_space<hbm>>) dst(%arg15 : memref<80x32xf32, #tpu.memory_space<vmem>>)
          %mul3A_492 = arith.constant 80 : i32
          %mul3A_493 = arith.muli %add3A_485, %mul3A_492 : i32
          %add3A_494 = arith.constant 0 : i32
          %add3A_495 = arith.addi %mul3A_493, %add3A_494 : i32
          %get3A_496 = arith.index_cast %add3A_495 : i32 to index
          %get3A_497 = tpu.vector_load %arg7[%get3A_496] {strides = array<i32>} : memref<1280xi32, #tpu.memory_space<vmem>>, vector<16xi32>,
          %swap3A_498 = arith.constant 0 : index
          %swap3A_499 = tpu.vector_load %arg23[%swap3A_498] {strides = array<i32>} : memref<80xi32, #tpu.memory_space<vmem>>, vector<16xi32>,
          tpu.vector_store %arg23[%swap3A_498], %get3A_497 {strides = array<i32>} : memref<80xi32, #tpu.memory_space<vmem>>, vector<16xi32>,
          %mul3A_500 = arith.constant 80 : i32
          %mul3A_501 = arith.muli %add3A_485, %mul3A_500 : i32
          %add3A_502 = arith.constant 16 : i32
          %add3A_503 = arith.addi %mul3A_501, %add3A_502 : i32
          %get3A_504 = arith.index_cast %add3A_503 : i32 to index
          %get3A_505 = tpu.vector_load %arg7[%get3A_504] {strides = array<i32>} : memref<1280xi32, #tpu.memory_space<vmem>>, vector<16xi32>,
          %swap3A_506 = arith.constant 16 : index
          %swap3A_507 = tpu.vector_load %arg23[%swap3A_506] {strides = array<i32>} : memref<80xi32, #tpu.memory_space<vmem>>, vector<16xi32>,
          tpu.vector_store %arg23[%swap3A_506], %get3A_505 {strides = array<i32>} : memref<80xi32, #tpu.memory_space<vmem>>, vector<16xi32>,
          %mul3A_508 = arith.constant 80 : i32
          %mul3A_509 = arith.muli %add3A_485, %mul3A_508 : i32
          %add3A_510 = arith.constant 32 : i32
          %add3A_511 = arith.addi %mul3A_509, %add3A_510 : i32
          %get3A_512 = arith.index_cast %add3A_511 : i32 to index
          %get3A_513 = tpu.vector_load %arg7[%get3A_512] {strides = array<i32>} : memref<1280xi32, #tpu.memory_space<vmem>>, vector<16xi32>,
          %swap3A_514 = arith.constant 32 : index
          %swap3A_515 = tpu.vector_load %arg23[%swap3A_514] {strides = array<i32>} : memref<80xi32, #tpu.memory_space<vmem>>, vector<16xi32>,
          tpu.vector_store %arg23[%swap3A_514], %get3A_513 {strides = array<i32>} : memref<80xi32, #tpu.memory_space<vmem>>, vector<16xi32>,
          %mul3A_516 = arith.constant 80 : i32
          %mul3A_517 = arith.muli %add3A_485, %mul3A_516 : i32
          %add3A_518 = arith.constant 48 : i32
          %add3A_519 = arith.addi %mul3A_517, %add3A_518 : i32
          %get3A_520 = arith.index_cast %add3A_519 : i32 to index
          %get3A_521 = tpu.vector_load %arg7[%get3A_520] {strides = array<i32>} : memref<1280xi32, #tpu.memory_space<vmem>>, vector<16xi32>,
          %swap3A_522 = arith.constant 48 : index
          %swap3A_523 = tpu.vector_load %arg23[%swap3A_522] {strides = array<i32>} : memref<80xi32, #tpu.memory_space<vmem>>, vector<16xi32>,
          tpu.vector_store %arg23[%swap3A_522], %get3A_521 {strides = array<i32>} : memref<80xi32, #tpu.memory_space<vmem>>, vector<16xi32>,
          %mul3A_524 = arith.constant 80 : i32
          %mul3A_525 = arith.muli %add3A_485, %mul3A_524 : i32
          %add3A_526 = arith.constant 64 : i32
          %add3A_527 = arith.addi %mul3A_525, %add3A_526 : i32
          %get3A_528 = arith.index_cast %add3A_527 : i32 to index
          %get3A_529 = tpu.vector_load %arg7[%get3A_528] {strides = array<i32>} : memref<1280xi32, #tpu.memory_space<vmem>>, vector<16xi32>,
          %swap3A_530 = arith.constant 64 : index
          %swap3A_531 = tpu.vector_load %arg23[%swap3A_530] {strides = array<i32>} : memref<80xi32, #tpu.memory_space<vmem>>, vector<16xi32>,
          tpu.vector_store %arg23[%swap3A_530], %get3A_529 {strides = array<i32>} : memref<80xi32, #tpu.memory_space<vmem>>, vector<16xi32>,
          %dma_start3A_532 = arith.constant 0 : i32
          %dma_start3A_533 = arith.constant 0 : i32
          %dma_start3A_534 = tpu.memref_slice %arg26[%dma_start3A_532, %dma_start3A_533] : memref<50000x32xf32, #tpu.memory_space<vmem_shared>> -> memref<50000x32xf32, #tpu.memory_space<vmem_shared>>
          tpu.enqueue_indirect_dma source(%arg15 : memref<80x32xf32, #tpu.memory_space<vmem>>) target(%dma_start3A_534 : memref<50000x32xf32, #tpu.memory_space<vmem_shared>>) offsets(%arg23 : memref<80xi32, #tpu.memory_space<vmem>>) semaphore(%arg40 : memref<!tpu.dma_semaphore, #tpu.memory_space<semaphore_mem>>) {add = true}
          %dma_wait3A_535 = arith.constant 0 : i32
          %dma_wait3A_536 = arith.constant 0 : i32
          %dma_wait3A_537 = tpu.memref_slice %arg26[%dma_wait3A_535, %dma_wait3A_536] : memref<50000x32xf32, #tpu.memory_space<vmem_shared>> -> memref<50000x32xf32, #tpu.memory_space<vmem_shared>>
          tpu.wait_indirect_dma semaphore(%arg39 : memref<!tpu.dma_semaphore, #tpu.memory_space<semaphore_mem>>) src(%arg14 : memref<80x32xf32, #tpu.memory_space<vmem>>) dst(%dma_wait3A_537 : memref<50000x32xf32, #tpu.memory_space<vmem_shared>>)
          %lt3A_538 = arith.constant 9 : i32
          %lt3A_539 = arith.cmpi slt, %add3A_485, %lt3A_538 : i32
          %convert_element_type3A_540 = arith.extui %lt3A_539 : i1 to i32
          %cond3A_541 = arith.constant 0 : i32
          %cond3A_542 = arith.cmpi ne, %convert_element_type3A_540, %cond3A_541 : i32
          scf.if %cond3A_542 {
            %add3A_665 = arith.constant 8 : i32
            %add3A_666 = arith.addi %add3A_485, %add3A_665 : i32
            %sub3A = arith.constant 1 : i32
            %sub3A_667 = arith.subi %add3A_666, %sub3A : i32
            %mul3A_668 = arith.constant 80 : i32
            %mul3A_669 = arith.muli %sub3A_667, %mul3A_668 : i32
            %dma_start3A_670 = tpu.memref_slice %arg6[%mul3A_669] : memref<1280xi32, #tpu.memory_space<vmem>> -> memref<80xi32, #tpu.memory_space<vmem>>
            %dma_start3A_671 = arith.constant 0 : i32
            %dma_start3A_672 = arith.constant 0 : i32
            %dma_start3A_673 = tpu.memref_slice %arg2[%dma_start3A_671, %dma_start3A_672] : memref<100000x32xf32, #tpu.memory_space<hbm>> -> memref<100000x32xf32, #tpu.memory_space<hbm>>
            tpu.enqueue_indirect_dma source(%dma_start3A_673 : memref<100000x32xf32, #tpu.memory_space<hbm>>) target(%arg14 : memref<80x32xf32, #tpu.memory_space<vmem>>) offsets(%dma_start3A_670 : memref<80xi32, #tpu.memory_space<vmem>>) semaphore(%arg31 : memref<!tpu.dma_semaphore, #tpu.memory_space<semaphore_mem>>)
          } else {
          }
          %mul3A_543 = arith.constant 8 : i32
          %mul3A_544 = arith.muli %scan3A_176, %mul3A_543 : i32
          %add3A_545 = arith.constant 6 : i32
          %add3A_546 = arith.addi %mul3A_544, %add3A_545 : i32
          %mul3A_547 = arith.constant 80 : i32
          %mul3A_548 = arith.muli %add3A_546, %mul3A_547 : i32
          %dma_wait3A_549 = tpu.memref_slice %arg6[%mul3A_548] : memref<1280xi32, #tpu.memory_space<vmem>> -> memref<80xi32, #tpu.memory_space<vmem>>
          %dma_wait3A_550 = arith.constant 0 : i32
          %dma_wait3A_551 = arith.constant 0 : i32
          %dma_wait3A_552 = tpu.memref_slice %arg2[%dma_wait3A_550, %dma_wait3A_551] : memref<100000x32xf32, #tpu.memory_space<hbm>> -> memref<100000x32xf32, #tpu.memory_space<hbm>>
          tpu.wait_indirect_dma semaphore(%arg33 : memref<!tpu.dma_semaphore, #tpu.memory_space<semaphore_mem>>) src(%dma_wait3A_552 : memref<100000x32xf32, #tpu.memory_space<hbm>>) dst(%arg16 : memref<80x32xf32, #tpu.memory_space<vmem>>)
          %mul3A_553 = arith.constant 80 : i32
          %mul3A_554 = arith.muli %add3A_546, %mul3A_553 : i32
          %add3A_555 = arith.constant 0 : i32
          %add3A_556 = arith.addi %mul3A_554, %add3A_555 : i32
          %get3A_557 = arith.index_cast %add3A_556 : i32 to index
          %get3A_558 = tpu.vector_load %arg7[%get3A_557] {strides = array<i32>} : memref<1280xi32, #tpu.memory_space<vmem>>, vector<16xi32>,
          %swap3A_559 = arith.constant 0 : index
          %swap3A_560 = tpu.vector_load %arg24[%swap3A_559] {strides = array<i32>} : memref<80xi32, #tpu.memory_space<vmem>>, vector<16xi32>,
          tpu.vector_store %arg24[%swap3A_559], %get3A_558 {strides = array<i32>} : memref<80xi32, #tpu.memory_space<vmem>>, vector<16xi32>,
          %mul3A_561 = arith.constant 80 : i32
          %mul3A_562 = arith.muli %add3A_546, %mul3A_561 : i32
          %add3A_563 = arith.constant 16 : i32
          %add3A_564 = arith.addi %mul3A_562, %add3A_563 : i32
          %get3A_565 = arith.index_cast %add3A_564 : i32 to index
          %get3A_566 = tpu.vector_load %arg7[%get3A_565] {strides = array<i32>} : memref<1280xi32, #tpu.memory_space<vmem>>, vector<16xi32>,
          %swap3A_567 = arith.constant 16 : index
          %swap3A_568 = tpu.vector_load %arg24[%swap3A_567] {strides = array<i32>} : memref<80xi32, #tpu.memory_space<vmem>>, vector<16xi32>,
          tpu.vector_store %arg24[%swap3A_567], %get3A_566 {strides = array<i32>} : memref<80xi32, #tpu.memory_space<vmem>>, vector<16xi32>,
          %mul3A_569 = arith.constant 80 : i32
          %mul3A_570 = arith.muli %add3A_546, %mul3A_569 : i32
          %add3A_571 = arith.constant 32 : i32
          %add3A_572 = arith.addi %mul3A_570, %add3A_571 : i32
          %get3A_573 = arith.index_cast %add3A_572 : i32 to index
          %get3A_574 = tpu.vector_load %arg7[%get3A_573] {strides = array<i32>} : memref<1280xi32, #tpu.memory_space<vmem>>, vector<16xi32>,
          %swap3A_575 = arith.constant 32 : index
          %swap3A_576 = tpu.vector_load %arg24[%swap3A_575] {strides = array<i32>} : memref<80xi32, #tpu.memory_space<vmem>>, vector<16xi32>,
          tpu.vector_store %arg24[%swap3A_575], %get3A_574 {strides = array<i32>} : memref<80xi32, #tpu.memory_space<vmem>>, vector<16xi32>,
          %mul3A_577 = arith.constant 80 : i32
          %mul3A_578 = arith.muli %add3A_546, %mul3A_577 : i32
          %add3A_579 = arith.constant 48 : i32
          %add3A_580 = arith.addi %mul3A_578, %add3A_579 : i32
          %get3A_581 = arith.index_cast %add3A_580 : i32 to index
          %get3A_582 = tpu.vector_load %arg7[%get3A_581] {strides = array<i32>} : memref<1280xi32, #tpu.memory_space<vmem>>, vector<16xi32>,
          %swap3A_583 = arith.constant 48 : index
          %swap3A_584 = tpu.vector_load %arg24[%swap3A_583] {strides = array<i32>} : memref<80xi32, #tpu.memory_space<vmem>>, vector<16xi32>,
          tpu.vector_store %arg24[%swap3A_583], %get3A_582 {strides = array<i32>} : memref<80xi32, #tpu.memory_space<vmem>>, vector<16xi32>,
          %mul3A_585 = arith.constant 80 : i32
          %mul3A_586 = arith.muli %add3A_546, %mul3A_585 : i32
          %add3A_587 = arith.constant 64 : i32
          %add3A_588 = arith.addi %mul3A_586, %add3A_587 : i32
          %get3A_589 = arith.index_cast %add3A_588 : i32 to index
          %get3A_590 = tpu.vector_load %arg7[%get3A_589] {strides = array<i32>} : memref<1280xi32, #tpu.memory_space<vmem>>, vector<16xi32>,
          %swap3A_591 = arith.constant 64 : index
          %swap3A_592 = tpu.vector_load %arg24[%swap3A_591] {strides = array<i32>} : memref<80xi32, #tpu.memory_space<vmem>>, vector<16xi32>,
          tpu.vector_store %arg24[%swap3A_591], %get3A_590 {strides = array<i32>} : memref<80xi32, #tpu.memory_space<vmem>>, vector<16xi32>,
          %dma_start3A_593 = arith.constant 0 : i32
          %dma_start3A_594 = arith.constant 0 : i32
          %dma_start3A_595 = tpu.memref_slice %arg26[%dma_start3A_593, %dma_start3A_594] : memref<50000x32xf32, #tpu.memory_space<vmem_shared>> -> memref<50000x32xf32, #tpu.memory_space<vmem_shared>>
          tpu.enqueue_indirect_dma source(%arg16 : memref<80x32xf32, #tpu.memory_space<vmem>>) target(%dma_start3A_595 : memref<50000x32xf32, #tpu.memory_space<vmem_shared>>) offsets(%arg24 : memref<80xi32, #tpu.memory_space<vmem>>) semaphore(%arg41 : memref<!tpu.dma_semaphore, #tpu.memory_space<semaphore_mem>>) {add = true}
          %dma_wait3A_596 = arith.constant 0 : i32
          %dma_wait3A_597 = arith.constant 0 : i32
          %dma_wait3A_598 = tpu.memref_slice %arg26[%dma_wait3A_596, %dma_wait3A_597] : memref<50000x32xf32, #tpu.memory_space<vmem_shared>> -> memref<50000x32xf32, #tpu.memory_space<vmem_shared>>
          tpu.wait_indirect_dma semaphore(%arg40 : memref<!tpu.dma_semaphore, #tpu.memory_space<semaphore_mem>>) src(%arg15 : memref<80x32xf32, #tpu.memory_space<vmem>>) dst(%dma_wait3A_598 : memref<50000x32xf32, #tpu.memory_space<vmem_shared>>)
          %lt3A_599 = arith.constant 9 : i32
          %lt3A_600 = arith.cmpi slt, %add3A_546, %lt3A_599 : i32
          %convert_element_type3A_601 = arith.extui %lt3A_600 : i1 to i32
          %cond3A_602 = arith.constant 0 : i32
          %cond3A_603 = arith.cmpi ne, %convert_element_type3A_601, %cond3A_602 : i32
          scf.if %cond3A_603 {
            %add3A_665 = arith.constant 8 : i32
            %add3A_666 = arith.addi %add3A_546, %add3A_665 : i32
            %sub3A = arith.constant 1 : i32
            %sub3A_667 = arith.subi %add3A_666, %sub3A : i32
            %mul3A_668 = arith.constant 80 : i32
            %mul3A_669 = arith.muli %sub3A_667, %mul3A_668 : i32
            %dma_start3A_670 = tpu.memref_slice %arg6[%mul3A_669] : memref<1280xi32, #tpu.memory_space<vmem>> -> memref<80xi32, #tpu.memory_space<vmem>>
            %dma_start3A_671 = arith.constant 0 : i32
            %dma_start3A_672 = arith.constant 0 : i32
            %dma_start3A_673 = tpu.memref_slice %arg2[%dma_start3A_671, %dma_start3A_672] : memref<100000x32xf32, #tpu.memory_space<hbm>> -> memref<100000x32xf32, #tpu.memory_space<hbm>>
            tpu.enqueue_indirect_dma source(%dma_start3A_673 : memref<100000x32xf32, #tpu.memory_space<hbm>>) target(%arg15 : memref<80x32xf32, #tpu.memory_space<vmem>>) offsets(%dma_start3A_670 : memref<80xi32, #tpu.memory_space<vmem>>) semaphore(%arg32 : memref<!tpu.dma_semaphore, #tpu.memory_space<semaphore_mem>>)
          } else {
          }
          %mul3A_604 = arith.constant 8 : i32
          %mul3A_605 = arith.muli %scan3A_176, %mul3A_604 : i32
          %add3A_606 = arith.constant 7 : i32
          %add3A_607 = arith.addi %mul3A_605, %add3A_606 : i32
          %mul3A_608 = arith.constant 80 : i32
          %mul3A_609 = arith.muli %add3A_607, %mul3A_608 : i32
          %dma_wait3A_610 = tpu.memref_slice %arg6[%mul3A_609] : memref<1280xi32, #tpu.memory_space<vmem>> -> memref<80xi32, #tpu.memory_space<vmem>>
          %dma_wait3A_611 = arith.constant 0 : i32
          %dma_wait3A_612 = arith.constant 0 : i32
          %dma_wait3A_613 = tpu.memref_slice %arg2[%dma_wait3A_611, %dma_wait3A_612] : memref<100000x32xf32, #tpu.memory_space<hbm>> -> memref<100000x32xf32, #tpu.memory_space<hbm>>
          tpu.wait_indirect_dma semaphore(%arg34 : memref<!tpu.dma_semaphore, #tpu.memory_space<semaphore_mem>>) src(%dma_wait3A_613 : memref<100000x32xf32, #tpu.memory_space<hbm>>) dst(%arg17 : memref<80x32xf32, #tpu.memory_space<vmem>>)
          %mul3A_614 = arith.constant 80 : i32
          %mul3A_615 = arith.muli %add3A_607, %mul3A_614 : i32
          %add3A_616 = arith.constant 0 : i32
          %add3A_617 = arith.addi %mul3A_615, %add3A_616 : i32
          %get3A_618 = arith.index_cast %add3A_617 : i32 to index
          %get3A_619 = tpu.vector_load %arg7[%get3A_618] {strides = array<i32>} : memref<1280xi32, #tpu.memory_space<vmem>>, vector<16xi32>,
          %swap3A_620 = arith.constant 0 : index
          %swap3A_621 = tpu.vector_load %arg25[%swap3A_620] {strides = array<i32>} : memref<80xi32, #tpu.memory_space<vmem>>, vector<16xi32>,
          tpu.vector_store %arg25[%swap3A_620], %get3A_619 {strides = array<i32>} : memref<80xi32, #tpu.memory_space<vmem>>, vector<16xi32>,
          %mul3A_622 = arith.constant 80 : i32
          %mul3A_623 = arith.muli %add3A_607, %mul3A_622 : i32
          %add3A_624 = arith.constant 16 : i32
          %add3A_625 = arith.addi %mul3A_623, %add3A_624 : i32
          %get3A_626 = arith.index_cast %add3A_625 : i32 to index
          %get3A_627 = tpu.vector_load %arg7[%get3A_626] {strides = array<i32>} : memref<1280xi32, #tpu.memory_space<vmem>>, vector<16xi32>,
          %swap3A_628 = arith.constant 16 : index
          %swap3A_629 = tpu.vector_load %arg25[%swap3A_628] {strides = array<i32>} : memref<80xi32, #tpu.memory_space<vmem>>, vector<16xi32>,
          tpu.vector_store %arg25[%swap3A_628], %get3A_627 {strides = array<i32>} : memref<80xi32, #tpu.memory_space<vmem>>, vector<16xi32>,
          %mul3A_630 = arith.constant 80 : i32
          %mul3A_631 = arith.muli %add3A_607, %mul3A_630 : i32
          %add3A_632 = arith.constant 32 : i32
          %add3A_633 = arith.addi %mul3A_631, %add3A_632 : i32
          %get3A_634 = arith.index_cast %add3A_633 : i32 to index
          %get3A_635 = tpu.vector_load %arg7[%get3A_634] {strides = array<i32>} : memref<1280xi32, #tpu.memory_space<vmem>>, vector<16xi32>,
          %swap3A_636 = arith.constant 32 : index
          %swap3A_637 = tpu.vector_load %arg25[%swap3A_636] {strides = array<i32>} : memref<80xi32, #tpu.memory_space<vmem>>, vector<16xi32>,
          tpu.vector_store %arg25[%swap3A_636], %get3A_635 {strides = array<i32>} : memref<80xi32, #tpu.memory_space<vmem>>, vector<16xi32>,
          %mul3A_638 = arith.constant 80 : i32
          %mul3A_639 = arith.muli %add3A_607, %mul3A_638 : i32
          %add3A_640 = arith.constant 48 : i32
          %add3A_641 = arith.addi %mul3A_639, %add3A_640 : i32
          %get3A_642 = arith.index_cast %add3A_641 : i32 to index
          %get3A_643 = tpu.vector_load %arg7[%get3A_642] {strides = array<i32>} : memref<1280xi32, #tpu.memory_space<vmem>>, vector<16xi32>,
          %swap3A_644 = arith.constant 48 : index
          %swap3A_645 = tpu.vector_load %arg25[%swap3A_644] {strides = array<i32>} : memref<80xi32, #tpu.memory_space<vmem>>, vector<16xi32>,
          tpu.vector_store %arg25[%swap3A_644], %get3A_643 {strides = array<i32>} : memref<80xi32, #tpu.memory_space<vmem>>, vector<16xi32>,
          %mul3A_646 = arith.constant 80 : i32
          %mul3A_647 = arith.muli %add3A_607, %mul3A_646 : i32
          %add3A_648 = arith.constant 64 : i32
          %add3A_649 = arith.addi %mul3A_647, %add3A_648 : i32
          %get3A_650 = arith.index_cast %add3A_649 : i32 to index
          %get3A_651 = tpu.vector_load %arg7[%get3A_650] {strides = array<i32>} : memref<1280xi32, #tpu.memory_space<vmem>>, vector<16xi32>,
          %swap3A_652 = arith.constant 64 : index
          %swap3A_653 = tpu.vector_load %arg25[%swap3A_652] {strides = array<i32>} : memref<80xi32, #tpu.memory_space<vmem>>, vector<16xi32>,
          tpu.vector_store %arg25[%swap3A_652], %get3A_651 {strides = array<i32>} : memref<80xi32, #tpu.memory_space<vmem>>, vector<16xi32>,
          %dma_start3A_654 = arith.constant 0 : i32
          %dma_start3A_655 = arith.constant 0 : i32
          %dma_start3A_656 = tpu.memref_slice %arg26[%dma_start3A_654, %dma_start3A_655] : memref<50000x32xf32, #tpu.memory_space<vmem_shared>> -> memref<50000x32xf32, #tpu.memory_space<vmem_shared>>
          tpu.enqueue_indirect_dma source(%arg17 : memref<80x32xf32, #tpu.memory_space<vmem>>) target(%dma_start3A_656 : memref<50000x32xf32, #tpu.memory_space<vmem_shared>>) offsets(%arg25 : memref<80xi32, #tpu.memory_space<vmem>>) semaphore(%arg42 : memref<!tpu.dma_semaphore, #tpu.memory_space<semaphore_mem>>) {add = true}
          %dma_wait3A_657 = arith.constant 0 : i32
          %dma_wait3A_658 = arith.constant 0 : i32
          %dma_wait3A_659 = tpu.memref_slice %arg26[%dma_wait3A_657, %dma_wait3A_658] : memref<50000x32xf32, #tpu.memory_space<vmem_shared>> -> memref<50000x32xf32, #tpu.memory_space<vmem_shared>>
          tpu.wait_indirect_dma semaphore(%arg41 : memref<!tpu.dma_semaphore, #tpu.memory_space<semaphore_mem>>) src(%arg16 : memref<80x32xf32, #tpu.memory_space<vmem>>) dst(%dma_wait3A_659 : memref<50000x32xf32, #tpu.memory_space<vmem_shared>>)
          %lt3A_660 = arith.constant 9 : i32
          %lt3A_661 = arith.cmpi slt, %add3A_607, %lt3A_660 : i32
          %convert_element_type3A_662 = arith.extui %lt3A_661 : i1 to i32
          %cond3A_663 = arith.constant 0 : i32
          %cond3A_664 = arith.cmpi ne, %convert_element_type3A_662, %cond3A_663 : i32
          scf.if %cond3A_664 {
            %add3A_665 = arith.constant 8 : i32
            %add3A_666 = arith.addi %add3A_607, %add3A_665 : i32
            %sub3A = arith.constant 1 : i32
            %sub3A_667 = arith.subi %add3A_666, %sub3A : i32
            %mul3A_668 = arith.constant 80 : i32
            %mul3A_669 = arith.muli %sub3A_667, %mul3A_668 : i32
            %dma_start3A_670 = tpu.memref_slice %arg6[%mul3A_669] : memref<1280xi32, #tpu.memory_space<vmem>> -> memref<80xi32, #tpu.memory_space<vmem>>
            %dma_start3A_671 = arith.constant 0 : i32
            %dma_start3A_672 = arith.constant 0 : i32
            %dma_start3A_673 = tpu.memref_slice %arg2[%dma_start3A_671, %dma_start3A_672] : memref<100000x32xf32, #tpu.memory_space<hbm>> -> memref<100000x32xf32, #tpu.memory_space<hbm>>
            tpu.enqueue_indirect_dma source(%dma_start3A_673 : memref<100000x32xf32, #tpu.memory_space<hbm>>) target(%arg16 : memref<80x32xf32, #tpu.memory_space<vmem>>) offsets(%dma_start3A_670 : memref<80xi32, #tpu.memory_space<vmem>>) semaphore(%arg33 : memref<!tpu.dma_semaphore, #tpu.memory_space<semaphore_mem>>)
          } else {
          }
        }
        %scan3A_172 = arith.constant 2 : i32
        %dma_wait3A_173 = arith.constant 0 : i32
        %dma_wait3A_174 = arith.constant 0 : i32
        %dma_wait3A_175 = tpu.memref_slice %arg26[%dma_wait3A_173, %dma_wait3A_174] : memref<50000x32xf32, #tpu.memory_space<vmem_shared>> -> memref<50000x32xf32, #tpu.memory_space<vmem_shared>>
        tpu.wait_indirect_dma semaphore(%arg42 : memref<!tpu.dma_semaphore, #tpu.memory_space<semaphore_mem>>) src(%arg17 : memref<80x32xf32, #tpu.memory_space<vmem>>) dst(%dma_wait3A_175 : memref<50000x32xf32, #tpu.memory_space<vmem_shared>>)
      } else {
      }
      %mul3A_103 = arith.constant 2 : i32
      %mul3A_104 = arith.muli %scan3A_94, %mul3A_103 : i32
      %add3A_105 = arith.constant 1 : i32
      %add3A_106 = arith.addi %mul3A_104, %add3A_105 : i32
      %lt3A_107 = arith.cmpi slt, %add3A_106, %select_n3A : i32
      %convert_element_type3A_108 = arith.extui %lt3A_107 : i1 to i32
      %cond3A_109 = arith.constant 0 : i32
      %cond3A_110 = arith.cmpi ne, %convert_element_type3A_108, %cond3A_109 : i32
      scf.if %cond3A_110 {
        %mul3A_111 = arith.constant 1280 : i32
        %mul3A_112 = arith.muli %add3A_106, %mul3A_111 : i32
        %add3A_113 = arith.addi %mul3A_2, %mul3A_112 : i32
        %dma_wait3A = tpu.memref_slice %arg3[%add3A_113] : memref<800000xi32, #tpu.memory_space<hbm>> -> memref<1280xi32, #tpu.memory_space<hbm>>
        %dma_wait3A_114 = tpu.memref_slice %arg3[%add3A_113] : memref<800000xi32, #tpu.memory_space<hbm>> -> memref<1280xi32, #tpu.memory_space<hbm>>
        tpu.wait_dma2 semaphore(%arg44 : memref<!tpu.dma_semaphore, #tpu.memory_space<semaphore_mem>>) src(%dma_wait3A_114 : memref<1280xi32, #tpu.memory_space<hbm>>) dst(%arg8 : memref<1280xi32, #tpu.memory_space<vmem>>)
        %mul3A_115 = arith.constant 1280 : i32
        %mul3A_116 = arith.muli %add3A_106, %mul3A_115 : i32
        %add3A_117 = arith.addi %mul3A_2, %mul3A_116 : i32
        %dma_wait3A_118 = tpu.memref_slice %arg4[%add3A_117] : memref<800000xi32, #tpu.memory_space<hbm>> -> memref<1280xi32, #tpu.memory_space<hbm>>
        %dma_wait3A_119 = tpu.memref_slice %arg4[%add3A_117] : memref<800000xi32, #tpu.memory_space<hbm>> -> memref<1280xi32, #tpu.memory_space<hbm>>
        tpu.wait_dma2 semaphore(%arg44 : memref<!tpu.dma_semaphore, #tpu.memory_space<semaphore_mem>>) src(%dma_wait3A_119 : memref<1280xi32, #tpu.memory_space<hbm>>) dst(%arg9 : memref<1280xi32, #tpu.memory_space<vmem>>)
        %add3A_120 = arith.constant 1 : i32
        %add3A_121 = arith.addi %add3A_106, %add3A_120 : i32
        %lt3A_122 = arith.cmpi slt, %add3A_121, %select_n3A : i32
        %convert_element_type3A_123 = arith.extui %lt3A_122 : i1 to i32
        %cond3A_124 = arith.constant 0 : i32
        %cond3A_125 = arith.cmpi ne, %convert_element_type3A_123, %cond3A_124 : i32
        scf.if %cond3A_125 {
          %add3A_176 = arith.constant 1 : i32
          %add3A_177 = arith.addi %add3A_106, %add3A_176 : i32
          %mul3A_178 = arith.constant 1280 : i32
          %mul3A_179 = arith.muli %add3A_177, %mul3A_178 : i32
          %add3A_180 = arith.addi %mul3A_2, %mul3A_179 : i32
          %dma_start3A_181 = tpu.memref_slice %arg3[%add3A_180] : memref<800000xi32, #tpu.memory_space<hbm>> -> memref<1280xi32, #tpu.memory_space<hbm>>
          %dma_start3A_182 = tpu.memref_slice %arg3[%add3A_180] : memref<800000xi32, #tpu.memory_space<hbm>> -> memref<1280xi32, #tpu.memory_space<hbm>>
          tpu.enqueue_dma source(%dma_start3A_182 : memref<1280xi32, #tpu.memory_space<hbm>>) target(%arg6 : memref<1280xi32, #tpu.memory_space<vmem>>) target_semaphore(%arg43 : memref<!tpu.dma_semaphore, #tpu.memory_space<semaphore_mem>>)
          %mul3A_183 = arith.constant 1280 : i32
          %mul3A_184 = arith.muli %add3A_177, %mul3A_183 : i32
          %add3A_185 = arith.addi %mul3A_2, %mul3A_184 : i32
          %dma_start3A_186 = tpu.memref_slice %arg4[%add3A_185] : memref<800000xi32, #tpu.memory_space<hbm>> -> memref<1280xi32, #tpu.memory_space<hbm>>
          %dma_start3A_187 = tpu.memref_slice %arg4[%add3A_185] : memref<800000xi32, #tpu.memory_space<hbm>> -> memref<1280xi32, #tpu.memory_space<hbm>>
          tpu.enqueue_dma source(%dma_start3A_187 : memref<1280xi32, #tpu.memory_space<hbm>>) target(%arg7 : memref<1280xi32, #tpu.memory_space<vmem>>) target_semaphore(%arg43 : memref<!tpu.dma_semaphore, #tpu.memory_space<semaphore_mem>>)
        } else {
        }
        %scan3A_126 = arith.constant 0 : i32
        %scan3A_127 = arith.constant 0 : i32
        %scan3A_128 = arith.constant 80 : i32
        %scan3A_129 = arith.addi %scan3A_127, %scan3A_128 : i32
        %scan3A_130 = arith.constant 4 : i32
        scf.for %scan3A_176 = %scan3A_127 to %scan3A_129 step %scan3A_130  : i32 {
          %mul3A_177 = arith.constant 16 : i32
          %mul3A_178 = arith.muli %scan3A_176, %mul3A_177 : i32
          %get3A = arith.index_cast %mul3A_178 : i32 to index
          %get3A_179 = tpu.vector_load %arg8[%get3A] {strides = array<i32>} : memref<1280xi32, #tpu.memory_space<vmem>>, vector<16xi32>,
          %mul3A_180 = arith.constant 2 : i32
          %mul3A_181 = vector.broadcast %mul3A_180 : i32 to vector<16xi32>
          %mul3A_182 = arith.muli %get3A_179, %mul3A_181 : vector<16xi32>
          %add3A_183 = vector.broadcast %arg0 : i32 to vector<16xi32>
          %add3A_184 = arith.addi %mul3A_182, %add3A_183 : vector<16xi32>
          %swap3A_185 = arith.index_cast %mul3A_178 : i32 to index
          %swap3A_186 = tpu.vector_load %arg8[%swap3A_185] {strides = array<i32>} : memref<1280xi32, #tpu.memory_space<vmem>>, vector<16xi32>,
          tpu.vector_store %arg8[%swap3A_185], %add3A_184 {strides = array<i32>} : memref<1280xi32, #tpu.memory_space<vmem>>, vector<16xi32>,
          %scan3A_187 = arith.constant 1 : i32
          %scan3A_188 = arith.addi %scan3A_176, %scan3A_187 : i32
          %mul3A_189 = arith.constant 16 : i32
          %mul3A_190 = arith.muli %scan3A_188, %mul3A_189 : i32
          %get3A_191 = arith.index_cast %mul3A_190 : i32 to index
          %get3A_192 = tpu.vector_load %arg8[%get3A_191] {strides = array<i32>} : memref<1280xi32, #tpu.memory_space<vmem>>, vector<16xi32>,
          %mul3A_193 = arith.constant 2 : i32
          %mul3A_194 = vector.broadcast %mul3A_193 : i32 to vector<16xi32>
          %mul3A_195 = arith.muli %get3A_192, %mul3A_194 : vector<16xi32>
          %add3A_196 = vector.broadcast %arg0 : i32 to vector<16xi32>
          %add3A_197 = arith.addi %mul3A_195, %add3A_196 : vector<16xi32>
          %swap3A_198 = arith.index_cast %mul3A_190 : i32 to index
          %swap3A_199 = tpu.vector_load %arg8[%swap3A_198] {strides = array<i32>} : memref<1280xi32, #tpu.memory_space<vmem>>, vector<16xi32>,
          tpu.vector_store %arg8[%swap3A_198], %add3A_197 {strides = array<i32>} : memref<1280xi32, #tpu.memory_space<vmem>>, vector<16xi32>,
          %scan3A_200 = arith.constant 2 : i32
          %scan3A_201 = arith.addi %scan3A_176, %scan3A_200 : i32
          %mul3A_202 = arith.constant 16 : i32
          %mul3A_203 = arith.muli %scan3A_201, %mul3A_202 : i32
          %get3A_204 = arith.index_cast %mul3A_203 : i32 to index
          %get3A_205 = tpu.vector_load %arg8[%get3A_204] {strides = array<i32>} : memref<1280xi32, #tpu.memory_space<vmem>>, vector<16xi32>,
          %mul3A_206 = arith.constant 2 : i32
          %mul3A_207 = vector.broadcast %mul3A_206 : i32 to vector<16xi32>
          %mul3A_208 = arith.muli %get3A_205, %mul3A_207 : vector<16xi32>
          %add3A_209 = vector.broadcast %arg0 : i32 to vector<16xi32>
          %add3A_210 = arith.addi %mul3A_208, %add3A_209 : vector<16xi32>
          %swap3A_211 = arith.index_cast %mul3A_203 : i32 to index
          %swap3A_212 = tpu.vector_load %arg8[%swap3A_211] {strides = array<i32>} : memref<1280xi32, #tpu.memory_space<vmem>>, vector<16xi32>,
          tpu.vector_store %arg8[%swap3A_211], %add3A_210 {strides = array<i32>} : memref<1280xi32, #tpu.memory_space<vmem>>, vector<16xi32>,
          %scan3A_213 = arith.constant 3 : i32
          %scan3A_214 = arith.addi %scan3A_176, %scan3A_213 : i32
          %mul3A_215 = arith.constant 16 : i32
          %mul3A_216 = arith.muli %scan3A_214, %mul3A_215 : i32
          %get3A_217 = arith.index_cast %mul3A_216 : i32 to index
          %get3A_218 = tpu.vector_load %arg8[%get3A_217] {strides = array<i32>} : memref<1280xi32, #tpu.memory_space<vmem>>, vector<16xi32>,
          %mul3A_219 = arith.constant 2 : i32
          %mul3A_220 = vector.broadcast %mul3A_219 : i32 to vector<16xi32>
          %mul3A_221 = arith.muli %get3A_218, %mul3A_220 : vector<16xi32>
          %add3A_222 = vector.broadcast %arg0 : i32 to vector<16xi32>
          %add3A_223 = arith.addi %mul3A_221, %add3A_222 : vector<16xi32>
          %swap3A_224 = arith.index_cast %mul3A_216 : i32 to index
          %swap3A_225 = tpu.vector_load %arg8[%swap3A_224] {strides = array<i32>} : memref<1280xi32, #tpu.memory_space<vmem>>, vector<16xi32>,
          tpu.vector_store %arg8[%swap3A_224], %add3A_223 {strides = array<i32>} : memref<1280xi32, #tpu.memory_space<vmem>>, vector<16xi32>,
        }
        %scan3A_131 = arith.constant 80 : i32
        %dma_start3A_132 = arith.constant 0 : i32
        %dma_start3A_133 = tpu.memref_slice %arg8[%dma_start3A_132] : memref<1280xi32, #tpu.memory_space<vmem>> -> memref<80xi32, #tpu.memory_space<vmem>>
        %dma_start3A_134 = arith.constant 0 : i32
        %dma_start3A_135 = arith.constant 0 : i32
        %dma_start3A_136 = tpu.memref_slice %arg2[%dma_start3A_134, %dma_start3A_135] : memref<100000x32xf32, #tpu.memory_space<hbm>> -> memref<100000x32xf32, #tpu.memory_space<hbm>>
        tpu.enqueue_indirect_dma source(%dma_start3A_136 : memref<100000x32xf32, #tpu.memory_space<hbm>>) target(%arg10 : memref<80x32xf32, #tpu.memory_space<vmem>>) offsets(%dma_start3A_133 : memref<80xi32, #tpu.memory_space<vmem>>) semaphore(%arg27 : memref<!tpu.dma_semaphore, #tpu.memory_space<semaphore_mem>>)
        %dma_start3A_137 = arith.constant 80 : i32
        %dma_start3A_138 = tpu.memref_slice %arg8[%dma_start3A_137] : memref<1280xi32, #tpu.memory_space<vmem>> -> memref<80xi32, #tpu.memory_space<vmem>>
        %dma_start3A_139 = arith.constant 0 : i32
        %dma_start3A_140 = arith.constant 0 : i32
        %dma_start3A_141 = tpu.memref_slice %arg2[%dma_start3A_139, %dma_start3A_140] : memref<100000x32xf32, #tpu.memory_space<hbm>> -> memref<100000x32xf32, #tpu.memory_space<hbm>>
        tpu.enqueue_indirect_dma source(%dma_start3A_141 : memref<100000x32xf32, #tpu.memory_space<hbm>>) target(%arg11 : memref<80x32xf32, #tpu.memory_space<vmem>>) offsets(%dma_start3A_138 : memref<80xi32, #tpu.memory_space<vmem>>) semaphore(%arg28 : memref<!tpu.dma_semaphore, #tpu.memory_space<semaphore_mem>>)
        %dma_start3A_142 = arith.constant 160 : i32
        %dma_start3A_143 = tpu.memref_slice %arg8[%dma_start3A_142] : memref<1280xi32, #tpu.memory_space<vmem>> -> memref<80xi32, #tpu.memory_space<vmem>>
        %dma_start3A_144 = arith.constant 0 : i32
        %dma_start3A_145 = arith.constant 0 : i32
        %dma_start3A_146 = tpu.memref_slice %arg2[%dma_start3A_144, %dma_start3A_145] : memref<100000x32xf32, #tpu.memory_space<hbm>> -> memref<100000x32xf32, #tpu.memory_space<hbm>>
        tpu.enqueue_indirect_dma source(%dma_start3A_146 : memref<100000x32xf32, #tpu.memory_space<hbm>>) target(%arg12 : memref<80x32xf32, #tpu.memory_space<vmem>>) offsets(%dma_start3A_143 : memref<80xi32, #tpu.memory_space<vmem>>) semaphore(%arg29 : memref<!tpu.dma_semaphore, #tpu.memory_space<semaphore_mem>>)
        %dma_start3A_147 = arith.constant 240 : i32
        %dma_start3A_148 = tpu.memref_slice %arg8[%dma_start3A_147] : memref<1280xi32, #tpu.memory_space<vmem>> -> memref<80xi32, #tpu.memory_space<vmem>>
        %dma_start3A_149 = arith.constant 0 : i32
        %dma_start3A_150 = arith.constant 0 : i32
        %dma_start3A_151 = tpu.memref_slice %arg2[%dma_start3A_149, %dma_start3A_150] : memref<100000x32xf32, #tpu.memory_space<hbm>> -> memref<100000x32xf32, #tpu.memory_space<hbm>>
        tpu.enqueue_indirect_dma source(%dma_start3A_151 : memref<100000x32xf32, #tpu.memory_space<hbm>>) target(%arg13 : memref<80x32xf32, #tpu.memory_space<vmem>>) offsets(%dma_start3A_148 : memref<80xi32, #tpu.memory_space<vmem>>) semaphore(%arg30 : memref<!tpu.dma_semaphore, #tpu.memory_space<semaphore_mem>>)
        %dma_start3A_152 = arith.constant 320 : i32
        %dma_start3A_153 = tpu.memref_slice %arg8[%dma_start3A_152] : memref<1280xi32, #tpu.memory_space<vmem>> -> memref<80xi32, #tpu.memory_space<vmem>>
        %dma_start3A_154 = arith.constant 0 : i32
        %dma_start3A_155 = arith.constant 0 : i32
        %dma_start3A_156 = tpu.memref_slice %arg2[%dma_start3A_154, %dma_start3A_155] : memref<100000x32xf32, #tpu.memory_space<hbm>> -> memref<100000x32xf32, #tpu.memory_space<hbm>>
        tpu.enqueue_indirect_dma source(%dma_start3A_156 : memref<100000x32xf32, #tpu.memory_space<hbm>>) target(%arg14 : memref<80x32xf32, #tpu.memory_space<vmem>>) offsets(%dma_start3A_153 : memref<80xi32, #tpu.memory_space<vmem>>) semaphore(%arg31 : memref<!tpu.dma_semaphore, #tpu.memory_space<semaphore_mem>>)
        %dma_start3A_157 = arith.constant 400 : i32
        %dma_start3A_158 = tpu.memref_slice %arg8[%dma_start3A_157] : memref<1280xi32, #tpu.memory_space<vmem>> -> memref<80xi32, #tpu.memory_space<vmem>>
        %dma_start3A_159 = arith.constant 0 : i32
        %dma_start3A_160 = arith.constant 0 : i32
        %dma_start3A_161 = tpu.memref_slice %arg2[%dma_start3A_159, %dma_start3A_160] : memref<100000x32xf32, #tpu.memory_space<hbm>> -> memref<100000x32xf32, #tpu.memory_space<hbm>>
        tpu.enqueue_indirect_dma source(%dma_start3A_161 : memref<100000x32xf32, #tpu.memory_space<hbm>>) target(%arg15 : memref<80x32xf32, #tpu.memory_space<vmem>>) offsets(%dma_start3A_158 : memref<80xi32, #tpu.memory_space<vmem>>) semaphore(%arg32 : memref<!tpu.dma_semaphore, #tpu.memory_space<semaphore_mem>>)
        %dma_start3A_162 = arith.constant 480 : i32
        %dma_start3A_163 = tpu.memref_slice %arg8[%dma_start3A_162] : memref<1280xi32, #tpu.memory_space<vmem>> -> memref<80xi32, #tpu.memory_space<vmem>>
        %dma_start3A_164 = arith.constant 0 : i32
        %dma_start3A_165 = arith.constant 0 : i32
        %dma_start3A_166 = tpu.memref_slice %arg2[%dma_start3A_164, %dma_start3A_165] : memref<100000x32xf32, #tpu.memory_space<hbm>> -> memref<100000x32xf32, #tpu.memory_space<hbm>>
        tpu.enqueue_indirect_dma source(%dma_start3A_166 : memref<100000x32xf32, #tpu.memory_space<hbm>>) target(%arg16 : memref<80x32xf32, #tpu.memory_space<vmem>>) offsets(%dma_start3A_163 : memref<80xi32, #tpu.memory_space<vmem>>) semaphore(%arg33 : memref<!tpu.dma_semaphore, #tpu.memory_space<semaphore_mem>>)
        %scan3A_167 = arith.constant 0 : i32
        %scan3A_168 = arith.constant 0 : i32
        %scan3A_169 = arith.constant 2 : i32
        %scan3A_170 = arith.addi %scan3A_168, %scan3A_169 : i32
        %scan3A_171 = arith.constant 1 : i32
        scf.for %scan3A_176 = %scan3A_168 to %scan3A_170 step %scan3A_171  : i32 {
          %mul3A_177 = arith.constant 8 : i32
          %mul3A_178 = arith.muli %scan3A_176, %mul3A_177 : i32
          %add3A_179 = arith.constant 0 : i32
          %add3A_180 = arith.addi %mul3A_178, %add3A_179 : i32
          %mul3A_181 = arith.constant 80 : i32
          %mul3A_182 = arith.muli %add3A_180, %mul3A_181 : i32
          %dma_wait3A_183 = tpu.memref_slice %arg8[%mul3A_182] : memref<1280xi32, #tpu.memory_space<vmem>> -> memref<80xi32, #tpu.memory_space<vmem>>
          %dma_wait3A_184 = arith.constant 0 : i32
          %dma_wait3A_185 = arith.constant 0 : i32
          %dma_wait3A_186 = tpu.memref_slice %arg2[%dma_wait3A_184, %dma_wait3A_185] : memref<100000x32xf32, #tpu.memory_space<hbm>> -> memref<100000x32xf32, #tpu.memory_space<hbm>>
          tpu.wait_indirect_dma semaphore(%arg27 : memref<!tpu.dma_semaphore, #tpu.memory_space<semaphore_mem>>) src(%dma_wait3A_186 : memref<100000x32xf32, #tpu.memory_space<hbm>>) dst(%arg10 : memref<80x32xf32, #tpu.memory_space<vmem>>)
          %mul3A_187 = arith.constant 80 : i32
          %mul3A_188 = arith.muli %add3A_180, %mul3A_187 : i32
          %add3A_189 = arith.constant 0 : i32
          %add3A_190 = arith.addi %mul3A_188, %add3A_189 : i32
          %get3A = arith.index_cast %add3A_190 : i32 to index
          %get3A_191 = tpu.vector_load %arg9[%get3A] {strides = array<i32>} : memref<1280xi32, #tpu.memory_space<vmem>>, vector<16xi32>,
          %swap3A_192 = arith.constant 0 : index
          %swap3A_193 = tpu.vector_load %arg18[%swap3A_192] {strides = array<i32>} : memref<80xi32, #tpu.memory_space<vmem>>, vector<16xi32>,
          tpu.vector_store %arg18[%swap3A_192], %get3A_191 {strides = array<i32>} : memref<80xi32, #tpu.memory_space<vmem>>, vector<16xi32>,
          %mul3A_194 = arith.constant 80 : i32
          %mul3A_195 = arith.muli %add3A_180, %mul3A_194 : i32
          %add3A_196 = arith.constant 16 : i32
          %add3A_197 = arith.addi %mul3A_195, %add3A_196 : i32
          %get3A_198 = arith.index_cast %add3A_197 : i32 to index
          %get3A_199 = tpu.vector_load %arg9[%get3A_198] {strides = array<i32>} : memref<1280xi32, #tpu.memory_space<vmem>>, vector<16xi32>,
          %swap3A_200 = arith.constant 16 : index
          %swap3A_201 = tpu.vector_load %arg18[%swap3A_200] {strides = array<i32>} : memref<80xi32, #tpu.memory_space<vmem>>, vector<16xi32>,
          tpu.vector_store %arg18[%swap3A_200], %get3A_199 {strides = array<i32>} : memref<80xi32, #tpu.memory_space<vmem>>, vector<16xi32>,
          %mul3A_202 = arith.constant 80 : i32
          %mul3A_203 = arith.muli %add3A_180, %mul3A_202 : i32
          %add3A_204 = arith.constant 32 : i32
          %add3A_205 = arith.addi %mul3A_203, %add3A_204 : i32
          %get3A_206 = arith.index_cast %add3A_205 : i32 to index
          %get3A_207 = tpu.vector_load %arg9[%get3A_206] {strides = array<i32>} : memref<1280xi32, #tpu.memory_space<vmem>>, vector<16xi32>,
          %swap3A_208 = arith.constant 32 : index
          %swap3A_209 = tpu.vector_load %arg18[%swap3A_208] {strides = array<i32>} : memref<80xi32, #tpu.memory_space<vmem>>, vector<16xi32>,
          tpu.vector_store %arg18[%swap3A_208], %get3A_207 {strides = array<i32>} : memref<80xi32, #tpu.memory_space<vmem>>, vector<16xi32>,
          %mul3A_210 = arith.constant 80 : i32
          %mul3A_211 = arith.muli %add3A_180, %mul3A_210 : i32
          %add3A_212 = arith.constant 48 : i32
          %add3A_213 = arith.addi %mul3A_211, %add3A_212 : i32
          %get3A_214 = arith.index_cast %add3A_213 : i32 to index
          %get3A_215 = tpu.vector_load %arg9[%get3A_214] {strides = array<i32>} : memref<1280xi32, #tpu.memory_space<vmem>>, vector<16xi32>,
          %swap3A_216 = arith.constant 48 : index
          %swap3A_217 = tpu.vector_load %arg18[%swap3A_216] {strides = array<i32>} : memref<80xi32, #tpu.memory_space<vmem>>, vector<16xi32>,
          tpu.vector_store %arg18[%swap3A_216], %get3A_215 {strides = array<i32>} : memref<80xi32, #tpu.memory_space<vmem>>, vector<16xi32>,
          %mul3A_218 = arith.constant 80 : i32
          %mul3A_219 = arith.muli %add3A_180, %mul3A_218 : i32
          %add3A_220 = arith.constant 64 : i32
          %add3A_221 = arith.addi %mul3A_219, %add3A_220 : i32
          %get3A_222 = arith.index_cast %add3A_221 : i32 to index
          %get3A_223 = tpu.vector_load %arg9[%get3A_222] {strides = array<i32>} : memref<1280xi32, #tpu.memory_space<vmem>>, vector<16xi32>,
          %swap3A_224 = arith.constant 64 : index
          %swap3A_225 = tpu.vector_load %arg18[%swap3A_224] {strides = array<i32>} : memref<80xi32, #tpu.memory_space<vmem>>, vector<16xi32>,
          tpu.vector_store %arg18[%swap3A_224], %get3A_223 {strides = array<i32>} : memref<80xi32, #tpu.memory_space<vmem>>, vector<16xi32>,
          %dma_start3A_226 = arith.constant 0 : i32
          %dma_start3A_227 = arith.constant 0 : i32
          %dma_start3A_228 = tpu.memref_slice %arg26[%dma_start3A_226, %dma_start3A_227] : memref<50000x32xf32, #tpu.memory_space<vmem_shared>> -> memref<50000x32xf32, #tpu.memory_space<vmem_shared>>
          tpu.enqueue_indirect_dma source(%arg10 : memref<80x32xf32, #tpu.memory_space<vmem>>) target(%dma_start3A_228 : memref<50000x32xf32, #tpu.memory_space<vmem_shared>>) offsets(%arg18 : memref<80xi32, #tpu.memory_space<vmem>>) semaphore(%arg35 : memref<!tpu.dma_semaphore, #tpu.memory_space<semaphore_mem>>) {add = true}
          %gt3A = arith.constant 0 : i32
          %gt3A_229 = arith.cmpi sgt, %scan3A_176, %gt3A : i32
          %convert_element_type3A_230 = arith.extui %gt3A_229 : i1 to i32
          %cond3A_231 = arith.constant 0 : i32
          %cond3A_232 = arith.cmpi ne, %convert_element_type3A_230, %cond3A_231 : i32
          scf.if %cond3A_232 {
            %dma_wait3A_665 = arith.constant 0 : i32
            %dma_wait3A_666 = arith.constant 0 : i32
            %dma_wait3A_667 = tpu.memref_slice %arg26[%dma_wait3A_665, %dma_wait3A_666] : memref<50000x32xf32, #tpu.memory_space<vmem_shared>> -> memref<50000x32xf32, #tpu.memory_space<vmem_shared>>
            tpu.wait_indirect_dma semaphore(%arg42 : memref<!tpu.dma_semaphore, #tpu.memory_space<semaphore_mem>>) src(%arg17 : memref<80x32xf32, #tpu.memory_space<vmem>>) dst(%dma_wait3A_667 : memref<50000x32xf32, #tpu.memory_space<vmem_shared>>)
          } else {
          }
          %lt3A_233 = arith.constant 9 : i32
          %lt3A_234 = arith.cmpi slt, %add3A_180, %lt3A_233 : i32
          %convert_element_type3A_235 = arith.extui %lt3A_234 : i1 to i32
          %cond3A_236 = arith.constant 0 : i32
          %cond3A_237 = arith.cmpi ne, %convert_element_type3A_235, %cond3A_236 : i32
          scf.if %cond3A_237 {
            %add3A_665 = arith.constant 8 : i32
            %add3A_666 = arith.addi %add3A_180, %add3A_665 : i32
            %sub3A = arith.constant 1 : i32
            %sub3A_667 = arith.subi %add3A_666, %sub3A : i32
            %mul3A_668 = arith.constant 80 : i32
            %mul3A_669 = arith.muli %sub3A_667, %mul3A_668 : i32
            %dma_start3A_670 = tpu.memref_slice %arg8[%mul3A_669] : memref<1280xi32, #tpu.memory_space<vmem>> -> memref<80xi32, #tpu.memory_space<vmem>>
            %dma_start3A_671 = arith.constant 0 : i32
            %dma_start3A_672 = arith.constant 0 : i32
            %dma_start3A_673 = tpu.memref_slice %arg2[%dma_start3A_671, %dma_start3A_672] : memref<100000x32xf32, #tpu.memory_space<hbm>> -> memref<100000x32xf32, #tpu.memory_space<hbm>>
            tpu.enqueue_indirect_dma source(%dma_start3A_673 : memref<100000x32xf32, #tpu.memory_space<hbm>>) target(%arg17 : memref<80x32xf32, #tpu.memory_space<vmem>>) offsets(%dma_start3A_670 : memref<80xi32, #tpu.memory_space<vmem>>) semaphore(%arg34 : memref<!tpu.dma_semaphore, #tpu.memory_space<semaphore_mem>>)
          } else {
          }
          %mul3A_238 = arith.constant 8 : i32
          %mul3A_239 = arith.muli %scan3A_176, %mul3A_238 : i32
          %add3A_240 = arith.constant 1 : i32
          %add3A_241 = arith.addi %mul3A_239, %add3A_240 : i32
          %mul3A_242 = arith.constant 80 : i32
          %mul3A_243 = arith.muli %add3A_241, %mul3A_242 : i32
          %dma_wait3A_244 = tpu.memref_slice %arg8[%mul3A_243] : memref<1280xi32, #tpu.memory_space<vmem>> -> memref<80xi32, #tpu.memory_space<vmem>>
          %dma_wait3A_245 = arith.constant 0 : i32
          %dma_wait3A_246 = arith.constant 0 : i32
          %dma_wait3A_247 = tpu.memref_slice %arg2[%dma_wait3A_245, %dma_wait3A_246] : memref<100000x32xf32, #tpu.memory_space<hbm>> -> memref<100000x32xf32, #tpu.memory_space<hbm>>
          tpu.wait_indirect_dma semaphore(%arg28 : memref<!tpu.dma_semaphore, #tpu.memory_space<semaphore_mem>>) src(%dma_wait3A_247 : memref<100000x32xf32, #tpu.memory_space<hbm>>) dst(%arg11 : memref<80x32xf32, #tpu.memory_space<vmem>>)
          %mul3A_248 = arith.constant 80 : i32
          %mul3A_249 = arith.muli %add3A_241, %mul3A_248 : i32
          %add3A_250 = arith.constant 0 : i32
          %add3A_251 = arith.addi %mul3A_249, %add3A_250 : i32
          %get3A_252 = arith.index_cast %add3A_251 : i32 to index
          %get3A_253 = tpu.vector_load %arg9[%get3A_252] {strides = array<i32>} : memref<1280xi32, #tpu.memory_space<vmem>>, vector<16xi32>,
          %swap3A_254 = arith.constant 0 : index
          %swap3A_255 = tpu.vector_load %arg19[%swap3A_254] {strides = array<i32>} : memref<80xi32, #tpu.memory_space<vmem>>, vector<16xi32>,
          tpu.vector_store %arg19[%swap3A_254], %get3A_253 {strides = array<i32>} : memref<80xi32, #tpu.memory_space<vmem>>, vector<16xi32>,
          %mul3A_256 = arith.constant 80 : i32
          %mul3A_257 = arith.muli %add3A_241, %mul3A_256 : i32
          %add3A_258 = arith.constant 16 : i32
          %add3A_259 = arith.addi %mul3A_257, %add3A_258 : i32
          %get3A_260 = arith.index_cast %add3A_259 : i32 to index
          %get3A_261 = tpu.vector_load %arg9[%get3A_260] {strides = array<i32>} : memref<1280xi32, #tpu.memory_space<vmem>>, vector<16xi32>,
          %swap3A_262 = arith.constant 16 : index
          %swap3A_263 = tpu.vector_load %arg19[%swap3A_262] {strides = array<i32>} : memref<80xi32, #tpu.memory_space<vmem>>, vector<16xi32>,
          tpu.vector_store %arg19[%swap3A_262], %get3A_261 {strides = array<i32>} : memref<80xi32, #tpu.memory_space<vmem>>, vector<16xi32>,
          %mul3A_264 = arith.constant 80 : i32
          %mul3A_265 = arith.muli %add3A_241, %mul3A_264 : i32
          %add3A_266 = arith.constant 32 : i32
          %add3A_267 = arith.addi %mul3A_265, %add3A_266 : i32
          %get3A_268 = arith.index_cast %add3A_267 : i32 to index
          %get3A_269 = tpu.vector_load %arg9[%get3A_268] {strides = array<i32>} : memref<1280xi32, #tpu.memory_space<vmem>>, vector<16xi32>,
          %swap3A_270 = arith.constant 32 : index
          %swap3A_271 = tpu.vector_load %arg19[%swap3A_270] {strides = array<i32>} : memref<80xi32, #tpu.memory_space<vmem>>, vector<16xi32>,
          tpu.vector_store %arg19[%swap3A_270], %get3A_269 {strides = array<i32>} : memref<80xi32, #tpu.memory_space<vmem>>, vector<16xi32>,
          %mul3A_272 = arith.constant 80 : i32
          %mul3A_273 = arith.muli %add3A_241, %mul3A_272 : i32
          %add3A_274 = arith.constant 48 : i32
          %add3A_275 = arith.addi %mul3A_273, %add3A_274 : i32
          %get3A_276 = arith.index_cast %add3A_275 : i32 to index
          %get3A_277 = tpu.vector_load %arg9[%get3A_276] {strides = array<i32>} : memref<1280xi32, #tpu.memory_space<vmem>>, vector<16xi32>,
          %swap3A_278 = arith.constant 48 : index
          %swap3A_279 = tpu.vector_load %arg19[%swap3A_278] {strides = array<i32>} : memref<80xi32, #tpu.memory_space<vmem>>, vector<16xi32>,
          tpu.vector_store %arg19[%swap3A_278], %get3A_277 {strides = array<i32>} : memref<80xi32, #tpu.memory_space<vmem>>, vector<16xi32>,
          %mul3A_280 = arith.constant 80 : i32
          %mul3A_281 = arith.muli %add3A_241, %mul3A_280 : i32
          %add3A_282 = arith.constant 64 : i32
          %add3A_283 = arith.addi %mul3A_281, %add3A_282 : i32
          %get3A_284 = arith.index_cast %add3A_283 : i32 to index
          %get3A_285 = tpu.vector_load %arg9[%get3A_284] {strides = array<i32>} : memref<1280xi32, #tpu.memory_space<vmem>>, vector<16xi32>,
          %swap3A_286 = arith.constant 64 : index
          %swap3A_287 = tpu.vector_load %arg19[%swap3A_286] {strides = array<i32>} : memref<80xi32, #tpu.memory_space<vmem>>, vector<16xi32>,
          tpu.vector_store %arg19[%swap3A_286], %get3A_285 {strides = array<i32>} : memref<80xi32, #tpu.memory_space<vmem>>, vector<16xi32>,
          %dma_start3A_288 = arith.constant 0 : i32
          %dma_start3A_289 = arith.constant 0 : i32
          %dma_start3A_290 = tpu.memref_slice %arg26[%dma_start3A_288, %dma_start3A_289] : memref<50000x32xf32, #tpu.memory_space<vmem_shared>> -> memref<50000x32xf32, #tpu.memory_space<vmem_shared>>
          tpu.enqueue_indirect_dma source(%arg11 : memref<80x32xf32, #tpu.memory_space<vmem>>) target(%dma_start3A_290 : memref<50000x32xf32, #tpu.memory_space<vmem_shared>>) offsets(%arg19 : memref<80xi32, #tpu.memory_space<vmem>>) semaphore(%arg36 : memref<!tpu.dma_semaphore, #tpu.memory_space<semaphore_mem>>) {add = true}
          %dma_wait3A_291 = arith.constant 0 : i32
          %dma_wait3A_292 = arith.constant 0 : i32
          %dma_wait3A_293 = tpu.memref_slice %arg26[%dma_wait3A_291, %dma_wait3A_292] : memref<50000x32xf32, #tpu.memory_space<vmem_shared>> -> memref<50000x32xf32, #tpu.memory_space<vmem_shared>>
          tpu.wait_indirect_dma semaphore(%arg35 : memref<!tpu.dma_semaphore, #tpu.memory_space<semaphore_mem>>) src(%arg10 : memref<80x32xf32, #tpu.memory_space<vmem>>) dst(%dma_wait3A_293 : memref<50000x32xf32, #tpu.memory_space<vmem_shared>>)
          %lt3A_294 = arith.constant 9 : i32
          %lt3A_295 = arith.cmpi slt, %add3A_241, %lt3A_294 : i32
          %convert_element_type3A_296 = arith.extui %lt3A_295 : i1 to i32
          %cond3A_297 = arith.constant 0 : i32
          %cond3A_298 = arith.cmpi ne, %convert_element_type3A_296, %cond3A_297 : i32
          scf.if %cond3A_298 {
            %add3A_665 = arith.constant 8 : i32
            %add3A_666 = arith.addi %add3A_241, %add3A_665 : i32
            %sub3A = arith.constant 1 : i32
            %sub3A_667 = arith.subi %add3A_666, %sub3A : i32
            %mul3A_668 = arith.constant 80 : i32
            %mul3A_669 = arith.muli %sub3A_667, %mul3A_668 : i32
            %dma_start3A_670 = tpu.memref_slice %arg8[%mul3A_669] : memref<1280xi32, #tpu.memory_space<vmem>> -> memref<80xi32, #tpu.memory_space<vmem>>
            %dma_start3A_671 = arith.constant 0 : i32
            %dma_start3A_672 = arith.constant 0 : i32
            %dma_start3A_673 = tpu.memref_slice %arg2[%dma_start3A_671, %dma_start3A_672] : memref<100000x32xf32, #tpu.memory_space<hbm>> -> memref<100000x32xf32, #tpu.memory_space<hbm>>
            tpu.enqueue_indirect_dma source(%dma_start3A_673 : memref<100000x32xf32, #tpu.memory_space<hbm>>) target(%arg10 : memref<80x32xf32, #tpu.memory_space<vmem>>) offsets(%dma_start3A_670 : memref<80xi32, #tpu.memory_space<vmem>>) semaphore(%arg27 : memref<!tpu.dma_semaphore, #tpu.memory_space<semaphore_mem>>)
          } else {
          }
          %mul3A_299 = arith.constant 8 : i32
          %mul3A_300 = arith.muli %scan3A_176, %mul3A_299 : i32
          %add3A_301 = arith.constant 2 : i32
          %add3A_302 = arith.addi %mul3A_300, %add3A_301 : i32
          %mul3A_303 = arith.constant 80 : i32
          %mul3A_304 = arith.muli %add3A_302, %mul3A_303 : i32
          %dma_wait3A_305 = tpu.memref_slice %arg8[%mul3A_304] : memref<1280xi32, #tpu.memory_space<vmem>> -> memref<80xi32, #tpu.memory_space<vmem>>
          %dma_wait3A_306 = arith.constant 0 : i32
          %dma_wait3A_307 = arith.constant 0 : i32
          %dma_wait3A_308 = tpu.memref_slice %arg2[%dma_wait3A_306, %dma_wait3A_307] : memref<100000x32xf32, #tpu.memory_space<hbm>> -> memref<100000x32xf32, #tpu.memory_space<hbm>>
          tpu.wait_indirect_dma semaphore(%arg29 : memref<!tpu.dma_semaphore, #tpu.memory_space<semaphore_mem>>) src(%dma_wait3A_308 : memref<100000x32xf32, #tpu.memory_space<hbm>>) dst(%arg12 : memref<80x32xf32, #tpu.memory_space<vmem>>)
          %mul3A_309 = arith.constant 80 : i32
          %mul3A_310 = arith.muli %add3A_302, %mul3A_309 : i32
          %add3A_311 = arith.constant 0 : i32
          %add3A_312 = arith.addi %mul3A_310, %add3A_311 : i32
          %get3A_313 = arith.index_cast %add3A_312 : i32 to index
          %get3A_314 = tpu.vector_load %arg9[%get3A_313] {strides = array<i32>} : memref<1280xi32, #tpu.memory_space<vmem>>, vector<16xi32>,
          %swap3A_315 = arith.constant 0 : index
          %swap3A_316 = tpu.vector_load %arg20[%swap3A_315] {strides = array<i32>} : memref<80xi32, #tpu.memory_space<vmem>>, vector<16xi32>,
          tpu.vector_store %arg20[%swap3A_315], %get3A_314 {strides = array<i32>} : memref<80xi32, #tpu.memory_space<vmem>>, vector<16xi32>,
          %mul3A_317 = arith.constant 80 : i32
          %mul3A_318 = arith.muli %add3A_302, %mul3A_317 : i32
          %add3A_319 = arith.constant 16 : i32
          %add3A_320 = arith.addi %mul3A_318, %add3A_319 : i32
          %get3A_321 = arith.index_cast %add3A_320 : i32 to index
          %get3A_322 = tpu.vector_load %arg9[%get3A_321] {strides = array<i32>} : memref<1280xi32, #tpu.memory_space<vmem>>, vector<16xi32>,
          %swap3A_323 = arith.constant 16 : index
          %swap3A_324 = tpu.vector_load %arg20[%swap3A_323] {strides = array<i32>} : memref<80xi32, #tpu.memory_space<vmem>>, vector<16xi32>,
          tpu.vector_store %arg20[%swap3A_323], %get3A_322 {strides = array<i32>} : memref<80xi32, #tpu.memory_space<vmem>>, vector<16xi32>,
          %mul3A_325 = arith.constant 80 : i32
          %mul3A_326 = arith.muli %add3A_302, %mul3A_325 : i32
          %add3A_327 = arith.constant 32 : i32
          %add3A_328 = arith.addi %mul3A_326, %add3A_327 : i32
          %get3A_329 = arith.index_cast %add3A_328 : i32 to index
          %get3A_330 = tpu.vector_load %arg9[%get3A_329] {strides = array<i32>} : memref<1280xi32, #tpu.memory_space<vmem>>, vector<16xi32>,
          %swap3A_331 = arith.constant 32 : index
          %swap3A_332 = tpu.vector_load %arg20[%swap3A_331] {strides = array<i32>} : memref<80xi32, #tpu.memory_space<vmem>>, vector<16xi32>,
          tpu.vector_store %arg20[%swap3A_331], %get3A_330 {strides = array<i32>} : memref<80xi32, #tpu.memory_space<vmem>>, vector<16xi32>,
          %mul3A_333 = arith.constant 80 : i32
          %mul3A_334 = arith.muli %add3A_302, %mul3A_333 : i32
          %add3A_335 = arith.constant 48 : i32
          %add3A_336 = arith.addi %mul3A_334, %add3A_335 : i32
          %get3A_337 = arith.index_cast %add3A_336 : i32 to index
          %get3A_338 = tpu.vector_load %arg9[%get3A_337] {strides = array<i32>} : memref<1280xi32, #tpu.memory_space<vmem>>, vector<16xi32>,
          %swap3A_339 = arith.constant 48 : index
          %swap3A_340 = tpu.vector_load %arg20[%swap3A_339] {strides = array<i32>} : memref<80xi32, #tpu.memory_space<vmem>>, vector<16xi32>,
          tpu.vector_store %arg20[%swap3A_339], %get3A_338 {strides = array<i32>} : memref<80xi32, #tpu.memory_space<vmem>>, vector<16xi32>,
          %mul3A_341 = arith.constant 80 : i32
          %mul3A_342 = arith.muli %add3A_302, %mul3A_341 : i32
          %add3A_343 = arith.constant 64 : i32
          %add3A_344 = arith.addi %mul3A_342, %add3A_343 : i32
          %get3A_345 = arith.index_cast %add3A_344 : i32 to index
          %get3A_346 = tpu.vector_load %arg9[%get3A_345] {strides = array<i32>} : memref<1280xi32, #tpu.memory_space<vmem>>, vector<16xi32>,
          %swap3A_347 = arith.constant 64 : index
          %swap3A_348 = tpu.vector_load %arg20[%swap3A_347] {strides = array<i32>} : memref<80xi32, #tpu.memory_space<vmem>>, vector<16xi32>,
          tpu.vector_store %arg20[%swap3A_347], %get3A_346 {strides = array<i32>} : memref<80xi32, #tpu.memory_space<vmem>>, vector<16xi32>,
          %dma_start3A_349 = arith.constant 0 : i32
          %dma_start3A_350 = arith.constant 0 : i32
          %dma_start3A_351 = tpu.memref_slice %arg26[%dma_start3A_349, %dma_start3A_350] : memref<50000x32xf32, #tpu.memory_space<vmem_shared>> -> memref<50000x32xf32, #tpu.memory_space<vmem_shared>>
          tpu.enqueue_indirect_dma source(%arg12 : memref<80x32xf32, #tpu.memory_space<vmem>>) target(%dma_start3A_351 : memref<50000x32xf32, #tpu.memory_space<vmem_shared>>) offsets(%arg20 : memref<80xi32, #tpu.memory_space<vmem>>) semaphore(%arg37 : memref<!tpu.dma_semaphore, #tpu.memory_space<semaphore_mem>>) {add = true}
          %dma_wait3A_352 = arith.constant 0 : i32
          %dma_wait3A_353 = arith.constant 0 : i32
          %dma_wait3A_354 = tpu.memref_slice %arg26[%dma_wait3A_352, %dma_wait3A_353] : memref<50000x32xf32, #tpu.memory_space<vmem_shared>> -> memref<50000x32xf32, #tpu.memory_space<vmem_shared>>
          tpu.wait_indirect_dma semaphore(%arg36 : memref<!tpu.dma_semaphore, #tpu.memory_space<semaphore_mem>>) src(%arg11 : memref<80x32xf32, #tpu.memory_space<vmem>>) dst(%dma_wait3A_354 : memref<50000x32xf32, #tpu.memory_space<vmem_shared>>)
          %lt3A_355 = arith.constant 9 : i32
          %lt3A_356 = arith.cmpi slt, %add3A_302, %lt3A_355 : i32
          %convert_element_type3A_357 = arith.extui %lt3A_356 : i1 to i32
          %cond3A_358 = arith.constant 0 : i32
          %cond3A_359 = arith.cmpi ne, %convert_element_type3A_357, %cond3A_358 : i32
          scf.if %cond3A_359 {
            %add3A_665 = arith.constant 8 : i32
            %add3A_666 = arith.addi %add3A_302, %add3A_665 : i32
            %sub3A = arith.constant 1 : i32
            %sub3A_667 = arith.subi %add3A_666, %sub3A : i32
            %mul3A_668 = arith.constant 80 : i32
            %mul3A_669 = arith.muli %sub3A_667, %mul3A_668 : i32
            %dma_start3A_670 = tpu.memref_slice %arg8[%mul3A_669] : memref<1280xi32, #tpu.memory_space<vmem>> -> memref<80xi32, #tpu.memory_space<vmem>>
            %dma_start3A_671 = arith.constant 0 : i32
            %dma_start3A_672 = arith.constant 0 : i32
            %dma_start3A_673 = tpu.memref_slice %arg2[%dma_start3A_671, %dma_start3A_672] : memref<100000x32xf32, #tpu.memory_space<hbm>> -> memref<100000x32xf32, #tpu.memory_space<hbm>>
            tpu.enqueue_indirect_dma source(%dma_start3A_673 : memref<100000x32xf32, #tpu.memory_space<hbm>>) target(%arg11 : memref<80x32xf32, #tpu.memory_space<vmem>>) offsets(%dma_start3A_670 : memref<80xi32, #tpu.memory_space<vmem>>) semaphore(%arg28 : memref<!tpu.dma_semaphore, #tpu.memory_space<semaphore_mem>>)
          } else {
          }
          %mul3A_360 = arith.constant 8 : i32
          %mul3A_361 = arith.muli %scan3A_176, %mul3A_360 : i32
          %add3A_362 = arith.constant 3 : i32
          %add3A_363 = arith.addi %mul3A_361, %add3A_362 : i32
          %mul3A_364 = arith.constant 80 : i32
          %mul3A_365 = arith.muli %add3A_363, %mul3A_364 : i32
          %dma_wait3A_366 = tpu.memref_slice %arg8[%mul3A_365] : memref<1280xi32, #tpu.memory_space<vmem>> -> memref<80xi32, #tpu.memory_space<vmem>>
          %dma_wait3A_367 = arith.constant 0 : i32
          %dma_wait3A_368 = arith.constant 0 : i32
          %dma_wait3A_369 = tpu.memref_slice %arg2[%dma_wait3A_367, %dma_wait3A_368] : memref<100000x32xf32, #tpu.memory_space<hbm>> -> memref<100000x32xf32, #tpu.memory_space<hbm>>
          tpu.wait_indirect_dma semaphore(%arg30 : memref<!tpu.dma_semaphore, #tpu.memory_space<semaphore_mem>>) src(%dma_wait3A_369 : memref<100000x32xf32, #tpu.memory_space<hbm>>) dst(%arg13 : memref<80x32xf32, #tpu.memory_space<vmem>>)
          %mul3A_370 = arith.constant 80 : i32
          %mul3A_371 = arith.muli %add3A_363, %mul3A_370 : i32
          %add3A_372 = arith.constant 0 : i32
          %add3A_373 = arith.addi %mul3A_371, %add3A_372 : i32
          %get3A_374 = arith.index_cast %add3A_373 : i32 to index
          %get3A_375 = tpu.vector_load %arg9[%get3A_374] {strides = array<i32>} : memref<1280xi32, #tpu.memory_space<vmem>>, vector<16xi32>,
          %swap3A_376 = arith.constant 0 : index
          %swap3A_377 = tpu.vector_load %arg21[%swap3A_376] {strides = array<i32>} : memref<80xi32, #tpu.memory_space<vmem>>, vector<16xi32>,
          tpu.vector_store %arg21[%swap3A_376], %get3A_375 {strides = array<i32>} : memref<80xi32, #tpu.memory_space<vmem>>, vector<16xi32>,
          %mul3A_378 = arith.constant 80 : i32
          %mul3A_379 = arith.muli %add3A_363, %mul3A_378 : i32
          %add3A_380 = arith.constant 16 : i32
          %add3A_381 = arith.addi %mul3A_379, %add3A_380 : i32
          %get3A_382 = arith.index_cast %add3A_381 : i32 to index
          %get3A_383 = tpu.vector_load %arg9[%get3A_382] {strides = array<i32>} : memref<1280xi32, #tpu.memory_space<vmem>>, vector<16xi32>,
          %swap3A_384 = arith.constant 16 : index
          %swap3A_385 = tpu.vector_load %arg21[%swap3A_384] {strides = array<i32>} : memref<80xi32, #tpu.memory_space<vmem>>, vector<16xi32>,
          tpu.vector_store %arg21[%swap3A_384], %get3A_383 {strides = array<i32>} : memref<80xi32, #tpu.memory_space<vmem>>, vector<16xi32>,
          %mul3A_386 = arith.constant 80 : i32
          %mul3A_387 = arith.muli %add3A_363, %mul3A_386 : i32
          %add3A_388 = arith.constant 32 : i32
          %add3A_389 = arith.addi %mul3A_387, %add3A_388 : i32
          %get3A_390 = arith.index_cast %add3A_389 : i32 to index
          %get3A_391 = tpu.vector_load %arg9[%get3A_390] {strides = array<i32>} : memref<1280xi32, #tpu.memory_space<vmem>>, vector<16xi32>,
          %swap3A_392 = arith.constant 32 : index
          %swap3A_393 = tpu.vector_load %arg21[%swap3A_392] {strides = array<i32>} : memref<80xi32, #tpu.memory_space<vmem>>, vector<16xi32>,
          tpu.vector_store %arg21[%swap3A_392], %get3A_391 {strides = array<i32>} : memref<80xi32, #tpu.memory_space<vmem>>, vector<16xi32>,
          %mul3A_394 = arith.constant 80 : i32
          %mul3A_395 = arith.muli %add3A_363, %mul3A_394 : i32
          %add3A_396 = arith.constant 48 : i32
          %add3A_397 = arith.addi %mul3A_395, %add3A_396 : i32
          %get3A_398 = arith.index_cast %add3A_397 : i32 to index
          %get3A_399 = tpu.vector_load %arg9[%get3A_398] {strides = array<i32>} : memref<1280xi32, #tpu.memory_space<vmem>>, vector<16xi32>,
          %swap3A_400 = arith.constant 48 : index
          %swap3A_401 = tpu.vector_load %arg21[%swap3A_400] {strides = array<i32>} : memref<80xi32, #tpu.memory_space<vmem>>, vector<16xi32>,
          tpu.vector_store %arg21[%swap3A_400], %get3A_399 {strides = array<i32>} : memref<80xi32, #tpu.memory_space<vmem>>, vector<16xi32>,
          %mul3A_402 = arith.constant 80 : i32
          %mul3A_403 = arith.muli %add3A_363, %mul3A_402 : i32
          %add3A_404 = arith.constant 64 : i32
          %add3A_405 = arith.addi %mul3A_403, %add3A_404 : i32
          %get3A_406 = arith.index_cast %add3A_405 : i32 to index
          %get3A_407 = tpu.vector_load %arg9[%get3A_406] {strides = array<i32>} : memref<1280xi32, #tpu.memory_space<vmem>>, vector<16xi32>,
          %swap3A_408 = arith.constant 64 : index
          %swap3A_409 = tpu.vector_load %arg21[%swap3A_408] {strides = array<i32>} : memref<80xi32, #tpu.memory_space<vmem>>, vector<16xi32>,
          tpu.vector_store %arg21[%swap3A_408], %get3A_407 {strides = array<i32>} : memref<80xi32, #tpu.memory_space<vmem>>, vector<16xi32>,
          %dma_start3A_410 = arith.constant 0 : i32
          %dma_start3A_411 = arith.constant 0 : i32
          %dma_start3A_412 = tpu.memref_slice %arg26[%dma_start3A_410, %dma_start3A_411] : memref<50000x32xf32, #tpu.memory_space<vmem_shared>> -> memref<50000x32xf32, #tpu.memory_space<vmem_shared>>
          tpu.enqueue_indirect_dma source(%arg13 : memref<80x32xf32, #tpu.memory_space<vmem>>) target(%dma_start3A_412 : memref<50000x32xf32, #tpu.memory_space<vmem_shared>>) offsets(%arg21 : memref<80xi32, #tpu.memory_space<vmem>>) semaphore(%arg38 : memref<!tpu.dma_semaphore, #tpu.memory_space<semaphore_mem>>) {add = true}
          %dma_wait3A_413 = arith.constant 0 : i32
          %dma_wait3A_414 = arith.constant 0 : i32
          %dma_wait3A_415 = tpu.memref_slice %arg26[%dma_wait3A_413, %dma_wait3A_414] : memref<50000x32xf32, #tpu.memory_space<vmem_shared>> -> memref<50000x32xf32, #tpu.memory_space<vmem_shared>>
          tpu.wait_indirect_dma semaphore(%arg37 : memref<!tpu.dma_semaphore, #tpu.memory_space<semaphore_mem>>) src(%arg12 : memref<80x32xf32, #tpu.memory_space<vmem>>) dst(%dma_wait3A_415 : memref<50000x32xf32, #tpu.memory_space<vmem_shared>>)
          %lt3A_416 = arith.constant 9 : i32
          %lt3A_417 = arith.cmpi slt, %add3A_363, %lt3A_416 : i32
          %convert_element_type3A_418 = arith.extui %lt3A_417 : i1 to i32
          %cond3A_419 = arith.constant 0 : i32
          %cond3A_420 = arith.cmpi ne, %convert_element_type3A_418, %cond3A_419 : i32
          scf.if %cond3A_420 {
            %add3A_665 = arith.constant 8 : i32
            %add3A_666 = arith.addi %add3A_363, %add3A_665 : i32
            %sub3A = arith.constant 1 : i32
            %sub3A_667 = arith.subi %add3A_666, %sub3A : i32
            %mul3A_668 = arith.constant 80 : i32
            %mul3A_669 = arith.muli %sub3A_667, %mul3A_668 : i32
            %dma_start3A_670 = tpu.memref_slice %arg8[%mul3A_669] : memref<1280xi32, #tpu.memory_space<vmem>> -> memref<80xi32, #tpu.memory_space<vmem>>
            %dma_start3A_671 = arith.constant 0 : i32
            %dma_start3A_672 = arith.constant 0 : i32
            %dma_start3A_673 = tpu.memref_slice %arg2[%dma_start3A_671, %dma_start3A_672] : memref<100000x32xf32, #tpu.memory_space<hbm>> -> memref<100000x32xf32, #tpu.memory_space<hbm>>
            tpu.enqueue_indirect_dma source(%dma_start3A_673 : memref<100000x32xf32, #tpu.memory_space<hbm>>) target(%arg12 : memref<80x32xf32, #tpu.memory_space<vmem>>) offsets(%dma_start3A_670 : memref<80xi32, #tpu.memory_space<vmem>>) semaphore(%arg29 : memref<!tpu.dma_semaphore, #tpu.memory_space<semaphore_mem>>)
          } else {
          }
          %mul3A_421 = arith.constant 8 : i32
          %mul3A_422 = arith.muli %scan3A_176, %mul3A_421 : i32
          %add3A_423 = arith.constant 4 : i32
          %add3A_424 = arith.addi %mul3A_422, %add3A_423 : i32
          %mul3A_425 = arith.constant 80 : i32
          %mul3A_426 = arith.muli %add3A_424, %mul3A_425 : i32
          %dma_wait3A_427 = tpu.memref_slice %arg8[%mul3A_426] : memref<1280xi32, #tpu.memory_space<vmem>> -> memref<80xi32, #tpu.memory_space<vmem>>
          %dma_wait3A_428 = arith.constant 0 : i32
          %dma_wait3A_429 = arith.constant 0 : i32
          %dma_wait3A_430 = tpu.memref_slice %arg2[%dma_wait3A_428, %dma_wait3A_429] : memref<100000x32xf32, #tpu.memory_space<hbm>> -> memref<100000x32xf32, #tpu.memory_space<hbm>>
          tpu.wait_indirect_dma semaphore(%arg31 : memref<!tpu.dma_semaphore, #tpu.memory_space<semaphore_mem>>) src(%dma_wait3A_430 : memref<100000x32xf32, #tpu.memory_space<hbm>>) dst(%arg14 : memref<80x32xf32, #tpu.memory_space<vmem>>)
          %mul3A_431 = arith.constant 80 : i32
          %mul3A_432 = arith.muli %add3A_424, %mul3A_431 : i32
          %add3A_433 = arith.constant 0 : i32
          %add3A_434 = arith.addi %mul3A_432, %add3A_433 : i32
          %get3A_435 = arith.index_cast %add3A_434 : i32 to index
          %get3A_436 = tpu.vector_load %arg9[%get3A_435] {strides = array<i32>} : memref<1280xi32, #tpu.memory_space<vmem>>, vector<16xi32>,
          %swap3A_437 = arith.constant 0 : index
          %swap3A_438 = tpu.vector_load %arg22[%swap3A_437] {strides = array<i32>} : memref<80xi32, #tpu.memory_space<vmem>>, vector<16xi32>,
          tpu.vector_store %arg22[%swap3A_437], %get3A_436 {strides = array<i32>} : memref<80xi32, #tpu.memory_space<vmem>>, vector<16xi32>,
          %mul3A_439 = arith.constant 80 : i32
          %mul3A_440 = arith.muli %add3A_424, %mul3A_439 : i32
          %add3A_441 = arith.constant 16 : i32
          %add3A_442 = arith.addi %mul3A_440, %add3A_441 : i32
          %get3A_443 = arith.index_cast %add3A_442 : i32 to index
          %get3A_444 = tpu.vector_load %arg9[%get3A_443] {strides = array<i32>} : memref<1280xi32, #tpu.memory_space<vmem>>, vector<16xi32>,
          %swap3A_445 = arith.constant 16 : index
          %swap3A_446 = tpu.vector_load %arg22[%swap3A_445] {strides = array<i32>} : memref<80xi32, #tpu.memory_space<vmem>>, vector<16xi32>,
          tpu.vector_store %arg22[%swap3A_445], %get3A_444 {strides = array<i32>} : memref<80xi32, #tpu.memory_space<vmem>>, vector<16xi32>,
          %mul3A_447 = arith.constant 80 : i32
          %mul3A_448 = arith.muli %add3A_424, %mul3A_447 : i32
          %add3A_449 = arith.constant 32 : i32
          %add3A_450 = arith.addi %mul3A_448, %add3A_449 : i32
          %get3A_451 = arith.index_cast %add3A_450 : i32 to index
          %get3A_452 = tpu.vector_load %arg9[%get3A_451] {strides = array<i32>} : memref<1280xi32, #tpu.memory_space<vmem>>, vector<16xi32>,
          %swap3A_453 = arith.constant 32 : index
          %swap3A_454 = tpu.vector_load %arg22[%swap3A_453] {strides = array<i32>} : memref<80xi32, #tpu.memory_space<vmem>>, vector<16xi32>,
          tpu.vector_store %arg22[%swap3A_453], %get3A_452 {strides = array<i32>} : memref<80xi32, #tpu.memory_space<vmem>>, vector<16xi32>,
          %mul3A_455 = arith.constant 80 : i32
          %mul3A_456 = arith.muli %add3A_424, %mul3A_455 : i32
          %add3A_457 = arith.constant 48 : i32
          %add3A_458 = arith.addi %mul3A_456, %add3A_457 : i32
          %get3A_459 = arith.index_cast %add3A_458 : i32 to index
          %get3A_460 = tpu.vector_load %arg9[%get3A_459] {strides = array<i32>} : memref<1280xi32, #tpu.memory_space<vmem>>, vector<16xi32>,
          %swap3A_461 = arith.constant 48 : index
          %swap3A_462 = tpu.vector_load %arg22[%swap3A_461] {strides = array<i32>} : memref<80xi32, #tpu.memory_space<vmem>>, vector<16xi32>,
          tpu.vector_store %arg22[%swap3A_461], %get3A_460 {strides = array<i32>} : memref<80xi32, #tpu.memory_space<vmem>>, vector<16xi32>,
          %mul3A_463 = arith.constant 80 : i32
          %mul3A_464 = arith.muli %add3A_424, %mul3A_463 : i32
          %add3A_465 = arith.constant 64 : i32
          %add3A_466 = arith.addi %mul3A_464, %add3A_465 : i32
          %get3A_467 = arith.index_cast %add3A_466 : i32 to index
          %get3A_468 = tpu.vector_load %arg9[%get3A_467] {strides = array<i32>} : memref<1280xi32, #tpu.memory_space<vmem>>, vector<16xi32>,
          %swap3A_469 = arith.constant 64 : index
          %swap3A_470 = tpu.vector_load %arg22[%swap3A_469] {strides = array<i32>} : memref<80xi32, #tpu.memory_space<vmem>>, vector<16xi32>,
          tpu.vector_store %arg22[%swap3A_469], %get3A_468 {strides = array<i32>} : memref<80xi32, #tpu.memory_space<vmem>>, vector<16xi32>,
          %dma_start3A_471 = arith.constant 0 : i32
          %dma_start3A_472 = arith.constant 0 : i32
          %dma_start3A_473 = tpu.memref_slice %arg26[%dma_start3A_471, %dma_start3A_472] : memref<50000x32xf32, #tpu.memory_space<vmem_shared>> -> memref<50000x32xf32, #tpu.memory_space<vmem_shared>>
          tpu.enqueue_indirect_dma source(%arg14 : memref<80x32xf32, #tpu.memory_space<vmem>>) target(%dma_start3A_473 : memref<50000x32xf32, #tpu.memory_space<vmem_shared>>) offsets(%arg22 : memref<80xi32, #tpu.memory_space<vmem>>) semaphore(%arg39 : memref<!tpu.dma_semaphore, #tpu.memory_space<semaphore_mem>>) {add = true}
          %dma_wait3A_474 = arith.constant 0 : i32
          %dma_wait3A_475 = arith.constant 0 : i32
          %dma_wait3A_476 = tpu.memref_slice %arg26[%dma_wait3A_474, %dma_wait3A_475] : memref<50000x32xf32, #tpu.memory_space<vmem_shared>> -> memref<50000x32xf32, #tpu.memory_space<vmem_shared>>
          tpu.wait_indirect_dma semaphore(%arg38 : memref<!tpu.dma_semaphore, #tpu.memory_space<semaphore_mem>>) src(%arg13 : memref<80x32xf32, #tpu.memory_space<vmem>>) dst(%dma_wait3A_476 : memref<50000x32xf32, #tpu.memory_space<vmem_shared>>)
          %lt3A_477 = arith.constant 9 : i32
          %lt3A_478 = arith.cmpi slt, %add3A_424, %lt3A_477 : i32
          %convert_element_type3A_479 = arith.extui %lt3A_478 : i1 to i32
          %cond3A_480 = arith.constant 0 : i32
          %cond3A_481 = arith.cmpi ne, %convert_element_type3A_479, %cond3A_480 : i32
          scf.if %cond3A_481 {
            %add3A_665 = arith.constant 8 : i32
            %add3A_666 = arith.addi %add3A_424, %add3A_665 : i32
            %sub3A = arith.constant 1 : i32
            %sub3A_667 = arith.subi %add3A_666, %sub3A : i32
            %mul3A_668 = arith.constant 80 : i32
            %mul3A_669 = arith.muli %sub3A_667, %mul3A_668 : i32
            %dma_start3A_670 = tpu.memref_slice %arg8[%mul3A_669] : memref<1280xi32, #tpu.memory_space<vmem>> -> memref<80xi32, #tpu.memory_space<vmem>>
            %dma_start3A_671 = arith.constant 0 : i32
            %dma_start3A_672 = arith.constant 0 : i32
            %dma_start3A_673 = tpu.memref_slice %arg2[%dma_start3A_671, %dma_start3A_672] : memref<100000x32xf32, #tpu.memory_space<hbm>> -> memref<100000x32xf32, #tpu.memory_space<hbm>>
            tpu.enqueue_indirect_dma source(%dma_start3A_673 : memref<100000x32xf32, #tpu.memory_space<hbm>>) target(%arg13 : memref<80x32xf32, #tpu.memory_space<vmem>>) offsets(%dma_start3A_670 : memref<80xi32, #tpu.memory_space<vmem>>) semaphore(%arg30 : memref<!tpu.dma_semaphore, #tpu.memory_space<semaphore_mem>>)
          } else {
          }
          %mul3A_482 = arith.constant 8 : i32
          %mul3A_483 = arith.muli %scan3A_176, %mul3A_482 : i32
          %add3A_484 = arith.constant 5 : i32
          %add3A_485 = arith.addi %mul3A_483, %add3A_484 : i32
          %mul3A_486 = arith.constant 80 : i32
          %mul3A_487 = arith.muli %add3A_485, %mul3A_486 : i32
          %dma_wait3A_488 = tpu.memref_slice %arg8[%mul3A_487] : memref<1280xi32, #tpu.memory_space<vmem>> -> memref<80xi32, #tpu.memory_space<vmem>>
          %dma_wait3A_489 = arith.constant 0 : i32
          %dma_wait3A_490 = arith.constant 0 : i32
          %dma_wait3A_491 = tpu.memref_slice %arg2[%dma_wait3A_489, %dma_wait3A_490] : memref<100000x32xf32, #tpu.memory_space<hbm>> -> memref<100000x32xf32, #tpu.memory_space<hbm>>
          tpu.wait_indirect_dma semaphore(%arg32 : memref<!tpu.dma_semaphore, #tpu.memory_space<semaphore_mem>>) src(%dma_wait3A_491 : memref<100000x32xf32, #tpu.memory_space<hbm>>) dst(%arg15 : memref<80x32xf32, #tpu.memory_space<vmem>>)
          %mul3A_492 = arith.constant 80 : i32
          %mul3A_493 = arith.muli %add3A_485, %mul3A_492 : i32
          %add3A_494 = arith.constant 0 : i32
          %add3A_495 = arith.addi %mul3A_493, %add3A_494 : i32
          %get3A_496 = arith.index_cast %add3A_495 : i32 to index
          %get3A_497 = tpu.vector_load %arg9[%get3A_496] {strides = array<i32>} : memref<1280xi32, #tpu.memory_space<vmem>>, vector<16xi32>,
          %swap3A_498 = arith.constant 0 : index
          %swap3A_499 = tpu.vector_load %arg23[%swap3A_498] {strides = array<i32>} : memref<80xi32, #tpu.memory_space<vmem>>, vector<16xi32>,
          tpu.vector_store %arg23[%swap3A_498], %get3A_497 {strides = array<i32>} : memref<80xi32, #tpu.memory_space<vmem>>, vector<16xi32>,
          %mul3A_500 = arith.constant 80 : i32
          %mul3A_501 = arith.muli %add3A_485, %mul3A_500 : i32
          %add3A_502 = arith.constant 16 : i32
          %add3A_503 = arith.addi %mul3A_501, %add3A_502 : i32
          %get3A_504 = arith.index_cast %add3A_503 : i32 to index
          %get3A_505 = tpu.vector_load %arg9[%get3A_504] {strides = array<i32>} : memref<1280xi32, #tpu.memory_space<vmem>>, vector<16xi32>,
          %swap3A_506 = arith.constant 16 : index
          %swap3A_507 = tpu.vector_load %arg23[%swap3A_506] {strides = array<i32>} : memref<80xi32, #tpu.memory_space<vmem>>, vector<16xi32>,
          tpu.vector_store %arg23[%swap3A_506], %get3A_505 {strides = array<i32>} : memref<80xi32, #tpu.memory_space<vmem>>, vector<16xi32>,
          %mul3A_508 = arith.constant 80 : i32
          %mul3A_509 = arith.muli %add3A_485, %mul3A_508 : i32
          %add3A_510 = arith.constant 32 : i32
          %add3A_511 = arith.addi %mul3A_509, %add3A_510 : i32
          %get3A_512 = arith.index_cast %add3A_511 : i32 to index
          %get3A_513 = tpu.vector_load %arg9[%get3A_512] {strides = array<i32>} : memref<1280xi32, #tpu.memory_space<vmem>>, vector<16xi32>,
          %swap3A_514 = arith.constant 32 : index
          %swap3A_515 = tpu.vector_load %arg23[%swap3A_514] {strides = array<i32>} : memref<80xi32, #tpu.memory_space<vmem>>, vector<16xi32>,
          tpu.vector_store %arg23[%swap3A_514], %get3A_513 {strides = array<i32>} : memref<80xi32, #tpu.memory_space<vmem>>, vector<16xi32>,
          %mul3A_516 = arith.constant 80 : i32
          %mul3A_517 = arith.muli %add3A_485, %mul3A_516 : i32
          %add3A_518 = arith.constant 48 : i32
          %add3A_519 = arith.addi %mul3A_517, %add3A_518 : i32
          %get3A_520 = arith.index_cast %add3A_519 : i32 to index
          %get3A_521 = tpu.vector_load %arg9[%get3A_520] {strides = array<i32>} : memref<1280xi32, #tpu.memory_space<vmem>>, vector<16xi32>,
          %swap3A_522 = arith.constant 48 : index
          %swap3A_523 = tpu.vector_load %arg23[%swap3A_522] {strides = array<i32>} : memref<80xi32, #tpu.memory_space<vmem>>, vector<16xi32>,
          tpu.vector_store %arg23[%swap3A_522], %get3A_521 {strides = array<i32>} : memref<80xi32, #tpu.memory_space<vmem>>, vector<16xi32>,
          %mul3A_524 = arith.constant 80 : i32
          %mul3A_525 = arith.muli %add3A_485, %mul3A_524 : i32
          %add3A_526 = arith.constant 64 : i32
          %add3A_527 = arith.addi %mul3A_525, %add3A_526 : i32
          %get3A_528 = arith.index_cast %add3A_527 : i32 to index
          %get3A_529 = tpu.vector_load %arg9[%get3A_528] {strides = array<i32>} : memref<1280xi32, #tpu.memory_space<vmem>>, vector<16xi32>,
          %swap3A_530 = arith.constant 64 : index
          %swap3A_531 = tpu.vector_load %arg23[%swap3A_530] {strides = array<i32>} : memref<80xi32, #tpu.memory_space<vmem>>, vector<16xi32>,
          tpu.vector_store %arg23[%swap3A_530], %get3A_529 {strides = array<i32>} : memref<80xi32, #tpu.memory_space<vmem>>, vector<16xi32>,
          %dma_start3A_532 = arith.constant 0 : i32
          %dma_start3A_533 = arith.constant 0 : i32
          %dma_start3A_534 = tpu.memref_slice %arg26[%dma_start3A_532, %dma_start3A_533] : memref<50000x32xf32, #tpu.memory_space<vmem_shared>> -> memref<50000x32xf32, #tpu.memory_space<vmem_shared>>
          tpu.enqueue_indirect_dma source(%arg15 : memref<80x32xf32, #tpu.memory_space<vmem>>) target(%dma_start3A_534 : memref<50000x32xf32, #tpu.memory_space<vmem_shared>>) offsets(%arg23 : memref<80xi32, #tpu.memory_space<vmem>>) semaphore(%arg40 : memref<!tpu.dma_semaphore, #tpu.memory_space<semaphore_mem>>) {add = true}
          %dma_wait3A_535 = arith.constant 0 : i32
          %dma_wait3A_536 = arith.constant 0 : i32
          %dma_wait3A_537 = tpu.memref_slice %arg26[%dma_wait3A_535, %dma_wait3A_536] : memref<50000x32xf32, #tpu.memory_space<vmem_shared>> -> memref<50000x32xf32, #tpu.memory_space<vmem_shared>>
          tpu.wait_indirect_dma semaphore(%arg39 : memref<!tpu.dma_semaphore, #tpu.memory_space<semaphore_mem>>) src(%arg14 : memref<80x32xf32, #tpu.memory_space<vmem>>) dst(%dma_wait3A_537 : memref<50000x32xf32, #tpu.memory_space<vmem_shared>>)
          %lt3A_538 = arith.constant 9 : i32
          %lt3A_539 = arith.cmpi slt, %add3A_485, %lt3A_538 : i32
          %convert_element_type3A_540 = arith.extui %lt3A_539 : i1 to i32
          %cond3A_541 = arith.constant 0 : i32
          %cond3A_542 = arith.cmpi ne, %convert_element_type3A_540, %cond3A_541 : i32
          scf.if %cond3A_542 {
            %add3A_665 = arith.constant 8 : i32
            %add3A_666 = arith.addi %add3A_485, %add3A_665 : i32
            %sub3A = arith.constant 1 : i32
            %sub3A_667 = arith.subi %add3A_666, %sub3A : i32
            %mul3A_668 = arith.constant 80 : i32
            %mul3A_669 = arith.muli %sub3A_667, %mul3A_668 : i32
            %dma_start3A_670 = tpu.memref_slice %arg8[%mul3A_669] : memref<1280xi32, #tpu.memory_space<vmem>> -> memref<80xi32, #tpu.memory_space<vmem>>
            %dma_start3A_671 = arith.constant 0 : i32
            %dma_start3A_672 = arith.constant 0 : i32
            %dma_start3A_673 = tpu.memref_slice %arg2[%dma_start3A_671, %dma_start3A_672] : memref<100000x32xf32, #tpu.memory_space<hbm>> -> memref<100000x32xf32, #tpu.memory_space<hbm>>
            tpu.enqueue_indirect_dma source(%dma_start3A_673 : memref<100000x32xf32, #tpu.memory_space<hbm>>) target(%arg14 : memref<80x32xf32, #tpu.memory_space<vmem>>) offsets(%dma_start3A_670 : memref<80xi32, #tpu.memory_space<vmem>>) semaphore(%arg31 : memref<!tpu.dma_semaphore, #tpu.memory_space<semaphore_mem>>)
          } else {
          }
          %mul3A_543 = arith.constant 8 : i32
          %mul3A_544 = arith.muli %scan3A_176, %mul3A_543 : i32
          %add3A_545 = arith.constant 6 : i32
          %add3A_546 = arith.addi %mul3A_544, %add3A_545 : i32
          %mul3A_547 = arith.constant 80 : i32
          %mul3A_548 = arith.muli %add3A_546, %mul3A_547 : i32
          %dma_wait3A_549 = tpu.memref_slice %arg8[%mul3A_548] : memref<1280xi32, #tpu.memory_space<vmem>> -> memref<80xi32, #tpu.memory_space<vmem>>
          %dma_wait3A_550 = arith.constant 0 : i32
          %dma_wait3A_551 = arith.constant 0 : i32
          %dma_wait3A_552 = tpu.memref_slice %arg2[%dma_wait3A_550, %dma_wait3A_551] : memref<100000x32xf32, #tpu.memory_space<hbm>> -> memref<100000x32xf32, #tpu.memory_space<hbm>>
          tpu.wait_indirect_dma semaphore(%arg33 : memref<!tpu.dma_semaphore, #tpu.memory_space<semaphore_mem>>) src(%dma_wait3A_552 : memref<100000x32xf32, #tpu.memory_space<hbm>>) dst(%arg16 : memref<80x32xf32, #tpu.memory_space<vmem>>)
          %mul3A_553 = arith.constant 80 : i32
          %mul3A_554 = arith.muli %add3A_546, %mul3A_553 : i32
          %add3A_555 = arith.constant 0 : i32
          %add3A_556 = arith.addi %mul3A_554, %add3A_555 : i32
          %get3A_557 = arith.index_cast %add3A_556 : i32 to index
          %get3A_558 = tpu.vector_load %arg9[%get3A_557] {strides = array<i32>} : memref<1280xi32, #tpu.memory_space<vmem>>, vector<16xi32>,
          %swap3A_559 = arith.constant 0 : index
          %swap3A_560 = tpu.vector_load %arg24[%swap3A_559] {strides = array<i32>} : memref<80xi32, #tpu.memory_space<vmem>>, vector<16xi32>,
          tpu.vector_store %arg24[%swap3A_559], %get3A_558 {strides = array<i32>} : memref<80xi32, #tpu.memory_space<vmem>>, vector<16xi32>,
          %mul3A_561 = arith.constant 80 : i32
          %mul3A_562 = arith.muli %add3A_546, %mul3A_561 : i32
          %add3A_563 = arith.constant 16 : i32
          %add3A_564 = arith.addi %mul3A_562, %add3A_563 : i32
          %get3A_565 = arith.index_cast %add3A_564 : i32 to index
          %get3A_566 = tpu.vector_load %arg9[%get3A_565] {strides = array<i32>} : memref<1280xi32, #tpu.memory_space<vmem>>, vector<16xi32>,
          %swap3A_567 = arith.constant 16 : index
          %swap3A_568 = tpu.vector_load %arg24[%swap3A_567] {strides = array<i32>} : memref<80xi32, #tpu.memory_space<vmem>>, vector<16xi32>,
          tpu.vector_store %arg24[%swap3A_567], %get3A_566 {strides = array<i32>} : memref<80xi32, #tpu.memory_space<vmem>>, vector<16xi32>,
          %mul3A_569 = arith.constant 80 : i32
          %mul3A_570 = arith.muli %add3A_546, %mul3A_569 : i32
          %add3A_571 = arith.constant 32 : i32
          %add3A_572 = arith.addi %mul3A_570, %add3A_571 : i32
          %get3A_573 = arith.index_cast %add3A_572 : i32 to index
          %get3A_574 = tpu.vector_load %arg9[%get3A_573] {strides = array<i32>} : memref<1280xi32, #tpu.memory_space<vmem>>, vector<16xi32>,
          %swap3A_575 = arith.constant 32 : index
          %swap3A_576 = tpu.vector_load %arg24[%swap3A_575] {strides = array<i32>} : memref<80xi32, #tpu.memory_space<vmem>>, vector<16xi32>,
          tpu.vector_store %arg24[%swap3A_575], %get3A_574 {strides = array<i32>} : memref<80xi32, #tpu.memory_space<vmem>>, vector<16xi32>,
          %mul3A_577 = arith.constant 80 : i32
          %mul3A_578 = arith.muli %add3A_546, %mul3A_577 : i32
          %add3A_579 = arith.constant 48 : i32
          %add3A_580 = arith.addi %mul3A_578, %add3A_579 : i32
          %get3A_581 = arith.index_cast %add3A_580 : i32 to index
          %get3A_582 = tpu.vector_load %arg9[%get3A_581] {strides = array<i32>} : memref<1280xi32, #tpu.memory_space<vmem>>, vector<16xi32>,
          %swap3A_583 = arith.constant 48 : index
          %swap3A_584 = tpu.vector_load %arg24[%swap3A_583] {strides = array<i32>} : memref<80xi32, #tpu.memory_space<vmem>>, vector<16xi32>,
          tpu.vector_store %arg24[%swap3A_583], %get3A_582 {strides = array<i32>} : memref<80xi32, #tpu.memory_space<vmem>>, vector<16xi32>,
          %mul3A_585 = arith.constant 80 : i32
          %mul3A_586 = arith.muli %add3A_546, %mul3A_585 : i32
          %add3A_587 = arith.constant 64 : i32
          %add3A_588 = arith.addi %mul3A_586, %add3A_587 : i32
          %get3A_589 = arith.index_cast %add3A_588 : i32 to index
          %get3A_590 = tpu.vector_load %arg9[%get3A_589] {strides = array<i32>} : memref<1280xi32, #tpu.memory_space<vmem>>, vector<16xi32>,
          %swap3A_591 = arith.constant 64 : index
          %swap3A_592 = tpu.vector_load %arg24[%swap3A_591] {strides = array<i32>} : memref<80xi32, #tpu.memory_space<vmem>>, vector<16xi32>,
          tpu.vector_store %arg24[%swap3A_591], %get3A_590 {strides = array<i32>} : memref<80xi32, #tpu.memory_space<vmem>>, vector<16xi32>,
          %dma_start3A_593 = arith.constant 0 : i32
          %dma_start3A_594 = arith.constant 0 : i32
          %dma_start3A_595 = tpu.memref_slice %arg26[%dma_start3A_593, %dma_start3A_594] : memref<50000x32xf32, #tpu.memory_space<vmem_shared>> -> memref<50000x32xf32, #tpu.memory_space<vmem_shared>>
          tpu.enqueue_indirect_dma source(%arg16 : memref<80x32xf32, #tpu.memory_space<vmem>>) target(%dma_start3A_595 : memref<50000x32xf32, #tpu.memory_space<vmem_shared>>) offsets(%arg24 : memref<80xi32, #tpu.memory_space<vmem>>) semaphore(%arg41 : memref<!tpu.dma_semaphore, #tpu.memory_space<semaphore_mem>>) {add = true}
          %dma_wait3A_596 = arith.constant 0 : i32
          %dma_wait3A_597 = arith.constant 0 : i32
          %dma_wait3A_598 = tpu.memref_slice %arg26[%dma_wait3A_596, %dma_wait3A_597] : memref<50000x32xf32, #tpu.memory_space<vmem_shared>> -> memref<50000x32xf32, #tpu.memory_space<vmem_shared>>
          tpu.wait_indirect_dma semaphore(%arg40 : memref<!tpu.dma_semaphore, #tpu.memory_space<semaphore_mem>>) src(%arg15 : memref<80x32xf32, #tpu.memory_space<vmem>>) dst(%dma_wait3A_598 : memref<50000x32xf32, #tpu.memory_space<vmem_shared>>)
          %lt3A_599 = arith.constant 9 : i32
          %lt3A_600 = arith.cmpi slt, %add3A_546, %lt3A_599 : i32
          %convert_element_type3A_601 = arith.extui %lt3A_600 : i1 to i32
          %cond3A_602 = arith.constant 0 : i32
          %cond3A_603 = arith.cmpi ne, %convert_element_type3A_601, %cond3A_602 : i32
          scf.if %cond3A_603 {
            %add3A_665 = arith.constant 8 : i32
            %add3A_666 = arith.addi %add3A_546, %add3A_665 : i32
            %sub3A = arith.constant 1 : i32
            %sub3A_667 = arith.subi %add3A_666, %sub3A : i32
            %mul3A_668 = arith.constant 80 : i32
            %mul3A_669 = arith.muli %sub3A_667, %mul3A_668 : i32
            %dma_start3A_670 = tpu.memref_slice %arg8[%mul3A_669] : memref<1280xi32, #tpu.memory_space<vmem>> -> memref<80xi32, #tpu.memory_space<vmem>>
            %dma_start3A_671 = arith.constant 0 : i32
            %dma_start3A_672 = arith.constant 0 : i32
            %dma_start3A_673 = tpu.memref_slice %arg2[%dma_start3A_671, %dma_start3A_672] : memref<100000x32xf32, #tpu.memory_space<hbm>> -> memref<100000x32xf32, #tpu.memory_space<hbm>>
            tpu.enqueue_indirect_dma source(%dma_start3A_673 : memref<100000x32xf32, #tpu.memory_space<hbm>>) target(%arg15 : memref<80x32xf32, #tpu.memory_space<vmem>>) offsets(%dma_start3A_670 : memref<80xi32, #tpu.memory_space<vmem>>) semaphore(%arg32 : memref<!tpu.dma_semaphore, #tpu.memory_space<semaphore_mem>>)
          } else {
          }
          %mul3A_604 = arith.constant 8 : i32
          %mul3A_605 = arith.muli %scan3A_176, %mul3A_604 : i32
          %add3A_606 = arith.constant 7 : i32
          %add3A_607 = arith.addi %mul3A_605, %add3A_606 : i32
          %mul3A_608 = arith.constant 80 : i32
          %mul3A_609 = arith.muli %add3A_607, %mul3A_608 : i32
          %dma_wait3A_610 = tpu.memref_slice %arg8[%mul3A_609] : memref<1280xi32, #tpu.memory_space<vmem>> -> memref<80xi32, #tpu.memory_space<vmem>>
          %dma_wait3A_611 = arith.constant 0 : i32
          %dma_wait3A_612 = arith.constant 0 : i32
          %dma_wait3A_613 = tpu.memref_slice %arg2[%dma_wait3A_611, %dma_wait3A_612] : memref<100000x32xf32, #tpu.memory_space<hbm>> -> memref<100000x32xf32, #tpu.memory_space<hbm>>
          tpu.wait_indirect_dma semaphore(%arg34 : memref<!tpu.dma_semaphore, #tpu.memory_space<semaphore_mem>>) src(%dma_wait3A_613 : memref<100000x32xf32, #tpu.memory_space<hbm>>) dst(%arg17 : memref<80x32xf32, #tpu.memory_space<vmem>>)
          %mul3A_614 = arith.constant 80 : i32
          %mul3A_615 = arith.muli %add3A_607, %mul3A_614 : i32
          %add3A_616 = arith.constant 0 : i32
          %add3A_617 = arith.addi %mul3A_615, %add3A_616 : i32
          %get3A_618 = arith.index_cast %add3A_617 : i32 to index
          %get3A_619 = tpu.vector_load %arg9[%get3A_618] {strides = array<i32>} : memref<1280xi32, #tpu.memory_space<vmem>>, vector<16xi32>,
          %swap3A_620 = arith.constant 0 : index
          %swap3A_621 = tpu.vector_load %arg25[%swap3A_620] {strides = array<i32>} : memref<80xi32, #tpu.memory_space<vmem>>, vector<16xi32>,
          tpu.vector_store %arg25[%swap3A_620], %get3A_619 {strides = array<i32>} : memref<80xi32, #tpu.memory_space<vmem>>, vector<16xi32>,
          %mul3A_622 = arith.constant 80 : i32
          %mul3A_623 = arith.muli %add3A_607, %mul3A_622 : i32
          %add3A_624 = arith.constant 16 : i32
          %add3A_625 = arith.addi %mul3A_623, %add3A_624 : i32
          %get3A_626 = arith.index_cast %add3A_625 : i32 to index
          %get3A_627 = tpu.vector_load %arg9[%get3A_626] {strides = array<i32>} : memref<1280xi32, #tpu.memory_space<vmem>>, vector<16xi32>,
          %swap3A_628 = arith.constant 16 : index
          %swap3A_629 = tpu.vector_load %arg25[%swap3A_628] {strides = array<i32>} : memref<80xi32, #tpu.memory_space<vmem>>, vector<16xi32>,
          tpu.vector_store %arg25[%swap3A_628], %get3A_627 {strides = array<i32>} : memref<80xi32, #tpu.memory_space<vmem>>, vector<16xi32>,
          %mul3A_630 = arith.constant 80 : i32
          %mul3A_631 = arith.muli %add3A_607, %mul3A_630 : i32
          %add3A_632 = arith.constant 32 : i32
          %add3A_633 = arith.addi %mul3A_631, %add3A_632 : i32
          %get3A_634 = arith.index_cast %add3A_633 : i32 to index
          %get3A_635 = tpu.vector_load %arg9[%get3A_634] {strides = array<i32>} : memref<1280xi32, #tpu.memory_space<vmem>>, vector<16xi32>,
          %swap3A_636 = arith.constant 32 : index
          %swap3A_637 = tpu.vector_load %arg25[%swap3A_636] {strides = array<i32>} : memref<80xi32, #tpu.memory_space<vmem>>, vector<16xi32>,
          tpu.vector_store %arg25[%swap3A_636], %get3A_635 {strides = array<i32>} : memref<80xi32, #tpu.memory_space<vmem>>, vector<16xi32>,
          %mul3A_638 = arith.constant 80 : i32
          %mul3A_639 = arith.muli %add3A_607, %mul3A_638 : i32
          %add3A_640 = arith.constant 48 : i32
          %add3A_641 = arith.addi %mul3A_639, %add3A_640 : i32
          %get3A_642 = arith.index_cast %add3A_641 : i32 to index
          %get3A_643 = tpu.vector_load %arg9[%get3A_642] {strides = array<i32>} : memref<1280xi32, #tpu.memory_space<vmem>>, vector<16xi32>,
          %swap3A_644 = arith.constant 48 : index
          %swap3A_645 = tpu.vector_load %arg25[%swap3A_644] {strides = array<i32>} : memref<80xi32, #tpu.memory_space<vmem>>, vector<16xi32>,
          tpu.vector_store %arg25[%swap3A_644], %get3A_643 {strides = array<i32>} : memref<80xi32, #tpu.memory_space<vmem>>, vector<16xi32>,
          %mul3A_646 = arith.constant 80 : i32
          %mul3A_647 = arith.muli %add3A_607, %mul3A_646 : i32
          %add3A_648 = arith.constant 64 : i32
          %add3A_649 = arith.addi %mul3A_647, %add3A_648 : i32
          %get3A_650 = arith.index_cast %add3A_649 : i32 to index
          %get3A_651 = tpu.vector_load %arg9[%get3A_650] {strides = array<i32>} : memref<1280xi32, #tpu.memory_space<vmem>>, vector<16xi32>,
          %swap3A_652 = arith.constant 64 : index
          %swap3A_653 = tpu.vector_load %arg25[%swap3A_652] {strides = array<i32>} : memref<80xi32, #tpu.memory_space<vmem>>, vector<16xi32>,
          tpu.vector_store %arg25[%swap3A_652], %get3A_651 {strides = array<i32>} : memref<80xi32, #tpu.memory_space<vmem>>, vector<16xi32>,
          %dma_start3A_654 = arith.constant 0 : i32
          %dma_start3A_655 = arith.constant 0 : i32
          %dma_start3A_656 = tpu.memref_slice %arg26[%dma_start3A_654, %dma_start3A_655] : memref<50000x32xf32, #tpu.memory_space<vmem_shared>> -> memref<50000x32xf32, #tpu.memory_space<vmem_shared>>
          tpu.enqueue_indirect_dma source(%arg17 : memref<80x32xf32, #tpu.memory_space<vmem>>) target(%dma_start3A_656 : memref<50000x32xf32, #tpu.memory_space<vmem_shared>>) offsets(%arg25 : memref<80xi32, #tpu.memory_space<vmem>>) semaphore(%arg42 : memref<!tpu.dma_semaphore, #tpu.memory_space<semaphore_mem>>) {add = true}
          %dma_wait3A_657 = arith.constant 0 : i32
          %dma_wait3A_658 = arith.constant 0 : i32
          %dma_wait3A_659 = tpu.memref_slice %arg26[%dma_wait3A_657, %dma_wait3A_658] : memref<50000x32xf32, #tpu.memory_space<vmem_shared>> -> memref<50000x32xf32, #tpu.memory_space<vmem_shared>>
          tpu.wait_indirect_dma semaphore(%arg41 : memref<!tpu.dma_semaphore, #tpu.memory_space<semaphore_mem>>) src(%arg16 : memref<80x32xf32, #tpu.memory_space<vmem>>) dst(%dma_wait3A_659 : memref<50000x32xf32, #tpu.memory_space<vmem_shared>>)
          %lt3A_660 = arith.constant 9 : i32
          %lt3A_661 = arith.cmpi slt, %add3A_607, %lt3A_660 : i32
          %convert_element_type3A_662 = arith.extui %lt3A_661 : i1 to i32
          %cond3A_663 = arith.constant 0 : i32
          %cond3A_664 = arith.cmpi ne, %convert_element_type3A_662, %cond3A_663 : i32
          scf.if %cond3A_664 {
            %add3A_665 = arith.constant 8 : i32
            %add3A_666 = arith.addi %add3A_607, %add3A_665 : i32
            %sub3A = arith.constant 1 : i32
            %sub3A_667 = arith.subi %add3A_666, %sub3A : i32
            %mul3A_668 = arith.constant 80 : i32
            %mul3A_669 = arith.muli %sub3A_667, %mul3A_668 : i32
            %dma_start3A_670 = tpu.memref_slice %arg8[%mul3A_669] : memref<1280xi32, #tpu.memory_space<vmem>> -> memref<80xi32, #tpu.memory_space<vmem>>
            %dma_start3A_671 = arith.constant 0 : i32
            %dma_start3A_672 = arith.constant 0 : i32
            %dma_start3A_673 = tpu.memref_slice %arg2[%dma_start3A_671, %dma_start3A_672] : memref<100000x32xf32, #tpu.memory_space<hbm>> -> memref<100000x32xf32, #tpu.memory_space<hbm>>
            tpu.enqueue_indirect_dma source(%dma_start3A_673 : memref<100000x32xf32, #tpu.memory_space<hbm>>) target(%arg16 : memref<80x32xf32, #tpu.memory_space<vmem>>) offsets(%dma_start3A_670 : memref<80xi32, #tpu.memory_space<vmem>>) semaphore(%arg33 : memref<!tpu.dma_semaphore, #tpu.memory_space<semaphore_mem>>)
          } else {
          }
        }
        %scan3A_172 = arith.constant 2 : i32
        %dma_wait3A_173 = arith.constant 0 : i32
        %dma_wait3A_174 = arith.constant 0 : i32
        %dma_wait3A_175 = tpu.memref_slice %arg26[%dma_wait3A_173, %dma_wait3A_174] : memref<50000x32xf32, #tpu.memory_space<vmem_shared>> -> memref<50000x32xf32, #tpu.memory_space<vmem_shared>>
        tpu.wait_indirect_dma semaphore(%arg42 : memref<!tpu.dma_semaphore, #tpu.memory_space<semaphore_mem>>) src(%arg17 : memref<80x32xf32, #tpu.memory_space<vmem>>) dst(%dma_wait3A_175 : memref<50000x32xf32, #tpu.memory_space<vmem_shared>>)
      } else {
      }
    }
    %scan3A_85 = arith.constant 20 : i32
    %barrier3A_86 = arith.constant 0 : index
    tpu.barrier barrier_id(%barrier3A_86)
    %lt3A = arith.constant 15 : i32
    %lt3A_87 = arith.cmpi slt, %arg1, %lt3A : i32
    %convert_element_type3A = arith.extui %lt3A_87 : i1 to i32
    %cond3A = arith.constant 0 : i32
    %cond3A_88 = arith.cmpi ne, %convert_element_type3A, %cond3A : i32
    scf.if %cond3A_88 {
      %mul3A_94 = arith.constant 3120 : i32
      %mul3A_95 = arith.muli %arg1, %mul3A_94 : i32
      %add3A_96 = arith.addi %mul3A_0, %mul3A_95 : i32
      "tpu.region"() ({
        %run_scoped3A = tpu.sem_alloc : memref<!tpu.dma_semaphore, #tpu.memory_space<semaphore_mem>>
        %dma_start3A_97 = arith.constant 0 : i32
        %dma_start3A_98 = tpu.memref_slice %arg5[%add3A_96, %dma_start3A_97] : memref<104000x32xf32, #tpu.memory_space<hbm>> -> memref<3120x32xf32, #tpu.memory_space<hbm>>
        %dma_start3A_99 = arith.constant 0 : i32
        %dma_start3A_100 = tpu.memref_slice %arg26[%mul3A_95, %dma_start3A_99] : memref<50000x32xf32, #tpu.memory_space<vmem_shared>> -> memref<3120x32xf32, #tpu.memory_space<vmem_shared>>
        tpu.enqueue_dma source(%dma_start3A_100 : memref<3120x32xf32, #tpu.memory_space<vmem_shared>>) target(%dma_start3A_98 : memref<3120x32xf32, #tpu.memory_space<hbm>>) target_semaphore(%run_scoped3A : memref<!tpu.dma_semaphore, #tpu.memory_space<semaphore_mem>>)
        %dma_wait3A = arith.constant 0 : i32
        %dma_wait3A_101 = tpu.memref_slice %arg5[%add3A_96, %dma_wait3A] : memref<104000x32xf32, #tpu.memory_space<hbm>> -> memref<3120x32xf32, #tpu.memory_space<hbm>>
        %dma_wait3A_102 = arith.constant 0 : i32
        %dma_wait3A_103 = tpu.memref_slice %arg26[%mul3A_95, %dma_wait3A_102] : memref<50000x32xf32, #tpu.memory_space<vmem_shared>> -> memref<3120x32xf32, #tpu.memory_space<vmem_shared>>
        tpu.wait_dma2 semaphore(%run_scoped3A : memref<!tpu.dma_semaphore, #tpu.memory_space<semaphore_mem>>) src(%dma_wait3A_103 : memref<3120x32xf32, #tpu.memory_space<vmem_shared>>) dst(%dma_wait3A_101 : memref<3120x32xf32, #tpu.memory_space<hbm>>)
        tpu.yield
      }) : () -> ()
    } else {
    }
    %eq3A_89 = arith.constant 15 : i32
    %eq3A_90 = arith.cmpi eq, %arg1, %eq3A_89 : i32
    %convert_element_type3A_91 = arith.extui %eq3A_90 : i1 to i32
    %cond3A_92 = arith.constant 0 : i32
    %cond3A_93 = arith.cmpi ne, %convert_element_type3A_91, %cond3A_92 : i32
    scf.if %cond3A_93 {
      %add3A_94 = arith.constant 46800 : i32
      %add3A_95 = arith.addi %mul3A_0, %add3A_94 : i32
      "tpu.region"() ({
        %run_scoped3A = tpu.sem_alloc : memref<!tpu.dma_semaphore, #tpu.memory_space<semaphore_mem>>
        %dma_start3A_96 = arith.constant 0 : i32
        %dma_start3A_97 = tpu.memref_slice %arg5[%add3A_95, %dma_start3A_96] : memref<104000x32xf32, #tpu.memory_space<hbm>> -> memref<3200x32xf32, #tpu.memory_space<hbm>>
        %dma_start3A_98 = arith.constant 46800 : i32
        %dma_start3A_99 = arith.constant 0 : i32
        %dma_start3A_100 = tpu.memref_slice %arg26[%dma_start3A_98, %dma_start3A_99] : memref<50000x32xf32, #tpu.memory_space<vmem_shared>> -> memref<3200x32xf32, #tpu.memory_space<vmem_shared>>
        tpu.enqueue_dma source(%dma_start3A_100 : memref<3200x32xf32, #tpu.memory_space<vmem_shared>>) target(%dma_start3A_97 : memref<3200x32xf32, #tpu.memory_space<hbm>>) target_semaphore(%run_scoped3A : memref<!tpu.dma_semaphore, #tpu.memory_space<semaphore_mem>>)
        %dma_wait3A = arith.constant 0 : i32
        %dma_wait3A_101 = tpu.memref_slice %arg5[%add3A_95, %dma_wait3A] : memref<104000x32xf32, #tpu.memory_space<hbm>> -> memref<3200x32xf32, #tpu.memory_space<hbm>>
        %dma_wait3A_102 = arith.constant 46800 : i32
        %dma_wait3A_103 = arith.constant 0 : i32
        %dma_wait3A_104 = tpu.memref_slice %arg26[%dma_wait3A_102, %dma_wait3A_103] : memref<50000x32xf32, #tpu.memory_space<vmem_shared>> -> memref<3200x32xf32, #tpu.memory_space<vmem_shared>>
        tpu.wait_dma2 semaphore(%run_scoped3A : memref<!tpu.dma_semaphore, #tpu.memory_space<semaphore_mem>>) src(%dma_wait3A_104 : memref<3200x32xf32, #tpu.memory_space<vmem_shared>>) dst(%dma_wait3A_101 : memref<3200x32xf32, #tpu.memory_space<hbm>>)
        tpu.yield
      }) : () -> ()
    } else {
    }
    return
  }
}

module attributes {stable_mosaic.version = 14 : i64} {
  func.func @_post_body(%arg0: i32, %arg1: memref<1000x128xf32, #tpu.memory_space<vmem>>, %arg2: memref<1000x128xf32, #tpu.memory_space<vmem>>, %arg3: memref<1000x4xf32, #tpu.memory_space<vmem>>, %arg4: memref<128x256xf32, #tpu.memory_space<vmem>>, %arg5: memref<128x256xf32, #tpu.memory_space<vmem>>, %arg6: memref<4x256xf32, #tpu.memory_space<vmem>>, %arg7: memref<1000x256xf32, #tpu.memory_space<vmem>>) attributes {dimension_semantics = [#tpu.dimension_semantics<arbitrary>], iteration_bounds = array<i64: 13>, scalar_prefetch = 0 : i64, scratch_operands = 0 : i64, tpu.core_type = #tpu.core_type<tc>, window_params = [{transform_indices = @transform_0, window_bounds = array<i64: 1000, 128>}, {transform_indices = @transform_1, window_bounds = array<i64: 1000, 128>}, {transform_indices = @transform_2, window_bounds = array<i64: 1000, 4>}, {transform_indices = @transform_3, window_bounds = array<i64: 128, 256>}, {transform_indices = @transform_4, window_bounds = array<i64: 128, 256>}, {pipeline_mode = #tpu.pipeline_mode<synchronous>, transform_indices = @transform_5, window_bounds = array<i64: 4, 256>}, {transform_indices = @transform_6, window_bounds = array<i64: 1000, 256>}]} {
    %get3A = arith.constant 0 : index
    %get3A_0 = arith.constant 0 : index
    %get3A_1 = vector.load %arg1[%get3A, %get3A_0] : memref<1000x128xf32, #tpu.memory_space<vmem>>, vector<1000x128xf32>
    %get3A_2 = arith.constant 0 : index
    %get3A_3 = arith.constant 0 : index
    %get3A_4 = vector.load %arg4[%get3A_2, %get3A_3] : memref<128x256xf32, #tpu.memory_space<vmem>>, vector<128x256xf32>
    %dot_general3A = arith.constant dense<0.000000e+00> : vector<1000x256xf32>
    %dot_general3A_5 = tpu.matmul %get3A_1, %get3A_4, %dot_general3A {dimension_numbers = #tpu.dot_dimension_numbers<[1], [0], [0], [1], [0, 0, 1, 1], [], []>, transpose_lhs_hint = false} : vector<1000x128xf32>, vector<128x256xf32>, vector<1000x256xf32> -> vector<1000x256xf32>
    %get3A_6 = arith.constant 0 : index
    %get3A_7 = arith.constant 0 : index
    %get3A_8 = vector.load %arg2[%get3A_6, %get3A_7] : memref<1000x128xf32, #tpu.memory_space<vmem>>, vector<1000x128xf32>
    %get3A_9 = arith.constant 0 : index
    %get3A_10 = arith.constant 0 : index
    %get3A_11 = vector.load %arg5[%get3A_9, %get3A_10] : memref<128x256xf32, #tpu.memory_space<vmem>>, vector<128x256xf32>
    %dot_general3A_12 = arith.constant dense<0.000000e+00> : vector<1000x256xf32>
    %dot_general3A_13 = tpu.matmul %get3A_8, %get3A_11, %dot_general3A_12 {dimension_numbers = #tpu.dot_dimension_numbers<[1], [0], [0], [1], [0, 0, 1, 1], [], []>, transpose_lhs_hint = false} : vector<1000x128xf32>, vector<128x256xf32>, vector<1000x256xf32> -> vector<1000x256xf32>
    %add3A = arith.addf %dot_general3A_5, %dot_general3A_13 : vector<1000x256xf32>
    %get3A_14 = arith.constant 0 : index
    %get3A_15 = arith.constant 0 : index
    %get3A_16 = vector.load %arg3[%get3A_14, %get3A_15] : memref<1000x4xf32, #tpu.memory_space<vmem>>, vector<1000x4xf32>
    %get3A_17 = arith.constant 0 : index
    %get3A_18 = arith.constant 0 : index
    %get3A_19 = vector.load %arg6[%get3A_17, %get3A_18] : memref<4x256xf32, #tpu.memory_space<vmem>>, vector<4x256xf32>
    %dot_general3A_20 = arith.constant dense<0.000000e+00> : vector<1000x256xf32>
    %dot_general3A_21 = tpu.matmul %get3A_16, %get3A_19, %dot_general3A_20 {dimension_numbers = #tpu.dot_dimension_numbers<[1], [0], [0], [1], [0, 0, 1, 1], [], []>, transpose_lhs_hint = false} : vector<1000x4xf32>, vector<4x256xf32>, vector<1000x256xf32> -> vector<1000x256xf32>
    %mul3A = arith.mulf %dot_general3A_21, %add3A : vector<1000x256xf32>
    %swap3A = arith.constant 0 : index
    %swap3A_22 = arith.constant 0 : index
    %swap3A_23 = vector.load %arg7[%swap3A, %swap3A_22] : memref<1000x256xf32, #tpu.memory_space<vmem>>, vector<1000x256xf32>
    tpu.vector_store %arg7[%swap3A, %swap3A_22], %mul3A {strides = array<i32>} : memref<1000x256xf32, #tpu.memory_space<vmem>>, vector<1000x256xf32>,
    return
  }
  func.func @transform_0(%arg0: i32) -> (i32, i32) {
    %c0_i32 = arith.constant 0 : i32
    %c0_i32_0 = arith.constant 0 : i32
    return %arg0, %c0_i32 : i32, i32
  }
  func.func @transform_1(%arg0: i32) -> (i32, i32) {
    %add3A = arith.constant 13 : i32
    %add3A_0 = arith.addi %arg0, %add3A : i32
    %c0_i32 = arith.constant 0 : i32
    %c0_i32_1 = arith.constant 0 : i32
    return %add3A_0, %c0_i32 : i32, i32
  }
  func.func @transform_2(%arg0: i32) -> (i32, i32) {
    %c0_i32 = arith.constant 0 : i32
    %c0_i32_0 = arith.constant 0 : i32
    return %arg0, %c0_i32 : i32, i32
  }
  func.func @transform_3(%arg0: i32) -> (i32, i32) {
    %c0_i32 = arith.constant 0 : i32
    %c0_i32_0 = arith.constant 0 : i32
    %c0_i32_1 = arith.constant 0 : i32
    return %c0_i32, %c0_i32_0 : i32, i32
  }
  func.func @transform_4(%arg0: i32) -> (i32, i32) {
    %c1_i32 = arith.constant 1 : i32
    %c0_i32 = arith.constant 0 : i32
    %c0_i32_0 = arith.constant 0 : i32
    return %c1_i32, %c0_i32 : i32, i32
  }
  func.func @transform_5(%arg0: i32) -> (i32, i32) {
    %c0_i32 = arith.constant 0 : i32
    %c0_i32_0 = arith.constant 0 : i32
    %c0_i32_1 = arith.constant 0 : i32
    return %c0_i32, %c0_i32_0 : i32, i32
  }
  func.func @transform_6(%arg0: i32) -> (i32, i32) {
    %c0_i32 = arith.constant 0 : i32
    %c0_i32_0 = arith.constant 0 : i32
    return %arg0, %c0_i32 : i32, i32
  }
}

</mosaic_0001>

<sc_bundles>
// kernel: kernel.4.cloned.1.call-start
scs
__scs_entry_jumppad:
0x0: {  	(pc) =	sbr.rel $0x88, $3  }
0x1: {  	(tag) =	ssettag $0x0;
	lr =	simm.s32 $0x1  }
0x2: {  	[smem:$0x3F9C] =	sst lr;
	_ =	strace $0xD0000000  }
0x3: {  	_ = 	snop  }
0x4: {  	_ = 	snop  }
0x5: {  	_ = 	snop  }
0x6: {  	_ = 	snop  }
0x7: {  	_ = 	snop  }
__scs_overlays_trampoline_lowered:
0x8: {  	[smem:$0x3FAB] =	sst s0  }
0x9: {  	[smem:$0x3FAC] =	sst s1  }
0xa: {  	[smem:$0x3FAD] =	sst s2  }
0xb: {  	[smem:$0x3FAE] =	sst s3  }
0xc: {  	[smem:$0x3FAF] =	sst s4  }
0xd: {  	[smem:$0x3FB0] =	sst s5  }
0xe: {  	[smem:$0x3FB1] =	sst s6  }
0xf: {  	[smem:$0x3FB2] =	sst s7  }
0x10: {  	[smem:$0x3FB3] =	sst s8  }
0x11: {  	[smem:$0x3FB4] =	sst s9;
	s0 =	simm.s32 @!p0 $0x0  }
0x12: {  	s1 =	sld [smem:$0x3F9A];
	s0 =	simm.s32 @p0 $0x1  }
0x13: {  	[smem:$0x3FB5] =	sst s0;
	s0 =	simm.s32 @!p1 $0x0  }
0x14: {  	s2 =	sld [smem:$0x3F99];
	s0 =	simm.s32 @p1 $0x1  }
0x15: {  	[smem:$0x3FB6] =	sst s0;
	s0 =	simm.s32 @!p2 $0x0  }
0x16: {  	s3 =	sld [smem:$0x3FDB];
	s0 =	simm.s32 @p2 $0x1  }
0x17: {  	s4 =	simm.s32 $0x1BF5;
	[smem:$0x3FB8] =	sst s0  }
0x18: {  	s0 =	sld [smem:$0x3F9B];
	_ =	swait.ge [sflag:s4], $0x0  }
0x19: {  	s7 =	sld [smem:$0x3F9C]  }
0x1a: {  	s8 =	sadd.s32 $0xFFFFE003, lr  }
0x1b: {  	s9 =	sadd.s32 $0xFFFFFEF7, lr;
	s5 =	simm.s32 $0xFFFFFFFF;
	p2 =	slt.u32 s8, $0xFFFFF086  }
0x1c: {  	p1 =	slt.u32 s9, $0xF7A;
	s5 =	simm.s32 @!p2 $0x0  }
0x1d: {  	s5 =	simm.s32 @p1 $0x1;
	p0 =	seq.s32 s7, s2  }
0x1e: {  	s7 =	smul.u32 @!p0 $0xF7A, s2;
	p2 =	seq.s32 @!p0 s5, $0x0  }
0x1f: {  	s9 =	smul.u32 $0xF7A, s1;
	s8 =	simm.s32 @!p0 $0x1BF5;
	p2 =	por !p2, p0  }
0x20: {  	[sflag:s8] =	ssyncset.s32 @!p0 $0xFFFFF086;
	s6 =	sadd.s32 @!p0 s3, s7;
	s7 =	simm.s32 @!p0 $0x108  }
0x21: {  	s3 =	sadd.s32 s3, s9;
	s6 =	sadd.s32 @!p0 $0x88, s6;
	s7 =	simm.s32 @p2 $0x1082  }
0x22: {  	[simem:s7], [sflag:s8] =	dma.local @!p0 [hbm:s6], $0xF7A  }
0x23: {  	s9 =	sor.u32 $0xD0000000, s2;
	s6 =	simm.s32 $0x108;
	_ =	swait.ge @!p0 [sflag:s8], $0x0  }
0x24: {  	s3 =	sadd.s32 $0x88, s3;
	s6 =	simm.s32 @!p1 $0x1082;
	[sflag:s4] =	ssyncset.s32 $0xFFFFF086  }
0x25: {  	[simem:s6], [sflag:s4] =	dma.local [hbm:s3], $0xF7A  }
0x26: {  	[smem:$0x3F9C] =	sst s1;
	(tag) =	ssettag s2;
	_ =	strace s9  }
0x27: {  	s1 =	sld [smem:$0x3FAC]  }
0x28: {  	s2 =	sld [smem:$0x3FAD]  }
0x29: {  	s4 =	sld [smem:$0x3FAF]  }
0x2a: {  	p0 =	seq.s32 s5, $0x0;
	s5 =	sld [smem:$0x3FB0]  }
0x2b: {  	s6 =	sld [smem:$0x3FB1]  }
0x2c: {  	s7 =	sld [smem:$0x3FB2]  }
0x2d: {  	s3 =	simm.s32 $0x108;
	s8 =	sld [smem:$0x3FB3]  }
0x2e: {  	s3 =	simm.s32 @!p0 $0x1082;
	s9 =	sld [smem:$0x3FB4]  }
0x2f: {  	lr =	sadd.s32 s0, s3;
	s0 =	sld [smem:$0x3FAB]  }
0x30: {  	s3 =	sld [smem:$0x3FAE]  }
0x31: {  	[smem:$0x3FB7] =	sst s10  }
0x32: {  	s10 =	sld [smem:$0x3FB5];
	_ =	sdelay $0x3  }
0x33: {  	p0 =	seq.s32 s10, $0x1;
	s10 =	sld [smem:$0x3FB7];
	_ =	sdelay $0x3  }
0x34: {  	[smem:$0x3FB7] =	sst s10  }
0x35: {  	s10 =	sld [smem:$0x3FB6];
	_ =	sdelay $0x3  }
0x36: {  	p1 =	seq.s32 s10, $0x1;
	s10 =	sld [smem:$0x3FB7];
	_ =	sdelay $0x3  }
0x37: {  	[smem:$0x3FB7] =	sst s10  }
0x38: {  	s10 =	sld [smem:$0x3FB8]  }
0x39: {  	_ = 	snop;
	(pc) =	sbr.ind lr, $3  }
0x3a: {  	_ = 	snop  }
0x3b: {  	_ = 	snop  }
0x3c: {  	p2 =	seq.s32 s10, $0x1;
	s10 =	sld [smem:$0x3FB7]  }
0x3d: {  	_ =	shalt  }
0x3e: {  	_ =	shalt  }
0x3f: {  	_ =	shalt  }
0x40: {  	_ =	shalt  }
0x41: {  	_ =	shalt  }
0x42: {  	_ =	shalt  }
0x43: {  	_ =	shalt  }
0x44: {  	_ =	shalt  }
0x45: {  	_ =	shalt  }
0x46: {  	_ =	shalt  }
0x47: {  	_ =	shalt  }
0x48: {  	_ =	shalt  }
0x49: {  	_ =	shalt  }
0x4a: {  	_ =	shalt  }
0x4b: {  	_ =	shalt  }
0x4c: {  	_ =	shalt  }
0x4d: {  	_ =	shalt  }
0x4e: {  	_ =	shalt  }
0x4f: {  	_ =	shalt  }
0x50: {  	_ =	shalt  }
0x51: {  	_ =	shalt  }
0x52: {  	_ =	shalt  }
0x53: {  	_ =	shalt  }
0x54: {  	_ =	shalt  }
0x55: {  	_ =	shalt  }
0x56: {  	_ =	shalt  }
0x57: {  	_ =	shalt  }
0x58: {  	_ =	shalt  }
0x59: {  	_ =	shalt  }
0x5a: {  	_ =	shalt  }
0x5b: {  	_ =	shalt  }
0x5c: {  	_ =	shalt  }
0x5d: {  	_ =	shalt  }
0x5e: {  	_ =	shalt  }
0x5f: {  	_ =	shalt  }
0x60: {  	_ =	shalt  }
0x61: {  	_ =	shalt  }
0x62: {  	_ =	shalt  }
0x63: {  	_ =	shalt  }
0x64: {  	_ =	shalt  }
0x65: {  	_ =	shalt  }
0x66: {  	_ =	shalt  }
0x67: {  	_ =	shalt  }
0x68: {  	_ =	shalt  }
0x69: {  	_ =	shalt  }
0x6a: {  	_ =	shalt  }
0x6b: {  	_ =	shalt  }
0x6c: {  	_ =	shalt  }
0x6d: {  	_ =	shalt  }
0x6e: {  	_ =	shalt  }
0x6f: {  	_ =	shalt  }
0x70: {  	_ =	shalt  }
0x71: {  	_ =	shalt  }
0x72: {  	_ =	shalt  }
0x73: {  	_ =	shalt  }
0x74: {  	_ =	shalt  }
0x75: {  	_ =	shalt  }
0x76: {  	_ =	shalt  }
0x77: {  	_ =	shalt  }
0x78: {  	_ =	shalt  }
0x79: {  	_ =	shalt  }
0x7a: {  	_ =	shalt  }
0x7b: {  	_ =	shalt  }
0x7c: {  	_ =	shalt  }
0x7d: {  	_ =	shalt  }
0x7e: {  	_ =	shalt  }
0x7f: {  	_ =	shalt  }
0x80: {  	_ =	shalt  }
0x81: {  	_ =	shalt  }
0x82: {  	_ =	shalt  }
0x83: {  	_ =	shalt  }
0x84: {  	_ =	shalt  }
0x85: {  	_ =	shalt  }
0x86: {  	_ =	shalt  }
0x87: {  	_ =	shalt  }
.Lfunc_end0:
.L_simem_size_0:
called_computation_lowered:
.L_overlay_start_0:
0x88: {  	s2 =	sld [smem:$0x3FD9]  }
0x89: {  	s3 =	sld [smem:$0x3FFE];
	_ =	sdelay $0x1  }
0x8a: {  	s1 =	srdreg.scid  }
0x8b: {  	s0 =	sand.u32 $0x1, s1  }
0x8c: {  	s17 =	sshll.u32 s0, $0xA;
	s2 =	sadd.s32 s3, s2  }
0x8d: {  	s2 =	sadd.s32 s2, s17  }
0x8e: {  	[smem:$0x3FC3] =	sst s2  }
0x8f: {  	_ = 	snop  }
0x90: {  	s2 =	sld [smem:$0x3FC8]  }
0x91: {  	s18 =	sld [smem:$0x3FC7]  }
0x92: {  	s4 =	sld [smem:$0x3FD0];
	(tm) =	ssettm $0x1  }
0x93: {  	s5 =	sld [smem:$0x3FFB];
	_ =	sdelay $0x3  }
0x94: {  	_ =	strace s5  }
0x95: {  	s5 =	sld [smem:$0x3FFC];
	_ =	sdelay $0x3  }
0x96: {  	_ =	strace s5  }
0x97: {  	s5 =	sld [smem:$0x3FFD];
	_ =	sdelay $0x3  }
0x98: {  	_ =	strace s5  }
0x99: {  	_ =	strace $0x8FFFFFFF  }
0x9a: {  	s19 =	sld [smem:$0x3FDB];
	_ =	sdelay $0x1  }
0x9b: {  	s6 =	simm.s32 $_scs_section_size  }
0x9c: {  	s7 =	simm.s32 $_size__tile_overlayer_lowered;
	s8 =	simm.s32 $_tile_overlayer_lowered  }
0x9d: {  	s22 =	simm.s32 $0x1BFF;
	s21 =	sshll.u32 s8, $0x1;
	s5 =	sadd.s32 s6, s19  }
0x9e: {  	s9 =	simm.s32 $0x0;
	s20 =	sshll.u32 s7, $0x1;
	s7 =	sadd.s32 s21, s5  }
0x9f: {  	[timem:s9], [sflag:s22] =	dma.local [hbm:s7], s20  }
0xa0: {  	_ =	swait.ge [sflag:s22], s20  }
0xa1: {  	s6 =	ssub.s32 $0x0, s20;
	[sflag:s22] =	ssyncset.done $0x0  }
0xa2: {  	[sflag:s22] =	ssyncadd.s32 s6;
	_ =	sdelay $0x1  }
0xa3: {  	s23 =	simm.s32 $0x1B8B  }
0xa4: {  	_ =	swait.ge [sflag:s23], $0x1  }
0xa5: {  	[sflag:s23] =	ssyncset.done $0x0  }
0xa6: {  	s25 =	simm.s32 $0x1B8E;
	s24 =	sld [smem:$0x3FFE];
	[sflag:s23] =	ssyncadd.s32 $0xFFFFFFFF  }
0xa7: {  	s26 =	simm.s32 $execute0_lowered;
	[smem:$0x3FD2] =	sst s25  }
0xa8: {  	s7 =	sshll.u32 s26, $0x1;
	_ =	strace $0x80000046;
	[dreg:$0x1] =	wrdreg $0xFFFFFFFF  }
0xa9: {  	s28 =	simm.s32 $_size_execute0_lowered;
	s5 =	sadd.s32 s5, s7;
	[dreg:$0x0] =	wrdreg $0x0  }
0xaa: {  	s7 =	sshll.u32 s28, $0x1;
	[dreg:$0x2] =	wrdreg s5  }
0xab: {  	[dreg:$0x3] =	wrdreg s7  }
0xac: {  	[dreg:$0x4] =	wrdreg $0xC0  }
0xad: {  	_ =	task [dreg:s9], $0x5FFFF  }
0xae: {  	[dreg:$0x1] =	wrdreg $0xFFFFFFFF  }
0xaf: {  	[dreg:$0x0] =	wrdreg $0x60  }
0xb0: {  	[dreg:$0x2] =	wrdreg s4  }
0xb1: {  	[dreg:$0x3] =	wrdreg s2  }
0xb2: {  	[dreg:$0x4] =	wrdreg s18  }
0xb3: {  	[dreg:$0x5] =	wrdreg s24  }
0xb4: {  	[dreg:$0x6] =	wrdreg $0x66800  }
0xb5: {  	[dreg:$0x7] =	wrdreg $0x9  }
0xb6: {  	_ =	task.clear_ibuf [dreg:s9], $0x8FFFF;
	_ =	strace $0x90000046  }
0xb7: {  	s29 =	simm.s32 $0x9;
	_ =	strace $0x80000048  }
0xb8: {  	_ =	swait.ge [sflag:s29], $0x1  }
0xb9: {  	[sflag:s29] =	ssyncadd.s32 $0xFFFFFFFF  }
0xba: {  	_ =	strace $0x90000048  }
0xbb: {  	_ =	sfence  }
0xbc: {  	s30 =	sld [smem:$0x0];
	_ =	sdelay $0x2  }
0xbd: {  	s31 =	sshll.u32 s1, $0xD;
	s1 =	sshrl.u32 s1, $0x2  }
0xbe: {  	s3 =	sand.u32 $0x4000, s31;
	s1 =	sadd.s32 s1, s30  }
0xbf: {  	s0 =	sor.u32 s3, s0;
	s1 =	sshll.u32 s1, $0x11  }
0xc0: {  	s0 =	sor.u32 s1, s0  }
0xc1: {  	s0 =	sadd.s32 $0x8F2B, s0  }
0xc2: {  	[sflag:s0] =	ssyncadd.remote.s32 $0x1  }
0xc3: {  	_ =	sfence.sel $0xFFFF  }
0xc4: {  	[dreg:$0x0] =	wrdreg $0xFFFFFFFF;
	(pc) =	sbr.abs _section_cstart, $3  }
0xc5: {  	[dreg:$0x1] =	wrdreg $0xFFFFFFFF  }
0xc6: {  	_ =	task.clear_ibuf [dreg:s9], $0x2FFFF;
	_ =	strace $0x9FFFFFFF  }
0xc7: {  	(tm) =	ssettm $0x7FFFFFFF  }
tec
execute0_lowered:
.L_overlay_start_1:
0x0: {  	(tag) =	ssettag $0x1  }
0x1: {  	s1 =	rddreg [dreg:$0x0]  }
0x2: {  	s11 =	rddreg [dreg:$0x1]  }
0x3: {  	s12 =	rddreg [dreg:$0x2]  }
0x4: {  	s0 =	rddreg [dreg:$0x3]  }
0x5: {  	s4 =	rddreg [dreg:$0x4];
	s2 =	srdreg.scid  }
0x6: {  	s6 =	simm.s32 $0x0;
	s10 =	stileid.u32;
	s8 =	simm.s32 $0x28  }
0x7: {  	s18 =	simm.s32 $0x50;
	s22 =	simm.s32 $0x6400;
	s21 =	simm.s32 $0x1400  }
0x8: {  	s14 =	simm.s32 $0x9;
	s15 =	simm.s32 $0x3;
	s13 =	simm.s32 $0xA  }
0x9: {  	s16 =	simm.s32 $0x4;
	s29 =	simm.s32 $0x5;
	s9 =	smul.u32 $0xC300, s10  }
0xa: {  	s17 =	simm.s32 $0xC;
	s19 =	simm.s32 $0xE;
	s24 =	smul.u32 $0xC30, s10  }
0xb: {  	s3 =	sand.u32 $0x1, s2;
	[smem:$0x7FF] =	sst s6;
	s7 =	smul.u32 $0x1860, s10  }
0xc: {  	p0 =	seq.s32 s10, $0xF;
	s10 =	smul.u32 $0x61800, s10;
	s6 =	simm.s32 $0x1  }
0xd: {  	s2 =	ssub.s32 $0x2, s3;
	s5 =	smul.u32 $0xCB20, s3;
	_ =	strace $0x80000047  }
0xe: {  	s8 =	simm.s32 @!p0 $0x27;
	s25 =	smul.u32 $0x196400, s3;
	s23 =	sshrl.u32 s2, $0x1  }
0xf: {  	[dreg:$0x6] =	wrdreg s9;
	s9 =	sshrl.u32 s9, $0x3;
	s20 =	sor.u32 s3, s7  }
0x10: {  	s26 =	sadd.s32 $0xFFFFFFFF, s8;
	s28 =	sshrl.u32 s10, $0x2;
	s10 =	simm.s32 $0x2  }
0x11: {  	s7 =	simm.s32 $0xD;
	s2 =	ssub.s32 s2, s23;
	s11 =	sadd.s32 s11, s9  }
0x12: {  	s9 =	sadd.s32 s12, s9;
	[dreg:$0x9] =	wrdreg s26;
	s5 =	sadd.s32 s24, s5  }
0x13: {  	v0 =	vlaneseq.u32;
	s30 =	sshrl.u32 s25, $0x3;
	s23 =	sadd.s32 s28, s4;
	[dreg:$0x7] =	wrdreg s11  }
0x14: {  	v3 =	vmul.u32 $0x2, v0;
	s31 =	sadd.s32 $0xA0, s20;
	s26 =	simm.s32 $0xB;
	[dreg:$0x8] =	wrdreg s9  }
0x15: {  	s12 =	simm.s32 $0x8;
	s24 =	simm.s32 $0xF;
	[dreg:$0xe] =	wrdreg s31  }
0x16: {  	v1 =	vor.u32 $0x20, v3;
	v2 =	vor.u32 $0x40, v3;
	v4 =	vor.u32 $0x60, v3;
	s5 =	sshll.u32 s5, $0x2;
	s2 =	smax.u32 s2, $0x1;
	[dreg:$0xb] =	wrdreg s23  }
.Ltmp0:
0x17: {  	v5 =	vor.u32 $0x80, v3;
	v0 =	vor.u32 s20, v3;
	v1 =	vadd.s32 s20, v1;
	s5 =	sadd.s32 s0, s5;
	s0 =	sadd.s32 s0, s30;
	(pc) =	sbr.rel .LBB2_1-.Ltmp0, $4  }
0x18: {  	v2 =	vadd.s32 s20, v2;
	v3 =	vadd.s32 s20, v4;
	v4 =	vadd.s32 s20, v5;
	s20 =	simm.s32 $0x0;
	[dreg:$0xd] =	wrdreg s2;
	s0 =	sadd.s32 $0x2DB40, s0  }
0x19: {  	s9 =	simm.s32 $0x5A00;
	[dreg:$0xc] =	wrdreg s0;
	s0 =	sadd.s32 $0x16DA00, s4  }
0x1a: {  	s11 =	simm.s32 $0x7;
	[dreg:$0xa] =	wrdreg s5;
	s0 =	sshrl.u32 @p0 s0, $0x3  }
0x1b: {  	v5 =	vmov s3;
	s2 =	simm.s32 $0x6;
	s5 =	simm.s32 $0x5000;
	[dreg:$0xf] =	wrdreg s0  }
.LBB2_17:
0x1c: {  	[bflag:$0x0] =	sbarrier.arrive $0xFFFF  }
0x1d: {  	s3 =	rddreg [dreg:$0xc]  }
0x1e: {  	s0 =	simm.s32 @p0 $0x1FD3;
	s20 =	rddreg [dreg:$0xf]  }
0x1f: {  	[hbm:s3], [sflag:s0] =	dma.local @p0 [spmem:s20], $0x3200  }
0x20: {  	s0 =	simm.s32 @p0 $0x13  }
0x21: {  	_ =	swait.ge @p0 [sflag:s0], $0x3200  }
0x22: {  	s3 =	stileid.u32;
	s23 =	rddreg [dreg:$0xb]  }
0x23: {  	s3 =	sshll.u32 @!p0 s3, $0x6;
	[sflag:s0] =	ssyncset.done @p0 $0x0;
	s20 =	rddreg [dreg:$0xa]  }
0x24: {  	[sflag:s0] =	ssyncadd.s32 @p0 $0xFFFFCE00;
	s0 =	sor.u32 @!p0 $0x1C13, s3;
	s3 =	sshrl.u32 @!p0 s23, $0x3  }
0x25: {  	[hbm:s20], [sflag:s0] =	dma.local @!p0 [spmem:s3], $0x30C0  }
0x26: {  	s0 =	simm.s32 @!p0 $0x13  }
0x27: {  	_ =	swait.ge @!p0 [sflag:s0], $0x30C0  }
0x28: {  	s30 =	rddreg [dreg:$0x10]  }
0x29: {  	s31 =	rddreg [dreg:$0xd];
	s20 =	sadd.s32 $0x1, s30  }
0x2a: {  	p1 =	sne.s32 s20, s31  }
.Ltmp1:
0x2b: {  	_ = 	snop;
	(pc) =	sbr.rel @!p1 .LBB2_18-.Ltmp1, $3  }
0x2c: {  	_ =	sdelay $0x1  }
0x2d: {  	[sflag:s0] =	ssyncset.done @!p0 $0x0  }
0x2e: {  	[sflag:s0] =	ssyncadd.s32 @!p0 $0xFFFFCF40  }
.LBB2_1:
0x2f: {  	[dreg:$0x10] =	wrdreg s20  }
0x30: {  	s0 =	simm.s32 $0x0;
	s3 =	rddreg [dreg:$0x7]  }
0x31: {  	[tilespmem:s0], [sflag:$0x11] =	stream.linear.gather [hbm4b:s3+s0], $0x500, $0x38;
	[tilespmem:$0x1ED20] =	vst v63  }
0x32: {  	s20 =	rddreg [dreg:$0x8];
	s25 =	simm.s32 $0x500;
	p2 =	sle.u32 s8, $0x0  }
0x33: {  	[tilespmem:s25], [sflag:$0x11] =	stream.linear.gather [hbm4b:s20+s0], $0x500, $0x38;
	[tilespmem:$0x1ED20] =	vst v63  }
0x34: {  	p1 =	sle.u32 @!p2 s8, $0x1;
	[tilespmem:$0x6400] =	vst v0  }
0x35: {  	p1 =	por p1, p2;
	[tilespmem:$0x6410] =	vst v1  }
0x36: {  	v6 =	vlaneseq.u32 @!p1;
	[tilespmem:$0x6420] =	vst v2  }
0x37: {  	v6 =	vmul.u32 @!p1 $0x2, v6;
	[tilespmem:$0x6430] =	vst v3  }
0x38: {  	s0 =	rddreg [dreg:$0xe];
	[tilespmem:$0x6440] =	vst v4  }
0x39: {  	[tilespmem:s21], [sflag:$0x1] =	stream.indirect.gather [hbm4b:s1+s18], $0x20, s22, s18, $0xb8;
	v7 =	vor.u32 @!p1 $0x20, v6;
	v9 =	vor.u32 @!p1 s0, v6;
	[tilespmem:$0x1ED20] =	vst v63  }
0x3a: {  	v8 =	vor.u32 @!p1 $0x40, v6;
	v7 =	vadd.s32 @!p1 s0, v7;
	[tilespmem:$0x6450] =	vst @!p1 v9  }
0x3b: {  	v8 =	vadd.s32 @!p1 s0, v8;
	[tilespmem:$0x6460] =	vst @!p1 v7;
	v7 =	vor.u32 @!p1 $0x60, v6  }
0x3c: {  	v6 =	vor.u32 @!p1 $0x80, v6;
	[tilespmem:$0x6470] =	vst @!p1 v8;
	v7 =	vadd.s32 @!p1 s0, v7  }
0x3d: {  	s3 =	simm.s32 @!p2 $0x1;
	v6 =	vadd.s32 @!p1 s0, v6;
	[tilespmem:$0x6480] =	vst @!p1 v7  }
0x3e: {  	s20 =	simm.s32 @!p1 $0x50;
	s21 =	simm.s32 @!p1 $0x6450;
	s22 =	simm.s32 @!p1 $0x1E00;
	[tilespmem:$0x6490] =	vst @!p1 v6  }
0x3f: {  	[tilespmem:s22], [sflag:$0x2] =	stream.indirect.gather @!p1 [hbm4b:s1+s20], $0x20, s21, s20, $0xb8;
	[tilespmem:$0x1ED20] =	vst v63  }
0x40: {  	p1 =	sle.u32 s8, $0x1;
	_ =	swait.ge @!p2 [sflag:s3], $0xA00  }
0x41: {  	s20 =	simm.s32 @!p2 $0x14;
	p3 =	sle.u32 @!p1 s8, $0x2;
	[sflag:s3] =	ssyncset.done @!p2 $0x0  }
0x42: {  	p4 =	por p3, p1;
	[sflag:s3] =	ssyncadd.s32 @!p2 $0xFFFFF600;
	s3 =	simm.s32 @!p2 $0x1400  }
0x43: {  	v6 =	vlaneseq.u32 @!p4;
	[spmem:s23] =	stream.linear.scatter @!p2 [tilespmem:s3], [sflag:$0x14], $0xA00, $0x38;
	[tilespmem:$0x1ED20] =	vst v63  }
0x44: {  	v6 =	vmul.u32 @!p4 $0x2, v6;
	_ =	swait.ge @!p2 [sflag:s20], $0xA00  }
0x45: {  	s3 =	sadd.s32 @!p4 $0xA0, s0;
	[sflag:s20] =	ssyncset.done @!p2 $0x0  }
0x46: {  	v7 =	vor.u32 @!p4 s3, v6;
	v8 =	vor.u32 @!p4 $0x80, v6;
	[sflag:s20] =	ssyncadd.s32 @!p2 $0xFFFFF600  }
0x47: {  	v9 =	vor.u32 @!p4 $0x40, v6;
	[tilespmem:$0x6400] =	vst @!p4 v7;
	v7 =	vadd.s32 @!p4 s3, v8  }
0x48: {  	s31 =	sadd.s32 $0x1400, s23;
	s22 =	sadd.s32 $0x140, s0;
	v8 =	vadd.s32 @!p4 s3, v9;
	v9 =	vor.u32 @!p4 $0x60, v6;
	[tilespmem:$0x6440] =	vst @!p4 v7  }
0x49: {  	s25 =	simm.s32 @!p1 $0x2;
	s28 =	simm.s32 @!p4 $0x50;
	s21 =	simm.s32 @!p4 $0x6400;
	v6 =	vor.u32 @!p4 $0x20, v6;
	[tilespmem:$0x6420] =	vst @!p4 v8;
	v7 =	vadd.s32 @!p4 s3, v9  }
0x4a: {  	s30 =	simm.s32 @!p4 $0x1400;
	s20 =	simm.s32 $0x2;
	v6 =	vadd.s32 @!p4 s3, v6;
	s3 =	smov.u32 s23;
	[tilespmem:$0x6430] =	vst @!p4 v7  }
.LBB2_2:
0x4b: {  	p3 =	sge.u32 s20, s8  }
0x4c: {  	s0 =	sadd.s32 $0x1, s20;
	[tilespmem:$0x6410] =	vst @!p4 v6;
	s23 =	smov.u32 s20;
	s20 =	sadd.s32 $0x2, s20  }
0x4d: {  	[tilespmem:s30], [sflag:$0x1] =	stream.indirect.gather @!p4 [hbm4b:s1+s28], $0x20, s21, s28, $0xb8;
	[tilespmem:$0x1ED20] =	vst v63  }
0x4e: {  	p2 =	sge.u32 @!p3 s0, s8;
	s21 =	simm.s32 @!p1 $0x1E00;
	_ =	swait.ge @!p1 [sflag:s25], $0xA00  }
0x4f: {  	s3 =	sadd.s32 @!p1 $0xA00, s3;
	p4 =	por p2, p3;
	[sflag:s25] =	ssyncset.done @!p1 $0x0  }
0x50: {  	p2 =	sne.s32 s20, $0x28;
	v6 =	vlaneseq.u32 @!p4;
	[sflag:s25] =	ssyncadd.s32 @!p1 $0xFFFFF600;
	s25 =	simm.s32 @!p1 $0x13  }
0x51: {  	v6 =	vmul.u32 @!p4 $0x2, v6;
	[spmem:s3] =	stream.linear.scatter @!p1 [tilespmem:s21], [sflag:$0x13], $0xA00, $0x38;
	[tilespmem:$0x1ED20] =	vst v63  }
0x52: {  	s3 =	smov.u32 s31;
	_ =	swait.ge @!p1 [sflag:s25], $0xA00  }
0x53: {  	v7 =	vor.u32 @!p4 $0x20, v6;
	v8 =	vor.u32 @!p4 $0x40, v6;
	v9 =	vor.u32 @!p4 $0x60, v6;
	[sflag:s25] =	ssyncset.done @!p1 $0x0  }
0x54: {  	v10 =	vor.u32 @!p4 $0x80, v6;
	v7 =	vadd.s32 @!p4 s22, v7;
	v8 =	vadd.s32 @!p4 s22, v8;
	[sflag:s25] =	ssyncadd.s32 @!p1 $0xFFFFF600  }
0x55: {  	v6 =	vor.u32 @!p4 s22, v6;
	[tilespmem:$0x6460] =	vst @!p4 v7;
	v7 =	vadd.s32 @!p4 s22, v9;
	v9 =	vadd.s32 @!p4 s22, v10  }
0x56: {  	[tilespmem:$0x6450] =	vst @!p4 v6  }
0x57: {  	[tilespmem:$0x6470] =	vst @!p4 v8  }
0x58: {  	s21 =	simm.s32 @!p3 $0x1;
	p1 =	sge.u32 s0, s8;
	[tilespmem:$0x6480] =	vst @!p4 v7  }
0x59: {  	s28 =	simm.s32 @!p4 $0x1E00;
	s0 =	simm.s32 @!p4 $0x50;
	s25 =	simm.s32 @!p4 $0x6450;
	[tilespmem:$0x6490] =	vst @!p4 v9  }
0x5a: {  	[tilespmem:s28], [sflag:$0x2] =	stream.indirect.gather @!p4 [hbm4b:s1+s0], $0x20, s25, s0, $0xb8;
	[tilespmem:$0x1ED20] =	vst v63  }
0x5b: {  	s0 =	sadd.s32 @!p1 $0x2, s23;
	s25 =	simm.s32 @!p1 $0x2;
	_ =	swait.ge @!p3 [sflag:s21], $0xA00  }
0x5c: {  	s23 =	simm.s32 @!p3 $0x14;
	p4 =	sge.u32 @!p1 s0, s8;
	[sflag:s21] =	ssyncset.done @!p3 $0x0  }
0x5d: {  	s0 =	simm.s32 @!p3 $0x1400;
	p4 =	por p4, p1;
	[sflag:s21] =	ssyncadd.s32 @!p3 $0xFFFFF600  }
0x5e: {  	v6 =	vlaneseq.u32 @!p4;
	[spmem:s31] =	stream.linear.scatter @!p3 [tilespmem:s0], [sflag:$0x14], $0xA00, $0x38;
	[tilespmem:$0x1ED20] =	vst v63  }
0x5f: {  	v7 =	vmul.u32 @!p4 $0x2, v6;
	_ =	swait.ge @!p3 [sflag:s23], $0xA00  }
0x60: {  	s0 =	sadd.s32 @!p4 $0xA0, s22;
	[sflag:s23] =	ssyncset.done @!p3 $0x0  }
.Ltmp2:
0x61: {  	v6 =	vor.u32 @!p4 s0, v7;
	v8 =	vor.u32 @!p4 $0x40, v7;
	v9 =	vor.u32 @!p4 $0x80, v7;
	[sflag:s23] =	ssyncadd.s32 @!p3 $0xFFFFF600;
	(pc) =	sbr.rel @p2 .LBB2_2-.Ltmp2, $4  }
0x62: {  	v8 =	vadd.s32 @!p4 s0, v8;
	v9 =	vadd.s32 @!p4 s0, v9;
	[tilespmem:$0x6400] =	vst @!p4 v6;
	v6 =	vor.u32 @!p4 $0x20, v7  }
0x63: {  	v7 =	vor.u32 @!p4 $0x60, v7;
	v6 =	vadd.s32 @!p4 s0, v6;
	[tilespmem:$0x6440] =	vst @!p4 v9  }
0x64: {  	s31 =	sadd.s32 $0x1400, s31;
	s22 =	sadd.s32 $0x140, s22;
	v7 =	vadd.s32 @!p4 s0, v7;
	[tilespmem:$0x6420] =	vst @!p4 v8  }
0x65: {  	s28 =	simm.s32 @!p4 $0x50;
	s21 =	simm.s32 @!p4 $0x6400;
	s30 =	simm.s32 @!p4 $0x1400;
	[tilespmem:$0x6430] =	vst @!p4 v7  }
0x66: {  	[tilespmem:$0x6410] =	vst @!p4 v6  }
0x67: {  	[tilespmem:s30], [sflag:$0x1] =	stream.indirect.gather @!p4 [hbm4b:s1+s28], $0x20, s21, s28, $0xb8;
	[tilespmem:$0x1ED20] =	vst v63  }
0x68: {  	_ =	swait.ge @!p1 [sflag:s25], $0xA00  }
0x69: {  	s0 =	simm.s32 @!p1 $0x1E00;
	[sflag:s25] =	ssyncset.done @!p1 $0x0  }
0x6a: {  	s3 =	sadd.s32 @!p1 $0xA00, s3;
	s20 =	simm.s32 @!p1 $0x13;
	[sflag:s25] =	ssyncadd.s32 @!p1 $0xFFFFF600  }
0x6b: {  	[spmem:s3] =	stream.linear.scatter @!p1 [tilespmem:s0], [sflag:$0x13], $0xA00, $0x38;
	[tilespmem:$0x1ED20] =	vst v63  }
.Ltmp3:
0x6c: {  	_ =	swait.ge @!p1 [sflag:s20], $0xA00;
	(pc) =	sbr.rel .LBB2_4-.Ltmp3, $4  }
0x6d: {  	[sflag:s20] =	ssyncset.done @!p1 $0x0  }
0x6e: {  	s22 =	simm.s32 $0x6400;
	s23 =	simm.s32 $0x3200;
	[sflag:s20] =	ssyncadd.s32 @!p1 $0xFFFFF600  }
0x6f: {  	s21 =	simm.s32 $0x1400;
	s28 =	simm.s32 $0x2800;
	[bflag:$0x0] =	sbarrier.arrive $0xFFFF  }
0x70: {  	s30 =	simm.s32 $0x4600;
	s25 =	simm.s32 $0x3C00;
	s3 =	simm.s32 $0x0  }
.LBB2_16:
0x71: {  	s3 =	sadd.s32 $0x1, s3  }
0x72: {  	p1 =	sne.s32 s3, $0x14  }
.Ltmp4:
0x73: {  	_ = 	snop;
	(pc) =	sbr.rel @!p1 .LBB2_17-.Ltmp4, $1  }
0x74: {  	_ =	sdelay $0x3  }
.LBB2_4:
0x75: {  	s20 =	sshll.u32 s3, $0x1  }
0x76: {  	p1 =	sge.u32 s20, s8  }
.Ltmp5:
0x77: {  	_ = 	snop;
	(pc) =	sbr.rel @p1 .LBB2_10-.Ltmp5, $2  }
0x78: {  	_ =	sdelay $0x2  }
0x79: {  	[dreg:$0x11] =	wrdreg s3  }
0x7a: {  	s3 =	simm.s32 $0x11  }
0x7b: {  	_ =	swait.ge [sflag:s3], $0x500  }
0x7c: {  	s0 =	sor.u32 $0x1, s20;
	[sflag:s3] =	ssyncset.done $0x0  }
0x7d: {  	[dreg:$0x12] =	wrdreg s20;
	p1 =	sge.u32 s0, s8;
	[sflag:s3] =	ssyncadd.s32 $0xFFFFFB00  }
0x7e: {  	s0 =	smul.u32 @!p1 $0x500, s0;
	_ =	swait.ge [sflag:s3], $0x500  }
0x7f: {  	[sflag:s3] =	ssyncset.done $0x0;
	s20 =	rddreg [dreg:$0x6]  }
0x80: {  	s0 =	sadd.s32 @!p1 s20, s0;
	[sflag:s3] =	ssyncadd.s32 $0xFFFFFB00  }
0x81: {  	s0 =	sshrl.u32 @!p1 s0, $0x3;
	s3 =	rddreg [dreg:$0x1]  }
0x82: {  	s21 =	simm.s32 @!p1 $0xA00;
	s20 =	simm.s32 @!p1 $0x0;
	s3 =	sadd.s32 @!p1 s3, s0  }
0x83: {  	[tilespmem:s21], [sflag:$0x12] =	stream.linear.gather @!p1 [hbm4b:s3+s20], $0x500, $0x38;
	[tilespmem:$0x1ED20] =	vst v63  }
0x84: {  	s3 =	rddreg [dreg:$0x2]  }
0x85: {  	s0 =	sadd.s32 @!p1 s3, s0;
	s3 =	simm.s32 @!p1 $0xF00  }
0x86: {  	[tilespmem:s3], [sflag:$0x12] =	stream.linear.gather @!p1 [hbm4b:s0+s20], $0x500, $0x38;
	[tilespmem:$0x1ED20] =	vst v63  }
0x87: {  	s3 =	simm.s32 $0x20  }
0x88: {  	v6 =	vld [tilespmem:s3+$0xFFFFFFE0];
	_ =	sdelay $0x2  }
0x89: {  	v7 =	vld [tilespmem:s3+$0x0]  }
0x8a: {  	v8 =	vld [tilespmem:s3+$0x10]  }
0x8b: {  	v9 =	vshll.u32 v6, $0x1;
	v6 =	vld [tilespmem:s3+$0xFFFFFFF0];
	_ =	sdelay $0x2  }
0x8c: {  	v7 =	vshll.u32 v7, $0x1;
	v9 =	vor.u32 v5, v9  }
0x8d: {  	s22 =	simm.s32 $0x60;
	s20 =	simm.s32 $0x0;
	v8 =	vshll.u32 v8, $0x1;
	v7 =	vor.u32 v5, v7;
	[tilespmem:s3+$0xFFFFFFE0] =	vst v9  }
.LBB2_6:
0x8e: {  	v9 =	vld [tilespmem:s22+$0xFFFFFFE0];
	v6 =	vshll.u32 v6, $0x1;
	[tilespmem:s3+$0x0] =	vst v7;
	v7 =	vor.u32 v5, v8  }
0x8f: {  	s20 =	sadd.s32 $0x4, s20;
	v8 =	vld [tilespmem:s22+$0x0];
	v6 =	vor.u32 v5, v6;
	[tilespmem:s3+$0x10] =	vst v7  }
0x90: {  	p1 =	slt.u32 s20, $0x4C;
	v10 =	vld [tilespmem:s22+$0x10];
	[tilespmem:s3+$0xFFFFFFF0] =	vst v6;
	s3 =	smov.u32 s22  }
.Ltmp6:
0x91: {  	v6 =	vld [tilespmem:s22+$0xFFFFFFF0];
	(pc) =	sbr.rel @p1 .LBB2_6-.Ltmp6, $4  }
0x92: {  	_ = 	snop  }
0x93: {  	v7 =	vshll.u32 v9, $0x1  }
0x94: {  	v7 =	vor.u32 v5, v7;
	v8 =	vshll.u32 v8, $0x1  }
0x95: {  	s22 =	sadd.s32 $0x40, s22;
	[tilespmem:s3+$0xFFFFFFE0] =	vst v7;
	v7 =	vor.u32 v5, v8;
	v8 =	vshll.u32 v10, $0x1  }
0x96: {  	v6 =	vshll.u32 v6, $0x1;
	[tilespmem:s3+$0x0] =	vst v7;
	v7 =	vor.u32 v5, v8  }
0x97: {  	v6 =	vor.u32 v5, v6;
	[tilespmem:s3+$0x10] =	vst v7  }
0x98: {  	s21 =	simm.s32 $0x1400;
	[tilespmem:s3+$0xFFFFFFF0] =	vst v6;
	s3 =	simm.s32 $0x0  }
0x99: {  	[tilespmem:s21], [sflag:$0x1] =	stream.indirect.gather [hbm4b:s1+s18], $0x20, s3, s18, $0xb8;
	[tilespmem:$0x1ED20] =	vst v63  }
0x9a: {  	s20 =	simm.s32 $0x1E00  }
0x9b: {  	[tilespmem:s20], [sflag:$0x2] =	stream.indirect.gather [hbm4b:s1+s18], $0x20, s18, s18, $0xb8;
	[tilespmem:$0x1ED20] =	vst v63  }
0x9c: {  	s0 =	simm.s32 $0xA0  }
0x9d: {  	[tilespmem:s28], [sflag:$0x3] =	stream.indirect.gather [hbm4b:s1+s18], $0x20, s0, s18, $0xb8;
	[tilespmem:$0x1ED20] =	vst v63  }
0x9e: {  	s22 =	simm.s32 $0xF0  }
0x9f: {  	[tilespmem:s23], [sflag:$0x4] =	stream.indirect.gather [hbm4b:s1+s18], $0x20, s22, s18, $0xb8;
	[tilespmem:$0x1ED20] =	vst v63  }
0xa0: {  	s31 =	simm.s32 $0x1E0;
	s23 =	simm.s32 $0x140  }
0xa1: {  	[tilespmem:s25], [sflag:$0x5] =	stream.indirect.gather [hbm4b:s1+s18], $0x20, s23, s18, $0xb8;
	[tilespmem:$0x1ED20] =	vst v63  }
0xa2: {  	p2 =	por $0x1, $0x1;
	p3 =	por $0x0, $0x0;
	s25 =	simm.s32 $0x190  }
0xa3: {  	[tilespmem:s30], [sflag:$0x6] =	stream.indirect.gather [hbm4b:s1+s18], $0x20, s25, s18, $0xb8;
	[tilespmem:$0x1ED20] =	vst v63  }
0xa4: {  	s28 =	simm.s32 $0x65E0;
	s22 =	simm.s32 $0x6400;
	s23 =	simm.s32 $0x6630  }
0xa5: {  	[tilespmem:s5], [sflag:$0x7] =	stream.indirect.gather [hbm4b:s1+s18], $0x20, s31, s18, $0xb8;
	[tilespmem:$0x1ED20] =	vst v63  }
0xa6: {  	s25 =	simm.s32 $0x64F0;
	s30 =	simm.s32 $0x6540;
	s5 =	simm.s32 $0x6590  }
.LBB2_8:
0xa7: {  	_ =	swait.ge [sflag:s6], $0xA00;
	s0 =	smul.u32 $0xA00, s3  }
0xa8: {  	[sflag:s6] =	ssyncset.done $0x0  }
0xa9: {  	[sflag:s6] =	ssyncadd.s32 $0xFFFFF600;
	s31 =	sshra.s32 s0, $0x2  }
0xaa: {  	v6 =	vld [tilespmem:s31+$0x500];
	_ =	sdelay $0x4  }
0xab: {  	[tilespmem:$0x6400] =	vst v6  }
0xac: {  	v6 =	vld [tilespmem:s31+$0x510];
	_ =	sdelay $0x4  }
0xad: {  	[tilespmem:$0x6410] =	vst v6  }
0xae: {  	v6 =	vld [tilespmem:s31+$0x520];
	_ =	sdelay $0x4  }
0xaf: {  	[tilespmem:$0x6420] =	vst v6  }
0xb0: {  	v6 =	vld [tilespmem:s31+$0x530];
	_ =	sdelay $0x4  }
0xb1: {  	[tilespmem:$0x6430] =	vst v6  }
0xb2: {  	v6 =	vld [tilespmem:s31+$0x540];
	_ =	sdelay $0x4  }
0xb3: {  	s0 =	simm.s32 @p3 $0x10;
	[tilespmem:$0x6440] =	vst v6  }
0xb4: {  	[spmem:s4] =	stream.indirect.scatter.add.f32 [tilespmem:s21], [sflag:$0x9], $0x20, s22, s18, $0xb8;
	[tilespmem:$0x1ED20] =	vst v63  }
0xb5: {  	_ =	swait.ge @p3 [sflag:s0], $0xA00  }
0xb6: {  	[sflag:s0] =	ssyncset.done @p3 $0x0  }
0xb7: {  	s21 =	sadd.s32 $0x230, s31;
	[sflag:s0] =	ssyncadd.s32 @p3 $0xFFFFF600  }
0xb8: {  	[tilespmem:s9], [sflag:$0x8] =	stream.indirect.gather [hbm4b:s1+s18], $0x20, s21, s18, $0xb8;
	[tilespmem:$0x1ED20] =	vst v63  }
0xb9: {  	_ =	swait.ge [sflag:s10], $0xA00  }
0xba: {  	[sflag:s10] =	ssyncset.done $0x0  }
0xbb: {  	[sflag:s10] =	ssyncadd.s32 $0xFFFFF600  }
0xbc: {  	v6 =	vld [tilespmem:s31+$0x550];
	_ =	sdelay $0x4  }
0xbd: {  	[tilespmem:$0x6450] =	vst v6  }
0xbe: {  	v6 =	vld [tilespmem:s31+$0x560];
	_ =	sdelay $0x4  }
0xbf: {  	[tilespmem:$0x6460] =	vst v6  }
0xc0: {  	v6 =	vld [tilespmem:s31+$0x570];
	_ =	sdelay $0x4  }
0xc1: {  	[tilespmem:$0x6470] =	vst v6  }
0xc2: {  	v6 =	vld [tilespmem:s31+$0x580];
	_ =	sdelay $0x4  }
0xc3: {  	[tilespmem:$0x6480] =	vst v6  }
0xc4: {  	v6 =	vld [tilespmem:s31+$0x590];
	_ =	sdelay $0x4  }
0xc5: {  	s21 =	simm.s32 $0x6450;
	[tilespmem:$0x6490] =	vst v6  }
0xc6: {  	[spmem:s4] =	stream.indirect.scatter.add.f32 [tilespmem:s20], [sflag:$0xA], $0x20, s21, s18, $0xb8;
	[tilespmem:$0x1ED20] =	vst v63  }
0xc7: {  	_ =	swait.ge [sflag:s14], $0xA00  }
0xc8: {  	s0 =	sadd.s32 @p2 $0x280, s31;
	s20 =	sshll.u32 s3, $0x3;
	[sflag:s14] =	ssyncset.done $0x0  }
0xc9: {  	s3 =	simm.s32 @p2 $0x50;
	s21 =	simm.s32 @p2 $0x1400;
	[sflag:s14] =	ssyncadd.s32 $0xFFFFF600  }
0xca: {  	[tilespmem:s21], [sflag:$0x1] =	stream.indirect.gather @p2 [hbm4b:s1+s3], $0x20, s0, s3, $0xb8;
	[tilespmem:$0x1ED20] =	vst v63  }
0xcb: {  	s0 =	sor.u32 $0x2, s20  }
0xcc: {  	_ =	swait.ge [sflag:s15], $0xA00;
	s21 =	smul.u32 $0x140, s0  }
0xcd: {  	[sflag:s15] =	ssyncset.done $0x0  }
0xce: {  	[sflag:s15] =	ssyncadd.s32 $0xFFFFF600;
	s3 =	sshra.s32 s21, $0x2  }
0xcf: {  	v6 =	vld [tilespmem:s3+$0x500];
	_ =	sdelay $0x4  }
0xd0: {  	[tilespmem:$0x64A0] =	vst v6  }
0xd1: {  	v6 =	vld [tilespmem:s3+$0x510];
	_ =	sdelay $0x4  }
0xd2: {  	[tilespmem:$0x64B0] =	vst v6  }
0xd3: {  	v6 =	vld [tilespmem:s3+$0x520];
	_ =	sdelay $0x4  }
0xd4: {  	[tilespmem:$0x64C0] =	vst v6  }
0xd5: {  	v6 =	vld [tilespmem:s3+$0x530];
	_ =	sdelay $0x4  }
0xd6: {  	[tilespmem:$0x64D0] =	vst v6  }
0xd7: {  	v6 =	vld [tilespmem:s3+$0x540];
	_ =	sdelay $0x4  }
0xd8: {  	s21 =	simm.s32 $0x64A0;
	s3 =	simm.s32 $0x2800;
	[tilespmem:$0x64E0] =	vst v6  }
0xd9: {  	[spmem:s4] =	stream.indirect.scatter.add.f32 [tilespmem:s3], [sflag:$0xB], $0x20, s21, s18, $0xb8;
	[tilespmem:$0x1ED20] =	vst v63  }
0xda: {  	p1 =	por p2, p2;
	p2 =	sgt.u32 s0, $0x8;
	_ =	swait.ge [sflag:s13], $0xA00  }
0xdb: {  	s0 =	sadd.s32 @!p2 $0x2D0, s31;
	[sflag:s13] =	ssyncset.done $0x0  }
0xdc: {  	s3 =	simm.s32 @!p2 $0x50;
	s21 =	simm.s32 @!p2 $0x1E00;
	[sflag:s13] =	ssyncadd.s32 $0xFFFFF600  }
0xdd: {  	[tilespmem:s21], [sflag:$0x2] =	stream.indirect.gather @!p2 [hbm4b:s1+s3], $0x20, s0, s3, $0xb8;
	[tilespmem:$0x1ED20] =	vst v63  }
0xde: {  	s0 =	sor.u32 $0x3, s20  }
0xdf: {  	_ =	swait.ge [sflag:s16], $0xA00;
	s21 =	smul.u32 $0x140, s0  }
0xe0: {  	[sflag:s16] =	ssyncset.done $0x0  }
0xe1: {  	[sflag:s16] =	ssyncadd.s32 $0xFFFFF600;
	s3 =	sshra.s32 s21, $0x2  }
0xe2: {  	v6 =	vld [tilespmem:s3+$0x500];
	_ =	sdelay $0x4  }
0xe3: {  	[tilespmem:$0x64F0] =	vst v6  }
0xe4: {  	v6 =	vld [tilespmem:s3+$0x510];
	_ =	sdelay $0x4  }
0xe5: {  	[tilespmem:$0x6500] =	vst v6  }
0xe6: {  	v6 =	vld [tilespmem:s3+$0x520];
	_ =	sdelay $0x4  }
0xe7: {  	[tilespmem:$0x6510] =	vst v6  }
0xe8: {  	v6 =	vld [tilespmem:s3+$0x530];
	_ =	sdelay $0x4  }
0xe9: {  	[tilespmem:$0x6520] =	vst v6  }
0xea: {  	v6 =	vld [tilespmem:s3+$0x540];
	_ =	sdelay $0x4  }
0xeb: {  	s21 =	simm.s32 $0x3200;
	[tilespmem:$0x6530] =	vst v6  }
0xec: {  	[spmem:s4] =	stream.indirect.scatter.add.f32 [tilespmem:s21], [sflag:$0xC], $0x20, s25, s18, $0xb8;
	[tilespmem:$0x1ED20] =	vst v63  }
0xed: {  	p2 =	sgt.u32 s0, $0x8;
	_ =	swait.ge [sflag:s26], $0xA00  }
0xee: {  	s0 =	sadd.s32 @!p2 $0x320, s31;
	[sflag:s26] =	ssyncset.done $0x0  }
0xef: {  	s3 =	simm.s32 @!p2 $0x50;
	s21 =	simm.s32 @!p2 $0x2800;
	[sflag:s26] =	ssyncadd.s32 $0xFFFFF600  }
0xf0: {  	[tilespmem:s21], [sflag:$0x3] =	stream.indirect.gather @!p2 [hbm4b:s1+s3], $0x20, s0, s3, $0xb8;
	[tilespmem:$0x1ED20] =	vst v63  }
0xf1: {  	s0 =	sor.u32 $0x4, s20  }
0xf2: {  	_ =	swait.ge [sflag:s29], $0xA00;
	s21 =	smul.u32 $0x140, s0  }
0xf3: {  	[sflag:s29] =	ssyncset.done $0x0  }
0xf4: {  	[sflag:s29] =	ssyncadd.s32 $0xFFFFF600;
	s3 =	sshra.s32 s21, $0x2  }
0xf5: {  	v6 =	vld [tilespmem:s3+$0x500];
	_ =	sdelay $0x4  }
0xf6: {  	[tilespmem:$0x6540] =	vst v6  }
0xf7: {  	v6 =	vld [tilespmem:s3+$0x510];
	_ =	sdelay $0x4  }
0xf8: {  	[tilespmem:$0x6550] =	vst v6  }
0xf9: {  	v6 =	vld [tilespmem:s3+$0x520];
	_ =	sdelay $0x4  }
0xfa: {  	[tilespmem:$0x6560] =	vst v6  }
0xfb: {  	v6 =	vld [tilespmem:s3+$0x530];
	_ =	sdelay $0x4  }
0xfc: {  	[tilespmem:$0x6570] =	vst v6  }
0xfd: {  	v6 =	vld [tilespmem:s3+$0x540];
	_ =	sdelay $0x4  }
0xfe: {  	s21 =	simm.s32 $0x3C00;
	[tilespmem:$0x6580] =	vst v6  }
0xff: {  	[spmem:s4] =	stream.indirect.scatter.add.f32 [tilespmem:s21], [sflag:$0xD], $0x20, s30, s18, $0xb8;
	[tilespmem:$0x1ED20] =	vst v63  }
0x100: {  	p2 =	sgt.u32 s0, $0x8;
	_ =	swait.ge [sflag:s17], $0xA00  }
0x101: {  	s0 =	sadd.s32 @!p2 $0x370, s31;
	[sflag:s17] =	ssyncset.done $0x0  }
0x102: {  	s3 =	simm.s32 @!p2 $0x50;
	s21 =	simm.s32 @!p2 $0x3200;
	[sflag:s17] =	ssyncadd.s32 $0xFFFFF600  }
0x103: {  	[tilespmem:s21], [sflag:$0x4] =	stream.indirect.gather @!p2 [hbm4b:s1+s3], $0x20, s0, s3, $0xb8;
	[tilespmem:$0x1ED20] =	vst v63  }
0x104: {  	s0 =	sor.u32 $0x5, s20  }
0x105: {  	_ =	swait.ge [sflag:s2], $0xA00;
	s21 =	smul.u32 $0x140, s0  }
0x106: {  	[sflag:s2] =	ssyncset.done $0x0  }
0x107: {  	[sflag:s2] =	ssyncadd.s32 $0xFFFFF600;
	s3 =	sshra.s32 s21, $0x2  }
0x108: {  	v6 =	vld [tilespmem:s3+$0x500];
	_ =	sdelay $0x4  }
0x109: {  	[tilespmem:$0x6590] =	vst v6  }
0x10a: {  	v6 =	vld [tilespmem:s3+$0x510];
	_ =	sdelay $0x4  }
0x10b: {  	[tilespmem:$0x65A0] =	vst v6  }
0x10c: {  	v6 =	vld [tilespmem:s3+$0x520];
	_ =	sdelay $0x4  }
0x10d: {  	[tilespmem:$0x65B0] =	vst v6  }
0x10e: {  	v6 =	vld [tilespmem:s3+$0x530];
	_ =	sdelay $0x4  }
0x10f: {  	[tilespmem:$0x65C0] =	vst v6  }
0x110: {  	v6 =	vld [tilespmem:s3+$0x540];
	_ =	sdelay $0x4  }
0x111: {  	s21 =	simm.s32 $0x4600;
	[tilespmem:$0x65D0] =	vst v6  }
0x112: {  	[spmem:s4] =	stream.indirect.scatter.add.f32 [tilespmem:s21], [sflag:$0xE], $0x20, s5, s18, $0xb8;
	[tilespmem:$0x1ED20] =	vst v63  }
0x113: {  	p2 =	sgt.u32 s0, $0x8;
	_ =	swait.ge [sflag:s7], $0xA00  }
0x114: {  	s0 =	sadd.s32 @!p2 $0x3C0, s31;
	[sflag:s7] =	ssyncset.done $0x0  }
0x115: {  	s3 =	simm.s32 @!p2 $0x50;
	s21 =	simm.s32 @!p2 $0x3C00;
	[sflag:s7] =	ssyncadd.s32 $0xFFFFF600  }
0x116: {  	[tilespmem:s21], [sflag:$0x5] =	stream.indirect.gather @!p2 [hbm4b:s1+s3], $0x20, s0, s3, $0xb8;
	[tilespmem:$0x1ED20] =	vst v63  }
0x117: {  	s0 =	sor.u32 $0x6, s20  }
0x118: {  	_ =	swait.ge [sflag:s11], $0xA00;
	s21 =	smul.u32 $0x140, s0  }
0x119: {  	[sflag:s11] =	ssyncset.done $0x0  }
0x11a: {  	[sflag:s11] =	ssyncadd.s32 $0xFFFFF600;
	s3 =	sshra.s32 s21, $0x2  }
0x11b: {  	v6 =	vld [tilespmem:s3+$0x500];
	_ =	sdelay $0x4  }
0x11c: {  	[tilespmem:$0x65E0] =	vst v6  }
0x11d: {  	v6 =	vld [tilespmem:s3+$0x510];
	_ =	sdelay $0x4  }
0x11e: {  	[tilespmem:$0x65F0] =	vst v6  }
0x11f: {  	v6 =	vld [tilespmem:s3+$0x520];
	_ =	sdelay $0x4  }
0x120: {  	[tilespmem:$0x6600] =	vst v6  }
0x121: {  	v6 =	vld [tilespmem:s3+$0x530];
	_ =	sdelay $0x4  }
0x122: {  	[tilespmem:$0x6610] =	vst v6  }
0x123: {  	v6 =	vld [tilespmem:s3+$0x540];
	_ =	sdelay $0x4  }
0x124: {  	s21 =	simm.s32 $0x5000;
	[tilespmem:$0x6620] =	vst v6  }
0x125: {  	[spmem:s4] =	stream.indirect.scatter.add.f32 [tilespmem:s21], [sflag:$0xF], $0x20, s28, s18, $0xb8;
	[tilespmem:$0x1ED20] =	vst v63  }
0x126: {  	p2 =	sgt.u32 s0, $0x8;
	_ =	swait.ge [sflag:s19], $0xA00  }
0x127: {  	s0 =	sadd.s32 @!p2 $0x410, s31;
	[sflag:s19] =	ssyncset.done $0x0  }
0x128: {  	s3 =	simm.s32 @!p2 $0x50;
	s21 =	simm.s32 @!p2 $0x4600;
	[sflag:s19] =	ssyncadd.s32 $0xFFFFF600  }
0x129: {  	[tilespmem:s21], [sflag:$0x6] =	stream.indirect.gather @!p2 [hbm4b:s1+s3], $0x20, s0, s3, $0xb8;
	[tilespmem:$0x1ED20] =	vst v63  }
0x12a: {  	s0 =	sor.u32 $0x7, s20  }
0x12b: {  	_ =	swait.ge [sflag:s12], $0xA00;
	s20 =	smul.u32 $0x140, s0  }
0x12c: {  	[sflag:s12] =	ssyncset.done $0x0  }
0x12d: {  	[sflag:s12] =	ssyncadd.s32 $0xFFFFF600;
	s3 =	sshra.s32 s20, $0x2  }
0x12e: {  	v6 =	vld [tilespmem:s3+$0x500];
	_ =	sdelay $0x4  }
0x12f: {  	[tilespmem:$0x6630] =	vst v6  }
0x130: {  	v6 =	vld [tilespmem:s3+$0x510];
	_ =	sdelay $0x4  }
0x131: {  	[tilespmem:$0x6640] =	vst v6  }
0x132: {  	v6 =	vld [tilespmem:s3+$0x520];
	_ =	sdelay $0x4  }
0x133: {  	[tilespmem:$0x6650] =	vst v6  }
0x134: {  	v6 =	vld [tilespmem:s3+$0x530];
	_ =	sdelay $0x4  }
0x135: {  	[tilespmem:$0x6660] =	vst v6  }
0x136: {  	v6 =	vld [tilespmem:s3+$0x540];
	_ =	sdelay $0x4  }
0x137: {  	p3 =	por $0x1, $0x1;
	[tilespmem:$0x6670] =	vst v6  }
0x138: {  	[spmem:s4] =	stream.indirect.scatter.add.f32 [tilespmem:s9], [sflag:$0x10], $0x20, s23, s18, $0xb8;
	[tilespmem:$0x1ED20] =	vst v63  }
.Ltmp7:
0x139: {  	p2 =	sgt.u32 s0, $0x8;
	_ =	swait.ge [sflag:s24], $0xA00;
	(pc) =	sbr.rel @p1 .LBB2_8-.Ltmp7, $4  }
0x13a: {  	s21 =	simm.s32 $0x1400;
	s0 =	sadd.s32 @!p2 $0x460, s31;
	[sflag:s24] =	ssyncset.done $0x0  }
0x13b: {  	s20 =	simm.s32 @!p2 $0x5000;
	s3 =	simm.s32 @!p2 $0x50;
	[sflag:s24] =	ssyncadd.s32 $0xFFFFF600  }
0x13c: {  	[tilespmem:s20], [sflag:$0x7] =	stream.indirect.gather @!p2 [hbm4b:s1+s3], $0x20, s0, s3, $0xb8;
	[tilespmem:$0x1ED20] =	vst v63  }
0x13d: {  	s20 =	simm.s32 $0x1E00;
	s3 =	simm.s32 $0x1;
	p2 =	por $0x0, $0x0  }
0x13e: {  	s0 =	simm.s32 $0x10;
	s28 =	simm.s32 $0x2800  }
0x13f: {  	s23 =	simm.s32 $0x3200;
	s25 =	simm.s32 $0x3C00;
	_ =	swait.ge [sflag:s0], $0xA00  }
0x140: {  	s30 =	simm.s32 $0x4600;
	[sflag:s0] =	ssyncset.done $0x0;
	s3 =	rddreg [dreg:$0x11]  }
0x141: {  	s5 =	simm.s32 $0x5000;
	s20 =	rddreg [dreg:$0x12];
	[sflag:s0] =	ssyncadd.s32 $0xFFFFF600  }
.LBB2_10:
0x142: {  	s0 =	rddreg [dreg:$0x9]  }
0x143: {  	p1 =	sge.u32 s20, s0  }
.Ltmp8:
0x144: {  	_ = 	snop;
	(pc) =	sbr.rel @p1 .LBB2_16-.Ltmp8, $1  }
0x145: {  	_ =	sdelay $0x3  }
0x146: {  	s3 =	simm.s32 $0x12  }
0x147: {  	_ =	swait.ge [sflag:s3], $0x500  }
0x148: {  	s0 =	sadd.s32 $0x2, s20;
	[sflag:s3] =	ssyncset.done $0x0  }
0x149: {  	p1 =	sge.u32 s0, s8;
	[sflag:s3] =	ssyncadd.s32 $0xFFFFFB00  }
0x14a: {  	s0 =	smul.u32 @!p1 $0x500, s0;
	_ =	swait.ge [sflag:s3], $0x500  }
0x14b: {  	s20 =	rddreg [dreg:$0x6];
	[sflag:s3] =	ssyncset.done $0x0  }
0x14c: {  	s0 =	sadd.s32 @!p1 s20, s0;
	[sflag:s3] =	ssyncadd.s32 $0xFFFFFB00  }
0x14d: {  	s0 =	sshrl.u32 @!p1 s0, $0x3;
	s3 =	rddreg [dreg:$0x1]  }
0x14e: {  	s20 =	simm.s32 @!p1 $0x0;
	s3 =	sadd.s32 @!p1 s3, s0  }
0x14f: {  	[tilespmem:s20], [sflag:$0x11] =	stream.linear.gather @!p1 [hbm4b:s3+s20], $0x500, $0x38;
	[tilespmem:$0x1ED20] =	vst v63  }
0x150: {  	s3 =	rddreg [dreg:$0x2]  }
0x151: {  	s0 =	sadd.s32 @!p1 s3, s0;
	s3 =	simm.s32 @!p1 $0x500  }
0x152: {  	[tilespmem:s3], [sflag:$0x11] =	stream.linear.gather @!p1 [hbm4b:s0+s20], $0x500, $0x38;
	[tilespmem:$0x1ED20] =	vst v63  }
0x153: {  	s3 =	simm.s32 $0xA20  }
0x154: {  	v6 =	vld [tilespmem:s3+$0xFFFFFFE0];
	_ =	sdelay $0x2  }
0x155: {  	v7 =	vld [tilespmem:s3+$0x0]  }
0x156: {  	v8 =	vld [tilespmem:s3+$0x10]  }
0x157: {  	v9 =	vshll.u32 v6, $0x1;
	v6 =	vld [tilespmem:s3+$0xFFFFFFF0];
	_ =	sdelay $0x2  }
0x158: {  	v7 =	vshll.u32 v7, $0x1;
	v9 =	vor.u32 v5, v9  }
0x159: {  	s22 =	simm.s32 $0xA60;
	s20 =	simm.s32 $0x0;
	v8 =	vshll.u32 v8, $0x1;
	v7 =	vor.u32 v5, v7;
	[tilespmem:s3+$0xFFFFFFE0] =	vst v9  }
.LBB2_12:
0x15a: {  	v9 =	vld [tilespmem:s22+$0xFFFFFFE0];
	v6 =	vshll.u32 v6, $0x1;
	[tilespmem:s3+$0x0] =	vst v7;
	v7 =	vor.u32 v5, v8  }
0x15b: {  	s20 =	sadd.s32 $0x4, s20;
	v8 =	vld [tilespmem:s22+$0x0];
	v6 =	vor.u32 v5, v6;
	[tilespmem:s3+$0x10] =	vst v7  }
0x15c: {  	p1 =	slt.u32 s20, $0x4C;
	v10 =	vld [tilespmem:s22+$0x10];
	[tilespmem:s3+$0xFFFFFFF0] =	vst v6;
	s3 =	smov.u32 s22  }
.Ltmp9:
0x15d: {  	v6 =	vld [tilespmem:s22+$0xFFFFFFF0];
	(pc) =	sbr.rel @p1 .LBB2_12-.Ltmp9, $4  }
0x15e: {  	_ = 	snop  }
0x15f: {  	v7 =	vshll.u32 v9, $0x1  }
0x160: {  	v7 =	vor.u32 v5, v7;
	v8 =	vshll.u32 v8, $0x1  }
0x161: {  	s22 =	sadd.s32 $0x40, s22;
	[tilespmem:s3+$0xFFFFFFE0] =	vst v7;
	v7 =	vor.u32 v5, v8;
	v8 =	vshll.u32 v10, $0x1  }
0x162: {  	v6 =	vshll.u32 v6, $0x1;
	[tilespmem:s3+$0x0] =	vst v7;
	v7 =	vor.u32 v5, v8  }
0x163: {  	v6 =	vor.u32 v5, v6;
	[tilespmem:s3+$0x10] =	vst v7  }
0x164: {  	s0 =	simm.s32 $0xA00;
	[tilespmem:s3+$0xFFFFFFF0] =	vst v6  }
0x165: {  	[tilespmem:s21], [sflag:$0x1] =	stream.indirect.gather [hbm4b:s1+s18], $0x20, s0, s18, $0xb8;
	[tilespmem:$0x1ED20] =	vst v63  }
0x166: {  	s20 =	simm.s32 $0x1E00;
	s31 =	simm.s32 $0xA50  }
0x167: {  	[tilespmem:s20], [sflag:$0x2] =	stream.indirect.gather [hbm4b:s1+s18], $0x20, s31, s18, $0xb8;
	[tilespmem:$0x1ED20] =	vst v63  }
0x168: {  	s3 =	simm.s32 $0xAA0  }
0x169: {  	[tilespmem:s28], [sflag:$0x3] =	stream.indirect.gather [hbm4b:s1+s18], $0x20, s3, s18, $0xb8;
	[tilespmem:$0x1ED20] =	vst v63  }
0x16a: {  	s22 =	simm.s32 $0xAF0  }
0x16b: {  	[tilespmem:s23], [sflag:$0x4] =	stream.indirect.gather [hbm4b:s1+s18], $0x20, s22, s18, $0xb8;
	[tilespmem:$0x1ED20] =	vst v63  }
0x16c: {  	p2 =	por $0x1, $0x1;
	p3 =	por $0x0, $0x0;
	s23 =	simm.s32 $0xB40  }
0x16d: {  	[tilespmem:s25], [sflag:$0x5] =	stream.indirect.gather [hbm4b:s1+s18], $0x20, s23, s18, $0xb8;
	[tilespmem:$0x1ED20] =	vst v63  }
0x16e: {  	s31 =	simm.s32 $0xBE0;
	s3 =	simm.s32 $0x0;
	s25 =	simm.s32 $0xB90  }
0x16f: {  	[tilespmem:s30], [sflag:$0x6] =	stream.indirect.gather [hbm4b:s1+s18], $0x20, s25, s18, $0xb8;
	[tilespmem:$0x1ED20] =	vst v63  }
0x170: {  	s28 =	simm.s32 $0x65E0;
	s22 =	simm.s32 $0x6400;
	s23 =	simm.s32 $0x6630  }
0x171: {  	[tilespmem:s5], [sflag:$0x7] =	stream.indirect.gather [hbm4b:s1+s18], $0x20, s31, s18, $0xb8;
	[tilespmem:$0x1ED20] =	vst v63  }
0x172: {  	s25 =	simm.s32 $0x64F0;
	s30 =	simm.s32 $0x6540;
	s5 =	simm.s32 $0x6590  }
.LBB2_14:
0x173: {  	_ =	swait.ge [sflag:s6], $0xA00;
	s0 =	smul.u32 $0xA00, s3  }
0x174: {  	[sflag:s6] =	ssyncset.done $0x0  }
0x175: {  	[sflag:s6] =	ssyncadd.s32 $0xFFFFF600;
	s31 =	sshra.s32 s0, $0x2  }
0x176: {  	v6 =	vld [tilespmem:s31+$0xF00];
	_ =	sdelay $0x4  }
0x177: {  	[tilespmem:$0x6400] =	vst v6  }
0x178: {  	v6 =	vld [tilespmem:s31+$0xF10];
	_ =	sdelay $0x4  }
0x179: {  	[tilespmem:$0x6410] =	vst v6  }
0x17a: {  	v6 =	vld [tilespmem:s31+$0xF20];
	_ =	sdelay $0x4  }
0x17b: {  	[tilespmem:$0x6420] =	vst v6  }
0x17c: {  	v6 =	vld [tilespmem:s31+$0xF30];
	_ =	sdelay $0x4  }
0x17d: {  	[tilespmem:$0x6430] =	vst v6  }
0x17e: {  	v6 =	vld [tilespmem:s31+$0xF40];
	_ =	sdelay $0x4  }
0x17f: {  	s0 =	simm.s32 @p3 $0x10;
	[tilespmem:$0x6440] =	vst v6  }
0x180: {  	[spmem:s4] =	stream.indirect.scatter.add.f32 [tilespmem:s21], [sflag:$0x9], $0x20, s22, s18, $0xb8;
	[tilespmem:$0x1ED20] =	vst v63  }
0x181: {  	_ =	swait.ge @p3 [sflag:s0], $0xA00  }
0x182: {  	[sflag:s0] =	ssyncset.done @p3 $0x0  }
0x183: {  	s21 =	sadd.s32 $0xC30, s31;
	[sflag:s0] =	ssyncadd.s32 @p3 $0xFFFFF600  }
0x184: {  	[tilespmem:s9], [sflag:$0x8] =	stream.indirect.gather [hbm4b:s1+s18], $0x20, s21, s18, $0xb8;
	[tilespmem:$0x1ED20] =	vst v63  }
0x185: {  	_ =	swait.ge [sflag:s10], $0xA00  }
0x186: {  	[sflag:s10] =	ssyncset.done $0x0  }
0x187: {  	[sflag:s10] =	ssyncadd.s32 $0xFFFFF600  }
0x188: {  	v6 =	vld [tilespmem:s31+$0xF50];
	_ =	sdelay $0x4  }
0x189: {  	[tilespmem:$0x6450] =	vst v6  }
0x18a: {  	v6 =	vld [tilespmem:s31+$0xF60];
	_ =	sdelay $0x4  }
0x18b: {  	[tilespmem:$0x6460] =	vst v6  }
0x18c: {  	v6 =	vld [tilespmem:s31+$0xF70];
	_ =	sdelay $0x4  }
0x18d: {  	[tilespmem:$0x6470] =	vst v6  }
0x18e: {  	v6 =	vld [tilespmem:s31+$0xF80];
	_ =	sdelay $0x4  }
0x18f: {  	[tilespmem:$0x6480] =	vst v6  }
0x190: {  	v6 =	vld [tilespmem:s31+$0xF90];
	_ =	sdelay $0x4  }
0x191: {  	s21 =	simm.s32 $0x6450;
	[tilespmem:$0x6490] =	vst v6  }
0x192: {  	[spmem:s4] =	stream.indirect.scatter.add.f32 [tilespmem:s20], [sflag:$0xA], $0x20, s21, s18, $0xb8;
	[tilespmem:$0x1ED20] =	vst v63  }
0x193: {  	_ =	swait.ge [sflag:s14], $0xA00  }
0x194: {  	s0 =	sadd.s32 @p2 $0xC80, s31;
	s20 =	sshll.u32 s3, $0x3;
	[sflag:s14] =	ssyncset.done $0x0  }
0x195: {  	s3 =	simm.s32 @p2 $0x50;
	s21 =	simm.s32 @p2 $0x1400;
	[sflag:s14] =	ssyncadd.s32 $0xFFFFF600  }
0x196: {  	[tilespmem:s21], [sflag:$0x1] =	stream.indirect.gather @p2 [hbm4b:s1+s3], $0x20, s0, s3, $0xb8;
	[tilespmem:$0x1ED20] =	vst v63  }
0x197: {  	s0 =	sor.u32 $0x2, s20  }
0x198: {  	_ =	swait.ge [sflag:s15], $0xA00;
	s21 =	smul.u32 $0x140, s0  }
0x199: {  	[sflag:s15] =	ssyncset.done $0x0  }
0x19a: {  	[sflag:s15] =	ssyncadd.s32 $0xFFFFF600;
	s3 =	sshra.s32 s21, $0x2  }
0x19b: {  	v6 =	vld [tilespmem:s3+$0xF00];
	_ =	sdelay $0x4  }
0x19c: {  	[tilespmem:$0x64A0] =	vst v6  }
0x19d: {  	v6 =	vld [tilespmem:s3+$0xF10];
	_ =	sdelay $0x4  }
0x19e: {  	[tilespmem:$0x64B0] =	vst v6  }
0x19f: {  	v6 =	vld [tilespmem:s3+$0xF20];
	_ =	sdelay $0x4  }
0x1a0: {  	[tilespmem:$0x64C0] =	vst v6  }
0x1a1: {  	v6 =	vld [tilespmem:s3+$0xF30];
	_ =	sdelay $0x4  }
0x1a2: {  	[tilespmem:$0x64D0] =	vst v6  }
0x1a3: {  	v6 =	vld [tilespmem:s3+$0xF40];
	_ =	sdelay $0x4  }
0x1a4: {  	s21 =	simm.s32 $0x64A0;
	s3 =	simm.s32 $0x2800;
	[tilespmem:$0x64E0] =	vst v6  }
0x1a5: {  	[spmem:s4] =	stream.indirect.scatter.add.f32 [tilespmem:s3], [sflag:$0xB], $0x20, s21, s18, $0xb8;
	[tilespmem:$0x1ED20] =	vst v63  }
0x1a6: {  	p1 =	por p2, p2;
	p2 =	sgt.u32 s0, $0x8;
	_ =	swait.ge [sflag:s13], $0xA00  }
0x1a7: {  	s0 =	sadd.s32 @!p2 $0xCD0, s31;
	[sflag:s13] =	ssyncset.done $0x0  }
0x1a8: {  	s3 =	simm.s32 @!p2 $0x50;
	s21 =	simm.s32 @!p2 $0x1E00;
	[sflag:s13] =	ssyncadd.s32 $0xFFFFF600  }
0x1a9: {  	[tilespmem:s21], [sflag:$0x2] =	stream.indirect.gather @!p2 [hbm4b:s1+s3], $0x20, s0, s3, $0xb8;
	[tilespmem:$0x1ED20] =	vst v63  }
0x1aa: {  	s0 =	sor.u32 $0x3, s20  }
0x1ab: {  	_ =	swait.ge [sflag:s16], $0xA00;
	s21 =	smul.u32 $0x140, s0  }
0x1ac: {  	[sflag:s16] =	ssyncset.done $0x0  }
0x1ad: {  	[sflag:s16] =	ssyncadd.s32 $0xFFFFF600;
	s3 =	sshra.s32 s21, $0x2  }
0x1ae: {  	v6 =	vld [tilespmem:s3+$0xF00];
	_ =	sdelay $0x4  }
0x1af: {  	[tilespmem:$0x64F0] =	vst v6  }
0x1b0: {  	v6 =	vld [tilespmem:s3+$0xF10];
	_ =	sdelay $0x4  }
0x1b1: {  	[tilespmem:$0x6500] =	vst v6  }
0x1b2: {  	v6 =	vld [tilespmem:s3+$0xF20];
	_ =	sdelay $0x4  }
0x1b3: {  	[tilespmem:$0x6510] =	vst v6  }
0x1b4: {  	v6 =	vld [tilespmem:s3+$0xF30];
	_ =	sdelay $0x4  }
0x1b5: {  	[tilespmem:$0x6520] =	vst v6  }
0x1b6: {  	v6 =	vld [tilespmem:s3+$0xF40];
	_ =	sdelay $0x4  }
0x1b7: {  	s21 =	simm.s32 $0x3200;
	[tilespmem:$0x6530] =	vst v6  }
0x1b8: {  	[spmem:s4] =	stream.indirect.scatter.add.f32 [tilespmem:s21], [sflag:$0xC], $0x20, s25, s18, $0xb8;
	[tilespmem:$0x1ED20] =	vst v63  }
0x1b9: {  	p2 =	sgt.u32 s0, $0x8;
	_ =	swait.ge [sflag:s26], $0xA00  }
0x1ba: {  	s0 =	sadd.s32 @!p2 $0xD20, s31;
	[sflag:s26] =	ssyncset.done $0x0  }
0x1bb: {  	s3 =	simm.s32 @!p2 $0x50;
	s21 =	simm.s32 @!p2 $0x2800;
	[sflag:s26] =	ssyncadd.s32 $0xFFFFF600  }
0x1bc: {  	[tilespmem:s21], [sflag:$0x3] =	stream.indirect.gather @!p2 [hbm4b:s1+s3], $0x20, s0, s3, $0xb8;
	[tilespmem:$0x1ED20] =	vst v63  }
0x1bd: {  	s0 =	sor.u32 $0x4, s20  }
0x1be: {  	_ =	swait.ge [sflag:s29], $0xA00;
	s21 =	smul.u32 $0x140, s0  }
0x1bf: {  	[sflag:s29] =	ssyncset.done $0x0  }
0x1c0: {  	[sflag:s29] =	ssyncadd.s32 $0xFFFFF600;
	s3 =	sshra.s32 s21, $0x2  }
0x1c1: {  	v6 =	vld [tilespmem:s3+$0xF00];
	_ =	sdelay $0x4  }
0x1c2: {  	[tilespmem:$0x6540] =	vst v6  }
0x1c3: {  	v6 =	vld [tilespmem:s3+$0xF10];
	_ =	sdelay $0x4  }
0x1c4: {  	[tilespmem:$0x6550] =	vst v6  }
0x1c5: {  	v6 =	vld [tilespmem:s3+$0xF20];
	_ =	sdelay $0x4  }
0x1c6: {  	[tilespmem:$0x6560] =	vst v6  }
0x1c7: {  	v6 =	vld [tilespmem:s3+$0xF30];
	_ =	sdelay $0x4  }
0x1c8: {  	[tilespmem:$0x6570] =	vst v6  }
0x1c9: {  	v6 =	vld [tilespmem:s3+$0xF40];
	_ =	sdelay $0x4  }
0x1ca: {  	s21 =	simm.s32 $0x3C00;
	[tilespmem:$0x6580] =	vst v6  }
0x1cb: {  	[spmem:s4] =	stream.indirect.scatter.add.f32 [tilespmem:s21], [sflag:$0xD], $0x20, s30, s18, $0xb8;
	[tilespmem:$0x1ED20] =	vst v63  }
0x1cc: {  	p2 =	sgt.u32 s0, $0x8;
	_ =	swait.ge [sflag:s17], $0xA00  }
0x1cd: {  	s0 =	sadd.s32 @!p2 $0xD70, s31;
	[sflag:s17] =	ssyncset.done $0x0  }
0x1ce: {  	s3 =	simm.s32 @!p2 $0x50;
	s21 =	simm.s32 @!p2 $0x3200;
	[sflag:s17] =	ssyncadd.s32 $0xFFFFF600  }
0x1cf: {  	[tilespmem:s21], [sflag:$0x4] =	stream.indirect.gather @!p2 [hbm4b:s1+s3], $0x20, s0, s3, $0xb8;
	[tilespmem:$0x1ED20] =	vst v63  }
0x1d0: {  	s0 =	sor.u32 $0x5, s20  }
0x1d1: {  	_ =	swait.ge [sflag:s2], $0xA00;
	s21 =	smul.u32 $0x140, s0  }
0x1d2: {  	[sflag:s2] =	ssyncset.done $0x0  }
0x1d3: {  	[sflag:s2] =	ssyncadd.s32 $0xFFFFF600;
	s3 =	sshra.s32 s21, $0x2  }
0x1d4: {  	v6 =	vld [tilespmem:s3+$0xF00];
	_ =	sdelay $0x4  }
0x1d5: {  	[tilespmem:$0x6590] =	vst v6  }
0x1d6: {  	v6 =	vld [tilespmem:s3+$0xF10];
	_ =	sdelay $0x4  }
0x1d7: {  	[tilespmem:$0x65A0] =	vst v6  }
0x1d8: {  	v6 =	vld [tilespmem:s3+$0xF20];
	_ =	sdelay $0x4  }
0x1d9: {  	[tilespmem:$0x65B0] =	vst v6  }
0x1da: {  	v6 =	vld [tilespmem:s3+$0xF30];
	_ =	sdelay $0x4  }
0x1db: {  	[tilespmem:$0x65C0] =	vst v6  }
0x1dc: {  	v6 =	vld [tilespmem:s3+$0xF40];
	_ =	sdelay $0x4  }
0x1dd: {  	s21 =	simm.s32 $0x4600;
	[tilespmem:$0x65D0] =	vst v6  }
0x1de: {  	[spmem:s4] =	stream.indirect.scatter.add.f32 [tilespmem:s21], [sflag:$0xE], $0x20, s5, s18, $0xb8;
	[tilespmem:$0x1ED20] =	vst v63  }
0x1df: {  	p2 =	sgt.u32 s0, $0x8;
	_ =	swait.ge [sflag:s7], $0xA00  }
0x1e0: {  	s0 =	sadd.s32 @!p2 $0xDC0, s31;
	[sflag:s7] =	ssyncset.done $0x0  }
0x1e1: {  	s3 =	simm.s32 @!p2 $0x50;
	s21 =	simm.s32 @!p2 $0x3C00;
	[sflag:s7] =	ssyncadd.s32 $0xFFFFF600  }
0x1e2: {  	[tilespmem:s21], [sflag:$0x5] =	stream.indirect.gather @!p2 [hbm4b:s1+s3], $0x20, s0, s3, $0xb8;
	[tilespmem:$0x1ED20] =	vst v63  }
0x1e3: {  	s0 =	sor.u32 $0x6, s20  }
0x1e4: {  	_ =	swait.ge [sflag:s11], $0xA00;
	s21 =	smul.u32 $0x140, s0  }
0x1e5: {  	[sflag:s11] =	ssyncset.done $0x0  }
0x1e6: {  	[sflag:s11] =	ssyncadd.s32 $0xFFFFF600;
	s3 =	sshra.s32 s21, $0x2  }
0x1e7: {  	v6 =	vld [tilespmem:s3+$0xF00];
	_ =	sdelay $0x4  }
0x1e8: {  	[tilespmem:$0x65E0] =	vst v6  }
0x1e9: {  	v6 =	vld [tilespmem:s3+$0xF10];
	_ =	sdelay $0x4  }
0x1ea: {  	[tilespmem:$0x65F0] =	vst v6  }
0x1eb: {  	v6 =	vld [tilespmem:s3+$0xF20];
	_ =	sdelay $0x4  }
0x1ec: {  	[tilespmem:$0x6600] =	vst v6  }
0x1ed: {  	v6 =	vld [tilespmem:s3+$0xF30];
	_ =	sdelay $0x4  }
0x1ee: {  	[tilespmem:$0x6610] =	vst v6  }
0x1ef: {  	v6 =	vld [tilespmem:s3+$0xF40];
	_ =	sdelay $0x4  }
0x1f0: {  	s21 =	simm.s32 $0x5000;
	[tilespmem:$0x6620] =	vst v6  }
0x1f1: {  	[spmem:s4] =	stream.indirect.scatter.add.f32 [tilespmem:s21], [sflag:$0xF], $0x20, s28, s18, $0xb8;
	[tilespmem:$0x1ED20] =	vst v63  }
0x1f2: {  	p2 =	sgt.u32 s0, $0x8;
	_ =	swait.ge [sflag:s19], $0xA00  }
0x1f3: {  	s0 =	sadd.s32 @!p2 $0xE10, s31;
	[sflag:s19] =	ssyncset.done $0x0  }
0x1f4: {  	s3 =	simm.s32 @!p2 $0x50;
	s21 =	simm.s32 @!p2 $0x4600;
	[sflag:s19] =	ssyncadd.s32 $0xFFFFF600  }
0x1f5: {  	[tilespmem:s21], [sflag:$0x6] =	stream.indirect.gather @!p2 [hbm4b:s1+s3], $0x20, s0, s3, $0xb8;
	[tilespmem:$0x1ED20] =	vst v63  }
0x1f6: {  	s0 =	sor.u32 $0x7, s20  }
0x1f7: {  	_ =	swait.ge [sflag:s12], $0xA00;
	s20 =	smul.u32 $0x140, s0  }
0x1f8: {  	[sflag:s12] =	ssyncset.done $0x0  }
0x1f9: {  	[sflag:s12] =	ssyncadd.s32 $0xFFFFF600;
	s3 =	sshra.s32 s20, $0x2  }
0x1fa: {  	v6 =	vld [tilespmem:s3+$0xF00];
	_ =	sdelay $0x4  }
0x1fb: {  	[tilespmem:$0x6630] =	vst v6  }
0x1fc: {  	v6 =	vld [tilespmem:s3+$0xF10];
	_ =	sdelay $0x4  }
0x1fd: {  	[tilespmem:$0x6640] =	vst v6  }
0x1fe: {  	v6 =	vld [tilespmem:s3+$0xF20];
	_ =	sdelay $0x4  }
0x1ff: {  	[tilespmem:$0x6650] =	vst v6  }
0x200: {  	v6 =	vld [tilespmem:s3+$0xF30];
	_ =	sdelay $0x4  }
0x201: {  	[tilespmem:$0x6660] =	vst v6  }
0x202: {  	v6 =	vld [tilespmem:s3+$0xF40];
	_ =	sdelay $0x4  }
0x203: {  	p3 =	por $0x1, $0x1;
	[tilespmem:$0x6670] =	vst v6  }
0x204: {  	[spmem:s4] =	stream.indirect.scatter.add.f32 [tilespmem:s9], [sflag:$0x10], $0x20, s23, s18, $0xb8;
	[tilespmem:$0x1ED20] =	vst v63  }
.Ltmp10:
0x205: {  	p2 =	sgt.u32 s0, $0x8;
	_ =	swait.ge [sflag:s24], $0xA00;
	(pc) =	sbr.rel @p1 .LBB2_14-.Ltmp10, $4  }
0x206: {  	s21 =	simm.s32 $0x1400;
	s0 =	sadd.s32 @!p2 $0xE60, s31;
	[sflag:s24] =	ssyncset.done $0x0  }
0x207: {  	s20 =	simm.s32 @!p2 $0x5000;
	s3 =	simm.s32 @!p2 $0x50;
	[sflag:s24] =	ssyncadd.s32 $0xFFFFF600  }
0x208: {  	[tilespmem:s20], [sflag:$0x7] =	stream.indirect.gather @!p2 [hbm4b:s1+s3], $0x20, s0, s3, $0xb8;
	[tilespmem:$0x1ED20] =	vst v63  }
0x209: {  	s20 =	simm.s32 $0x1E00;
	s3 =	simm.s32 $0x1;
	p2 =	por $0x0, $0x0  }
.Ltmp11:
0x20a: {  	(pc) =	sbr.rel .LBB2_16-.Ltmp11, $4  }
0x20b: {  	s0 =	simm.s32 $0x10  }
0x20c: {  	s28 =	simm.s32 $0x2800;
	s23 =	simm.s32 $0x3200;
	_ =	swait.ge [sflag:s0], $0xA00  }
0x20d: {  	s25 =	simm.s32 $0x3C00;
	s30 =	simm.s32 $0x4600;
	[sflag:s0] =	ssyncset.done $0x0  }
0x20e: {  	s5 =	simm.s32 $0x5000;
	s3 =	rddreg [dreg:$0x11];
	[sflag:s0] =	ssyncadd.s32 $0xFFFFF600  }
.LBB2_18:
0x20f: {  	_ =	sfence.sel $0x180000  }
0x210: {  	[bflag:$0x0] =	sbarrier.arrive $0xFFFF  }
0x211: {  	_ =	strace $0x90000047  }
0x212: {  	s0 =	stileid.u32;
	[bflag:$0x2] =	sbarrier.arrive $0xFFFF  }
0x213: {  	p0 =	sne.s32 s0, $0x0;
	s0 =	rddreg [dreg:$0x5]  }
0x214: {  	s0 =	sadd.s32 @!p0 $0x100000, s0  }
0x215: {  	[sflag:s0] =	ssyncadd.tile.s32 @!p0 $0x1;
	_ =	shalt  }
.Lfunc_end2:
_tile_overlayer_lowered:
.L_overlay_start_2:
0x216: {  	(tag) =	ssettag $0x2  }
0x217: {  	s0 =	rddreg [dreg:$0x0];
	s2 =	stileid.u32  }
0x218: {  	s1 =	rddreg [dreg:$0x1];
	p0 =	sne.s32 s2, $0x0  }
0x219: {  	s3 =	rddreg [dreg:$0x2];
	[bflag:$0x3] =	sbarrier.arrive $0xFFFF;
	s2 =	simm.s32 @!p0 $0x1C13  }
0x21a: {  	[timem:s3], [sflag:s2] =	dma.local @!p0 [hbm:s0], s1  }
0x21b: {  	s0 =	simm.s32 @!p0 $0x13  }
0x21c: {  	_ =	swait.ge @!p0 [sflag:s0], s1  }
0x21d: {  	s1 =	ssub.s32 @!p0 $0x0, s1;
	[sflag:s0] =	ssyncset.done @!p0 $0x0  }
0x21e: {  	[sflag:s0] =	ssyncadd.s32 @!p0 s1  }
0x21f: {  	[bflag:$0x3] =	sbarrier.arrive $0xFFFF  }
0x220: {  	_ =	shalt  }

</sc_bundles>
